<compile_context>
chip_gen: v7x
topology: tpu7x:2x2x1
jax: 0.10.2.dev20260603
libtpu: 0.0.44.dev20260713+nightly
codegen_flags: <defaults>
</compile_context>

<pallas_src>
import functools

import jax
import jax.numpy as jnp
from jax import lax
from jax.experimental import pallas as pl
from jax.experimental.pallas import tpu as pltpu
from jax.experimental.pallas import tpu_sc as plsc

N_NODES = 10000
N_PAD = 10240
CHUNK = 128
NC, NS = 2, 16
NW = NC * NS
BLK = 256
GRID = N_PAD // BLK
SLAB = 40


def _make_agg(cc0: int, cc1: int, width: int):
  assert cc0 % SLAB == 0 and cc1 % SLAB == 0 and SLAB % 2 == 0
  n_parts = 1 if cc1 == 0 else NC
  rows_per_tile = N_PAD // NS
  mesh = plsc.VectorSubcoreMesh(core_axis_name="c", subcore_axis_name="s")
  cparams = pltpu.CompilerParams(use_tc_tiling_on_sc=(width % 128 == 0))

  @functools.partial(
      pl.kernel,
      out_type=jax.ShapeDtypeStruct((n_parts, N_PAD, width), jnp.float32),
      mesh=mesh,
      compiler_params=cparams,
      scratch_types=[
          pltpu.VMEM((SLAB, CHUNK), jnp.int32),
          pltpu.VMEM((SLAB, CHUNK), jnp.int32),
          pltpu.VMEM((2, CHUNK, width), jnp.float32),
          pltpu.VMEM_SHARED((N_PAD, width), jnp.float32),
          pltpu.SemaphoreType.DMA,
          pltpu.SemaphoreType.DMA,
          pltpu.SemaphoreType.DMA,
          pltpu.SemaphoreType.DMA,
          pltpu.SemaphoreType.DMA,
      ],
  )
  def agg(h_hbm, src_hbm, dst_hbm, z_hbm, out_hbm, sidx, didx, rows, acc,
          sem_i, sem_g0, sem_g1, sem_s0, sem_s1):
    c = lax.axis_index("c")
    s = lax.axis_index("s")

    def gather(g, b, sem):
      return pltpu.async_copy(h_hbm.at[sidx.at[g]], rows.at[b], sem)

    def scatter(g, b, sem):
      return pltpu.async_copy(rows.at[b], acc.at[didx.at[g]], sem, add=True)

    active = (c == 0) if cc1 == 0 else (c >= 0)

    @pl.when(active)
    def _():
      r0z = s * rows_per_tile
      if width % 16 == 0:
        @pl.loop(0, CHUNK)
        def _(r):
          @pl.loop(0, width, step=16)
          def _(col):
            rows[0, r, pl.ds(col, 16)] = jnp.zeros((16,), jnp.float32)

        @pl.loop(0, rows_per_tile, step=CHUNK)
        def _(k):
          pltpu.sync_copy(rows.at[0], acc.at[pl.ds(r0z + k, CHUNK)])
      else:
        pltpu.sync_copy(z_hbm.at[pl.ds(r0z, rows_per_tile)],
                        acc.at[pl.ds(r0z, rows_per_tile)])
    plsc.subcore_barrier()

    def run(n_slabs, chunk_base):
      for p in range(n_slabs):
        base = chunk_base + p * SLAB
        pltpu.async_copy(src_hbm.at[pl.ds(base, SLAB)], sidx, sem_i).wait()
        pltpu.async_copy(dst_hbm.at[pl.ds(base, SLAB)], didx, sem_i).wait()
        gather(0, 0, sem_g0)

        @pl.loop(0, SLAB, step=2)
        def _(g):
          pltpu.make_async_copy(h_hbm.at[sidx.at[g]], rows.at[0],
                                sem_g0).wait()
          scatter(g, 0, sem_s0)

          @pl.when(g > 0)
          def _():
            pltpu.make_async_copy(rows.at[1], acc.at[didx.at[g]],
                                  sem_s1).wait()

          gather(g + 1, 1, sem_g1)
          pltpu.make_async_copy(h_hbm.at[sidx.at[g]], rows.at[1],
                                sem_g1).wait()
          scatter(g + 1, 1, sem_s1)

          @pl.when(g + 2 < SLAB)
          def _():
            pltpu.make_async_copy(rows.at[0], acc.at[didx.at[g]],
                                  sem_s0).wait()
            gather(g + 2, 0, sem_g0)

        pltpu.make_async_copy(rows.at[0], acc.at[didx.at[0]], sem_s0).wait()
        pltpu.make_async_copy(rows.at[1], acc.at[didx.at[0]], sem_s1).wait()

    @pl.when(c == 0)
    def _():
      run(cc0 // SLAB, s * cc0)

    if cc1 > 0:
      @pl.when(c == 1)
      def _():
        run(cc1 // SLAB, 16 * cc0 + s * cc1)

    plsc.subcore_barrier()

    @pl.when(active)
    def _():
      @pl.loop(0, rows_per_tile, step=CHUNK)
      def _(k):
        r0 = s * rows_per_tile + k
        pltpu.sync_copy(acc.at[pl.ds(r0, CHUNK)],
                        out_hbm.at[c, pl.ds(r0, CHUNK)])

  return agg


def _make_deg(n_per: int):
  mesh = plsc.VectorSubcoreMesh(core_axis_name="c", subcore_axis_name="s")
  cparams = pltpu.CompilerParams(use_tc_tiling_on_sc=False,
                                 needs_layout_passes=False)

  @functools.partial(
      pl.kernel,
      out_type=jax.ShapeDtypeStruct((NW, N_PAD), jnp.float32),
      mesh=mesh,
      compiler_params=cparams,
      scratch_types=[
          pltpu.VMEM((n_per, CHUNK), jnp.int32),
          pltpu.VMEM((N_PAD,), jnp.float32),
          pltpu.SemaphoreType.DMA,
      ],
  )
  def deg(dst_hbm, out_hbm, didx, hist, sem_i):
    c = lax.axis_index("c")
    s = lax.axis_index("s")
    wid = c * NS + s
    cp_idx = pltpu.async_copy(dst_hbm.at[pl.ds(wid * n_per, n_per)], didx,
                              sem_i)

    @pl.loop(0, N_PAD, step=16)
    def _(r):
      hist[pl.ds(r, 16)] = jnp.zeros((16,), jnp.float32)

    cp_idx.wait()
    ones16 = jnp.ones((16,), jnp.float32)

    @pl.loop(0, n_per)
    def _(g):
      @pl.loop(0, CHUNK, step=16)
      def _(k):
        dvec = didx[g, pl.ds(k, 16)]
        plsc.addupdate_scatter(hist, [dvec], ones16)

    pltpu.sync_copy(hist, out_hbm.at[wid])

  return deg


def _tc1a_body(x_ref, w_ref, h_ref):
  h_ref[...] = jnp.dot(x_ref[...], w_ref[...],
                       preferred_element_type=jnp.float32)


def _tc1b_body(h_ref, degp_ref, hh_ref, dinv_ref):
  d = jnp.sum(degp_ref[...], axis=0) + 1.0
  dinv = lax.rsqrt(d)
  hh_ref[...] = h_ref[...] * dinv[:, None]
  dinv_ref[...] = dinv[:, None]


def _tc2_body(agg_ref, hh_ref, dinv_ref, b1_ref, w2_ref, g_ref):
  a = jnp.sum(agg_ref[...], axis=0)
  dinv = dinv_ref[...]
  l1 = (a + hh_ref[...]) * dinv + b1_ref[...]
  l1 = jnp.maximum(l1, 0.0)
  g = jnp.dot(l1, w2_ref[...], preferred_element_type=jnp.float32)
  g_ref[...] = g * dinv


def _tc3_body(agg_ref, g_ref, dinv_ref, b2_ref, out_ref):
  a = jnp.sum(agg_ref[...], axis=0)
  out_ref[...] = (a + g_ref[...]) * dinv_ref[...] + b2_ref[...]


@jax.jit
def kernel(x, edge_index, W1, b1, W2, b2):
  n, f_in = x.shape
  hidden = W1.shape[1]
  ncls = W2.shape[1]
  e = edge_index.shape[1]

  src = edge_index[0].astype(jnp.int32)
  dst = edge_index[1].astype(jnp.int32)

  t_pairs = -(-e // (NS * 2 * SLAB * CHUNK)) * 2 * SLAB
  total_chunks = NS * t_pairs
  e_pad = total_chunks * CHUNK
  src3 = jnp.concatenate(
      [src, jnp.zeros((e_pad - e,), jnp.int32)]).reshape(total_chunks, CHUNK)
  dst3 = jnp.concatenate(
      [dst, jnp.full((e_pad - e,), N_PAD - 1, jnp.int32)]).reshape(
          total_chunks, CHUNK)

  w2_w = 8
  x_pad = jnp.zeros((N_PAD, f_in), jnp.float32).at[:n].set(x)
  w2p = jnp.zeros((hidden, w2_w), jnp.float32).at[:, :ncls].set(W2)
  b1_2d = b1[None, :]
  b2p = jnp.zeros((1, w2_w), jnp.float32).at[0, :ncls].set(b2)
  z_dummy = jnp.zeros((8,), jnp.float32)
  z_narrow = jnp.zeros((N_PAD, w2_w), jnp.float32)

  degp = _make_deg(total_chunks // NW)(dst3)

  h = pl.pallas_call(
      _tc1a_body,
      grid=(GRID,),
      in_specs=[
          pl.BlockSpec((BLK, f_in), lambda i: (i, 0)),
          pl.BlockSpec((f_in, hidden), lambda i: (0, 0)),
      ],
      out_specs=pl.BlockSpec((BLK, hidden), lambda i: (i, 0)),
      out_shape=jax.ShapeDtypeStruct((N_PAD, hidden), jnp.float32),
  )(x_pad, W1)

  hh, dinv = pl.pallas_call(
      _tc1b_body,
      grid=(GRID,),
      in_specs=[
          pl.BlockSpec((BLK, hidden), lambda i: (i, 0)),
          pl.BlockSpec((NW, BLK), lambda i: (0, i)),
      ],
      out_specs=[
          pl.BlockSpec((BLK, hidden), lambda i: (i, 0)),
          pl.BlockSpec((BLK, 1), lambda i: (i, 0)),
      ],
      out_shape=[
          jax.ShapeDtypeStruct((N_PAD, hidden), jnp.float32),
          jax.ShapeDtypeStruct((N_PAD, 1), jnp.float32),
      ],
  )(h, degp)

  agg1 = _make_agg(3 * t_pairs // 4, t_pairs // 4, f_in)(
      hh, src3, dst3, z_dummy)

  g = pl.pallas_call(
      _tc2_body,
      grid=(GRID,),
      in_specs=[
          pl.BlockSpec((NC, BLK, hidden), lambda i: (0, i, 0)),
          pl.BlockSpec((BLK, hidden), lambda i: (i, 0)),
          pl.BlockSpec((BLK, 1), lambda i: (i, 0)),
          pl.BlockSpec((1, hidden), lambda i: (0, 0)),
          pl.BlockSpec((hidden, w2_w), lambda i: (0, 0)),
      ],
      out_specs=pl.BlockSpec((BLK, w2_w), lambda i: (i, 0)),
      out_shape=jax.ShapeDtypeStruct((N_PAD, w2_w), jnp.float32),
  )(agg1, hh, dinv, b1_2d, w2p)

  agg2 = _make_agg(t_pairs // 2, t_pairs // 2, w2_w)(g, src3, dst3, z_narrow)

  out = pl.pallas_call(
      _tc3_body,
      grid=(GRID,),
      in_specs=[
          pl.BlockSpec((NC, BLK, w2_w), lambda i: (0, i, 0)),
          pl.BlockSpec((BLK, w2_w), lambda i: (i, 0)),
          pl.BlockSpec((BLK, 1), lambda i: (i, 0)),
          pl.BlockSpec((1, w2_w), lambda i: (0, 0)),
      ],
      out_specs=pl.BlockSpec((BLK, w2_w), lambda i: (i, 0)),
      out_shape=jax.ShapeDtypeStruct((N_PAD, w2_w), jnp.float32),
  )(agg2, g, dinv, b2p)

  return out[:n, :ncls]

# --- scband reference (transcript-rebuilt; emitter-appended) ---
"""Pipeline reference for scband-cora-gcn-88424786690103 (READ-ONLY COPY).

The authoritative reference and input builder live on the scoring server;
editing this copy changes nothing except your own understanding.
"""

import jax, jax.numpy as jnp
import numpy as np

N_NODES = 10000
N_EDGES = 320000
IN_FEAT = 128
HIDDEN = 128
NUM_CLASSES = 7


def setup_inputs(seed: int = 0) -> dict:
    key = jax.random.key(seed)
    k_x, k_e, k_w1, k_b1, k_w2, k_b2 = jax.random.split(key, 6)
    x = jax.random.normal(k_x, (N_NODES, IN_FEAT), dtype=jnp.float32)
    edge_index = jax.random.randint(k_e, (2, N_EDGES), 0, N_NODES, dtype=jnp.int64)
    # Glorot-style init for GCN weights, zeros for bias (flax default-ish)
    s1 = (6.0 / (IN_FEAT + HIDDEN)) ** 0.5
    W1 = jax.random.uniform(k_w1, (IN_FEAT, HIDDEN), dtype=jnp.float32, minval=-s1, maxval=s1)
    b1 = jnp.zeros((HIDDEN,), dtype=jnp.float32)
    s2 = (6.0 / (HIDDEN + NUM_CLASSES)) ** 0.5
    W2 = jax.random.uniform(k_w2, (HIDDEN, NUM_CLASSES), dtype=jnp.float32, minval=-s2, maxval=s2)
    b2 = jnp.zeros((NUM_CLASSES,), dtype=jnp.float32)
    return {"x": x, "edge_index": edge_index, "W1": W1, "b1": b1, "W2": W2, "b2": b2}


def _gcn_conv(x, src, dst, norm, W, b):
    # linear transform first (out_dim <= in_dim keeps message traffic small)
    h = x @ W
    msg = h[src] * norm[:, None]
    out = jnp.zeros((x.shape[0], h.shape[1]), dtype=h.dtype).at[dst].add(msg)
    return out + b


def _build_norm(edge_index, n_nodes):
    src = edge_index[0]
    dst = edge_index[1]
    loop = jnp.arange(n_nodes, dtype=edge_index.dtype)
    src = jnp.concatenate([src, loop])
    dst = jnp.concatenate([dst, loop])
    ew = jnp.ones(src.shape[0], dtype=jnp.float32)
    deg = jnp.zeros((n_nodes,), dtype=jnp.float32).at[dst].add(ew)
    dinv = jnp.where(deg > 0, jax.lax.rsqrt(jnp.maximum(deg, 1e-12)), 0.0)
    norm = dinv[src] * dinv[dst]
    return src, dst, norm


def reference(x, edge_index, W1, b1, W2, b2):
    # GCNConv with normalize=True, add_self_loops=True, bias=True
    src, dst, norm = _build_norm(edge_index, x.shape[0])
    h = _gcn_conv(x, src, dst, norm, W1, b1)
    h = jax.nn.relu(h)
    # dropout is identity in eval mode
    out = _gcn_conv(h, src, dst, norm, W2, b2)
    return out

if __name__ == "__main__":
    import jax
    _d = setup_inputs()
    print(jax.jit(kernel)(*tuple(_d.values())))

</pallas_src>

<mosaic_0001>
#map = affine_map<(d0, d1) -> (0, 0)>
module attributes {stable_mosaic.version = 14 : i64} {
  func.func @deg(%arg0: i32, %arg1: i32, %arg2: memref<2560x128xi32, #tpu.memory_space<hbm>>, %arg3: memref<32x10240xf32, #tpu.memory_space<hbm>>, %arg4: memref<80x128xi32, #tpu.memory_space<vmem>>, %arg5: memref<10240xf32, #tpu.memory_space<vmem>>, %arg6: memref<!tpu.dma_semaphore, #tpu.memory_space<semaphore_mem>>) attributes {dimension_semantics = [#tpu.dimension_semantics<core_parallel>, #tpu.dimension_semantics<subcore_parallel>], iteration_bounds = array<i64: 2, 16>, scalar_prefetch = 0 : i64, scratch_operands = 3 : i64, tpu.core_type = #tpu.core_type<sc_vector_subcore>, window_params = [{transform_indices = #map}, {transform_indices = #map}]} {
    %mul3A = arith.constant 16 : i32
    %mul3A_0 = arith.muli %arg0, %mul3A : i32
    %add3A = arith.addi %mul3A_0, %arg1 : i32
    %mul3A_1 = arith.constant 80 : i32
    %mul3A_2 = arith.muli %add3A, %mul3A_1 : i32
    %dma_start3A = arith.constant 0 : i32
    %dma_start3A_3 = tpu.memref_slice %arg2[%mul3A_2, %dma_start3A] : memref<2560x128xi32, #tpu.memory_space<hbm>> -> memref<80x128xi32, #tpu.memory_space<hbm>>
    %dma_start3A_4 = arith.constant 0 : i32
    %dma_start3A_5 = tpu.memref_slice %arg2[%mul3A_2, %dma_start3A_4] : memref<2560x128xi32, #tpu.memory_space<hbm>> -> memref<80x128xi32, #tpu.memory_space<hbm>>
    tpu.enqueue_dma source(%dma_start3A_5 : memref<80x128xi32, #tpu.memory_space<hbm>>) target(%arg4 : memref<80x128xi32, #tpu.memory_space<vmem>>) target_semaphore(%arg6 : memref<!tpu.dma_semaphore, #tpu.memory_space<semaphore_mem>>)
    %scan3A = arith.constant 0 : i32
    %scan3A_6 = arith.constant 640 : i32
    %scan3A_7 = arith.addi %scan3A, %scan3A_6 : i32
    %scan3A_8 = arith.constant 1 : i32
    scf.for %scan3A_19 = %scan3A to %scan3A_7 step %scan3A_8  : i32 {
      %mul3A_20 = arith.constant 16 : i32
      %mul3A_21 = arith.muli %scan3A_19, %mul3A_20 : i32
      %add3A_22 = arith.constant 0 : i32
      %add3A_23 = arith.addi %add3A_22, %mul3A_21 : i32
      %broadcast_in_dim3A_24 = arith.constant 0.000000e+00 : f32
      %broadcast_in_dim3A_25 = vector.broadcast %broadcast_in_dim3A_24 : f32 to vector<16xf32>
      %swap3A = arith.index_cast %add3A_23 : i32 to index
      %swap3A_26 = tpu.vector_load %arg5[%swap3A] {strides = array<i32>} : memref<10240xf32, #tpu.memory_space<vmem>>, vector<16xf32>,
      tpu.vector_store %arg5[%swap3A], %broadcast_in_dim3A_25 {strides = array<i32>} : memref<10240xf32, #tpu.memory_space<vmem>>, vector<16xf32>,
    }
    %scan3A_9 = arith.constant 640 : i32
    %dma_wait3A = arith.constant 0 : i32
    %dma_wait3A_10 = tpu.memref_slice %arg2[%mul3A_2, %dma_wait3A] : memref<2560x128xi32, #tpu.memory_space<hbm>> -> memref<80x128xi32, #tpu.memory_space<hbm>>
    %dma_wait3A_11 = arith.constant 0 : i32
    %dma_wait3A_12 = tpu.memref_slice %arg2[%mul3A_2, %dma_wait3A_11] : memref<2560x128xi32, #tpu.memory_space<hbm>> -> memref<80x128xi32, #tpu.memory_space<hbm>>
    tpu.wait_dma2 semaphore(%arg6 : memref<!tpu.dma_semaphore, #tpu.memory_space<semaphore_mem>>) src(%dma_wait3A_12 : memref<80x128xi32, #tpu.memory_space<hbm>>) dst(%arg4 : memref<80x128xi32, #tpu.memory_space<vmem>>)
    %broadcast_in_dim3A = arith.constant 1.000000e+00 : f32
    %broadcast_in_dim3A_13 = vector.broadcast %broadcast_in_dim3A : f32 to vector<16xf32>
    %scan3A_14 = arith.constant 0 : i32
    %scan3A_15 = arith.constant 80 : i32
    %scan3A_16 = arith.addi %scan3A_14, %scan3A_15 : i32
    %scan3A_17 = arith.constant 1 : i32
    scf.for %scan3A_19 = %scan3A_14 to %scan3A_16 step %scan3A_17  : i32 {
      %mul3A_20 = arith.constant 1 : i32
      %mul3A_21 = arith.muli %scan3A_19, %mul3A_20 : i32
      %add3A_22 = arith.constant 0 : i32
      %add3A_23 = arith.addi %add3A_22, %mul3A_21 : i32
      %scan3A_24 = arith.constant 0 : i32
      %scan3A_25 = arith.constant 8 : i32
      %scan3A_26 = arith.addi %scan3A_24, %scan3A_25 : i32
      %scan3A_27 = arith.constant 1 : i32
      scf.for %scan3A_29 = %scan3A_24 to %scan3A_26 step %scan3A_27  : i32 {
        %mul3A_30 = arith.constant 16 : i32
        %mul3A_31 = arith.muli %scan3A_29, %mul3A_30 : i32
        %add3A_32 = arith.constant 0 : i32
        %add3A_33 = arith.addi %add3A_32, %mul3A_31 : i32
        %get3A = arith.index_cast %add3A_23 : i32 to index
        %get3A_34 = arith.index_cast %add3A_33 : i32 to index
        %get3A_35 = tpu.vector_load %arg4[%get3A, %get3A_34] {strides = array<i32>} : memref<80x128xi32, #tpu.memory_space<vmem>>, vector<16xi32>,
        tpu.vector_store_idx %arg5[%get3A_35], %broadcast_in_dim3A_13 {add = true} : memref<10240xf32, #tpu.memory_space<vmem>>[vector<16xi32>], vector<16xf32>,
      }
      %scan3A_28 = arith.constant 8 : i32
    }
    %scan3A_18 = arith.constant 80 : i32
    "tpu.region"() ({
      %run_scoped3A = tpu.sem_alloc : memref<!tpu.dma_semaphore, #tpu.memory_space<semaphore_mem>>
      %dma_start3A_19 = arith.constant 0 : i32
      %dma_start3A_20 = tpu.memref_slice %arg3[%add3A, %dma_start3A_19] : memref<32x10240xf32, #tpu.memory_space<hbm>> -> memref<1x10240xf32, #tpu.memory_space<hbm>>
      %dma_start3A_21 = tpu.memref_squeeze %dma_start3A_20 : memref<1x10240xf32, #tpu.memory_space<hbm>> -> memref<10240xf32, #tpu.memory_space<hbm>>
      %dma_start3A_22 = arith.constant 0 : i32
      %dma_start3A_23 = tpu.memref_slice %arg3[%add3A, %dma_start3A_22] : memref<32x10240xf32, #tpu.memory_space<hbm>> -> memref<1x10240xf32, #tpu.memory_space<hbm>>
      %dma_start3A_24 = tpu.memref_squeeze %dma_start3A_23 : memref<1x10240xf32, #tpu.memory_space<hbm>> -> memref<10240xf32, #tpu.memory_space<hbm>>
      tpu.enqueue_dma source(%arg5 : memref<10240xf32, #tpu.memory_space<vmem>>) target(%dma_start3A_24 : memref<10240xf32, #tpu.memory_space<hbm>>) target_semaphore(%run_scoped3A : memref<!tpu.dma_semaphore, #tpu.memory_space<semaphore_mem>>)
      %dma_wait3A_25 = arith.constant 0 : i32
      %dma_wait3A_26 = tpu.memref_slice %arg3[%add3A, %dma_wait3A_25] : memref<32x10240xf32, #tpu.memory_space<hbm>> -> memref<1x10240xf32, #tpu.memory_space<hbm>>
      %dma_wait3A_27 = tpu.memref_squeeze %dma_wait3A_26 : memref<1x10240xf32, #tpu.memory_space<hbm>> -> memref<10240xf32, #tpu.memory_space<hbm>>
      %dma_wait3A_28 = arith.constant 0 : i32
      %dma_wait3A_29 = tpu.memref_slice %arg3[%add3A, %dma_wait3A_28] : memref<32x10240xf32, #tpu.memory_space<hbm>> -> memref<1x10240xf32, #tpu.memory_space<hbm>>
      %dma_wait3A_30 = tpu.memref_squeeze %dma_wait3A_29 : memref<1x10240xf32, #tpu.memory_space<hbm>> -> memref<10240xf32, #tpu.memory_space<hbm>>
      tpu.wait_dma2 semaphore(%run_scoped3A : memref<!tpu.dma_semaphore, #tpu.memory_space<semaphore_mem>>) src(%arg5 : memref<10240xf32, #tpu.memory_space<vmem>>) dst(%dma_wait3A_30 : memref<10240xf32, #tpu.memory_space<hbm>>)
      tpu.yield
    }) : () -> ()
    return
  }
}

#map = affine_map<(d0, d1) -> (0, 0)>
#map1 = affine_map<(d0, d1) -> (0)>
#map2 = affine_map<(d0, d1) -> (0, 0, 0)>
module attributes {stable_mosaic.version = 14 : i64} {
  func.func @agg(%arg0: i32, %arg1: i32, %arg2: memref<10240x128xf32, #tpu.memory_space<hbm>>, %arg3: memref<2560x128xi32, #tpu.memory_space<hbm>>, %arg4: memref<2560x128xi32, #tpu.memory_space<hbm>>, %arg5: memref<8xf32, #tpu.memory_space<hbm>>, %arg6: memref<2x10240x128xf32, #tpu.memory_space<hbm>>, %arg7: memref<40x128xi32, #tpu.memory_space<vmem>>, %arg8: memref<40x128xi32, #tpu.memory_space<vmem>>, %arg9: memref<2x128x128xf32, #tpu.memory_space<vmem>>, %arg10: memref<10240x128xf32, #tpu.memory_space<vmem_shared>>, %arg11: memref<!tpu.dma_semaphore, #tpu.memory_space<semaphore_mem>>, %arg12: memref<!tpu.dma_semaphore, #tpu.memory_space<semaphore_mem>>, %arg13: memref<!tpu.dma_semaphore, #tpu.memory_space<semaphore_mem>>, %arg14: memref<!tpu.dma_semaphore, #tpu.memory_space<semaphore_mem>>, %arg15: memref<!tpu.dma_semaphore, #tpu.memory_space<semaphore_mem>>) attributes {dimension_semantics = [#tpu.dimension_semantics<core_parallel>, #tpu.dimension_semantics<subcore_parallel>], iteration_bounds = array<i64: 2, 16>, scalar_prefetch = 0 : i64, scratch_operands = 9 : i64, tpu.core_type = #tpu.core_type<sc_vector_subcore>, window_params = [{transform_indices = #map}, {transform_indices = #map}, {transform_indices = #map}, {transform_indices = #map1}, {transform_indices = #map2}]} {
    %ge3A = arith.constant 0 : i32
    %ge3A_0 = arith.cmpi sge, %arg0, %ge3A : i32
    %convert_element_type3A = arith.extui %ge3A_0 : i1 to i32
    %cond3A = arith.constant 0 : i32
    %cond3A_1 = arith.cmpi ne, %convert_element_type3A, %cond3A : i32
    scf.if %cond3A_1 {
      %mul3A = arith.constant 640 : i32
      %mul3A_15 = arith.muli %arg1, %mul3A : i32
      %scan3A = arith.constant 0 : i32
      %scan3A_16 = arith.constant 128 : i32
      %scan3A_17 = arith.addi %scan3A, %scan3A_16 : i32
      %scan3A_18 = arith.constant 1 : i32
      scf.for %scan3A_25 = %scan3A to %scan3A_17 step %scan3A_18  : i32 {
        %mul3A_26 = arith.constant 1 : i32
        %mul3A_27 = arith.muli %scan3A_25, %mul3A_26 : i32
        %add3A = arith.constant 0 : i32
        %add3A_28 = arith.addi %add3A, %mul3A_27 : i32
        %scan3A_29 = arith.constant 0 : i32
        %scan3A_30 = arith.constant 8 : i32
        %scan3A_31 = arith.addi %scan3A_29, %scan3A_30 : i32
        %scan3A_32 = arith.constant 1 : i32
        scf.for %scan3A_34 = %scan3A_29 to %scan3A_31 step %scan3A_32  : i32 {
          %mul3A_35 = arith.constant 16 : i32
          %mul3A_36 = arith.muli %scan3A_34, %mul3A_35 : i32
          %add3A_37 = arith.constant 0 : i32
          %add3A_38 = arith.addi %add3A_37, %mul3A_36 : i32
          %broadcast_in_dim3A = arith.constant 0.000000e+00 : f32
          %broadcast_in_dim3A_39 = vector.broadcast %broadcast_in_dim3A : f32 to vector<16xf32>
          %swap3A = arith.constant 0 : i32
          %swap3A_40 = arith.index_cast %swap3A : i32 to index
          %swap3A_41 = arith.index_cast %add3A_28 : i32 to index
          %swap3A_42 = arith.index_cast %add3A_38 : i32 to index
          %swap3A_43 = tpu.vector_load %arg9[%swap3A_40, %swap3A_41, %swap3A_42] {strides = array<i32>} : memref<2x128x128xf32, #tpu.memory_space<vmem>>, vector<1x1x16xf32>,
          %swap3A_44 = vector.shape_cast %swap3A_43 : vector<1x1x16xf32> to vector<16xf32>
          %swap3A_45 = vector.shape_cast %broadcast_in_dim3A_39 : vector<16xf32> to vector<1x1x16xf32>
          tpu.vector_store %arg9[%swap3A_40, %swap3A_41, %swap3A_42], %swap3A_45 {strides = array<i32>} : memref<2x128x128xf32, #tpu.memory_space<vmem>>, vector<1x1x16xf32>,
        }
        %scan3A_33 = arith.constant 8 : i32
      }
      %scan3A_19 = arith.constant 128 : i32
      %scan3A_20 = arith.constant 0 : i32
      %scan3A_21 = arith.constant 5 : i32
      %scan3A_22 = arith.addi %scan3A_20, %scan3A_21 : i32
      %scan3A_23 = arith.constant 1 : i32
      scf.for %scan3A_25 = %scan3A_20 to %scan3A_22 step %scan3A_23  : i32 {
        %mul3A_26 = arith.constant 128 : i32
        %mul3A_27 = arith.muli %scan3A_25, %mul3A_26 : i32
        %add3A = arith.constant 0 : i32
        %add3A_28 = arith.addi %add3A, %mul3A_27 : i32
        %add3A_29 = arith.addi %mul3A_15, %add3A_28 : i32
        %run_scoped3A = arith.constant 0 : i32
        "tpu.region"() ({
          %run_scoped3A_30 = tpu.sem_alloc : memref<!tpu.dma_semaphore, #tpu.memory_space<semaphore_mem>>
          %dma_start3A = arith.constant 0 : i32
          %dma_start3A_31 = arith.constant 0 : i32
          %dma_start3A_32 = tpu.memref_slice %arg9[%run_scoped3A, %dma_start3A, %dma_start3A_31] : memref<2x128x128xf32, #tpu.memory_space<vmem>> -> memref<1x128x128xf32, #tpu.memory_space<vmem>>
          %dma_start3A_33 = tpu.memref_squeeze %dma_start3A_32 : memref<1x128x128xf32, #tpu.memory_space<vmem>> -> memref<128x128xf32, #tpu.memory_space<vmem>>
          %dma_start3A_34 = arith.constant 0 : i32
          %dma_start3A_35 = tpu.memref_slice %arg10[%add3A_29, %dma_start3A_34] : memref<10240x128xf32, #tpu.memory_space<vmem_shared>> -> memref<128x128xf32, #tpu.memory_space<vmem_shared>>
          %dma_start3A_36 = arith.constant 0 : i32
          %dma_start3A_37 = tpu.memref_slice %arg10[%add3A_29, %dma_start3A_36] : memref<10240x128xf32, #tpu.memory_space<vmem_shared>> -> memref<128x128xf32, #tpu.memory_space<vmem_shared>>
          %dma_start3A_38 = arith.constant 0 : i32
          %dma_start3A_39 = arith.constant 0 : i32
          %dma_start3A_40 = tpu.memref_slice %arg9[%run_scoped3A, %dma_start3A_38, %dma_start3A_39] : memref<2x128x128xf32, #tpu.memory_space<vmem>> -> memref<1x128x128xf32, #tpu.memory_space<vmem>>
          %dma_start3A_41 = tpu.memref_squeeze %dma_start3A_40 : memref<1x128x128xf32, #tpu.memory_space<vmem>> -> memref<128x128xf32, #tpu.memory_space<vmem>>
          tpu.enqueue_dma source(%dma_start3A_41 : memref<128x128xf32, #tpu.memory_space<vmem>>) target(%dma_start3A_37 : memref<128x128xf32, #tpu.memory_space<vmem_shared>>) target_semaphore(%run_scoped3A_30 : memref<!tpu.dma_semaphore, #tpu.memory_space<semaphore_mem>>)
          %dma_wait3A = arith.constant 0 : i32
          %dma_wait3A_42 = arith.constant 0 : i32
          %dma_wait3A_43 = tpu.memref_slice %arg9[%run_scoped3A, %dma_wait3A, %dma_wait3A_42] : memref<2x128x128xf32, #tpu.memory_space<vmem>> -> memref<1x128x128xf32, #tpu.memory_space<vmem>>
          %dma_wait3A_44 = tpu.memref_squeeze %dma_wait3A_43 : memref<1x128x128xf32, #tpu.memory_space<vmem>> -> memref<128x128xf32, #tpu.memory_space<vmem>>
          %dma_wait3A_45 = arith.constant 0 : i32
          %dma_wait3A_46 = tpu.memref_slice %arg10[%add3A_29, %dma_wait3A_45] : memref<10240x128xf32, #tpu.memory_space<vmem_shared>> -> memref<128x128xf32, #tpu.memory_space<vmem_shared>>
          %dma_wait3A_47 = arith.constant 0 : i32
          %dma_wait3A_48 = tpu.memref_slice %arg10[%add3A_29, %dma_wait3A_47] : memref<10240x128xf32, #tpu.memory_space<vmem_shared>> -> memref<128x128xf32, #tpu.memory_space<vmem_shared>>
          %dma_wait3A_49 = arith.constant 0 : i32
          %dma_wait3A_50 = arith.constant 0 : i32
          %dma_wait3A_51 = tpu.memref_slice %arg9[%run_scoped3A, %dma_wait3A_49, %dma_wait3A_50] : memref<2x128x128xf32, #tpu.memory_space<vmem>> -> memref<1x128x128xf32, #tpu.memory_space<vmem>>
          %dma_wait3A_52 = tpu.memref_squeeze %dma_wait3A_51 : memref<1x128x128xf32, #tpu.memory_space<vmem>> -> memref<128x128xf32, #tpu.memory_space<vmem>>
          tpu.wait_dma2 semaphore(%run_scoped3A_30 : memref<!tpu.dma_semaphore, #tpu.memory_space<semaphore_mem>>) src(%dma_wait3A_52 : memref<128x128xf32, #tpu.memory_space<vmem>>) dst(%dma_wait3A_48 : memref<128x128xf32, #tpu.memory_space<vmem_shared>>)
          tpu.yield
        }) : () -> ()
      }
      %scan3A_24 = arith.constant 5 : i32
    } else {
    }
    %barrier3A = arith.constant 0 : index
    tpu.barrier barrier_id(%barrier3A)
    %eq3A = arith.constant 0 : i32
    %eq3A_2 = arith.cmpi eq, %arg0, %eq3A : i32
    %convert_element_type3A_3 = arith.extui %eq3A_2 : i1 to i32
    %cond3A_4 = arith.constant 0 : i32
    %cond3A_5 = arith.cmpi ne, %convert_element_type3A_3, %cond3A_4 : i32
    scf.if %cond3A_5 {
      %mul3A = arith.constant 120 : i32
      %mul3A_15 = arith.muli %arg1, %mul3A : i32
      %add3A = arith.constant 0 : i32
      %add3A_16 = arith.addi %mul3A_15, %add3A : i32
      %dma_start3A = arith.constant 0 : i32
      %dma_start3A_17 = tpu.memref_slice %arg3[%add3A_16, %dma_start3A] : memref<2560x128xi32, #tpu.memory_space<hbm>> -> memref<40x128xi32, #tpu.memory_space<hbm>>
      %dma_start3A_18 = arith.constant 0 : i32
      %dma_start3A_19 = tpu.memref_slice %arg3[%add3A_16, %dma_start3A_18] : memref<2560x128xi32, #tpu.memory_space<hbm>> -> memref<40x128xi32, #tpu.memory_space<hbm>>
      tpu.enqueue_dma source(%dma_start3A_19 : memref<40x128xi32, #tpu.memory_space<hbm>>) target(%arg7 : memref<40x128xi32, #tpu.memory_space<vmem>>) target_semaphore(%arg11 : memref<!tpu.dma_semaphore, #tpu.memory_space<semaphore_mem>>)
      %dma_wait3A = arith.constant 0 : i32
      %dma_wait3A_20 = tpu.memref_slice %arg3[%add3A_16, %dma_wait3A] : memref<2560x128xi32, #tpu.memory_space<hbm>> -> memref<40x128xi32, #tpu.memory_space<hbm>>
      %dma_wait3A_21 = arith.constant 0 : i32
      %dma_wait3A_22 = tpu.memref_slice %arg3[%add3A_16, %dma_wait3A_21] : memref<2560x128xi32, #tpu.memory_space<hbm>> -> memref<40x128xi32, #tpu.memory_space<hbm>>
      tpu.wait_dma2 semaphore(%arg11 : memref<!tpu.dma_semaphore, #tpu.memory_space<semaphore_mem>>) src(%dma_wait3A_22 : memref<40x128xi32, #tpu.memory_space<hbm>>) dst(%arg7 : memref<40x128xi32, #tpu.memory_space<vmem>>)
      %dma_start3A_23 = arith.constant 0 : i32
      %dma_start3A_24 = tpu.memref_slice %arg4[%add3A_16, %dma_start3A_23] : memref<2560x128xi32, #tpu.memory_space<hbm>> -> memref<40x128xi32, #tpu.memory_space<hbm>>
      %dma_start3A_25 = arith.constant 0 : i32
      %dma_start3A_26 = tpu.memref_slice %arg4[%add3A_16, %dma_start3A_25] : memref<2560x128xi32, #tpu.memory_space<hbm>> -> memref<40x128xi32, #tpu.memory_space<hbm>>
      tpu.enqueue_dma source(%dma_start3A_26 : memref<40x128xi32, #tpu.memory_space<hbm>>) target(%arg8 : memref<40x128xi32, #tpu.memory_space<vmem>>) target_semaphore(%arg11 : memref<!tpu.dma_semaphore, #tpu.memory_space<semaphore_mem>>)
      %dma_wait3A_27 = arith.constant 0 : i32
      %dma_wait3A_28 = tpu.memref_slice %arg4[%add3A_16, %dma_wait3A_27] : memref<2560x128xi32, #tpu.memory_space<hbm>> -> memref<40x128xi32, #tpu.memory_space<hbm>>
      %dma_wait3A_29 = arith.constant 0 : i32
      %dma_wait3A_30 = tpu.memref_slice %arg4[%add3A_16, %dma_wait3A_29] : memref<2560x128xi32, #tpu.memory_space<hbm>> -> memref<40x128xi32, #tpu.memory_space<hbm>>
      tpu.wait_dma2 semaphore(%arg11 : memref<!tpu.dma_semaphore, #tpu.memory_space<semaphore_mem>>) src(%dma_wait3A_30 : memref<40x128xi32, #tpu.memory_space<hbm>>) dst(%arg8 : memref<40x128xi32, #tpu.memory_space<vmem>>)
      %dma_start3A_31 = arith.constant 0 : i32
      %dma_start3A_32 = arith.constant 0 : i32
      %dma_start3A_33 = arith.constant 0 : i32
      %dma_start3A_34 = arith.constant 0 : i32
      %dma_start3A_35 = tpu.memref_slice %arg9[%dma_start3A_32, %dma_start3A_33, %dma_start3A_34] : memref<2x128x128xf32, #tpu.memory_space<vmem>> -> memref<1x128x128xf32, #tpu.memory_space<vmem>>
      %dma_start3A_36 = tpu.memref_squeeze %dma_start3A_35 : memref<1x128x128xf32, #tpu.memory_space<vmem>> -> memref<128x128xf32, #tpu.memory_space<vmem>>
      %dma_start3A_37 = arith.constant 0 : i32
      %dma_start3A_38 = tpu.memref_slice %arg7[%dma_start3A_31, %dma_start3A_37] : memref<40x128xi32, #tpu.memory_space<vmem>> -> memref<1x128xi32, #tpu.memory_space<vmem>>
      %dma_start3A_39 = tpu.memref_squeeze %dma_start3A_38 : memref<1x128xi32, #tpu.memory_space<vmem>> -> memref<128xi32, #tpu.memory_space<vmem>>
      %dma_start3A_40 = arith.constant 0 : i32
      %dma_start3A_41 = arith.constant 0 : i32
      %dma_start3A_42 = tpu.memref_slice %arg2[%dma_start3A_40, %dma_start3A_41] : memref<10240x128xf32, #tpu.memory_space<hbm>> -> memref<10240x128xf32, #tpu.memory_space<hbm>>
      tpu.enqueue_indirect_dma source(%dma_start3A_42 : memref<10240x128xf32, #tpu.memory_space<hbm>>) target(%dma_start3A_36 : memref<128x128xf32, #tpu.memory_space<vmem>>) offsets(%dma_start3A_39 : memref<128xi32, #tpu.memory_space<vmem>>) semaphore(%arg12 : memref<!tpu.dma_semaphore, #tpu.memory_space<semaphore_mem>>)
      %scan3A = arith.constant 0 : i32
      %scan3A_43 = arith.constant 20 : i32
      %scan3A_44 = arith.addi %scan3A, %scan3A_43 : i32
      %scan3A_45 = arith.constant 1 : i32
      scf.for %scan3A_189 = %scan3A to %scan3A_44 step %scan3A_45  : i32 {
        %mul3A_190 = arith.constant 2 : i32
        %mul3A_191 = arith.muli %scan3A_189, %mul3A_190 : i32
        %add3A_192 = arith.constant 0 : i32
        %add3A_193 = arith.addi %add3A_192, %mul3A_191 : i32
        %dma_wait3A_194 = arith.constant 0 : i32
        %dma_wait3A_195 = arith.constant 0 : i32
        %dma_wait3A_196 = arith.constant 0 : i32
        %dma_wait3A_197 = tpu.memref_slice %arg9[%dma_wait3A_194, %dma_wait3A_195, %dma_wait3A_196] : memref<2x128x128xf32, #tpu.memory_space<vmem>> -> memref<1x128x128xf32, #tpu.memory_space<vmem>>
        %dma_wait3A_198 = tpu.memref_squeeze %dma_wait3A_197 : memref<1x128x128xf32, #tpu.memory_space<vmem>> -> memref<128x128xf32, #tpu.memory_space<vmem>>
        %dma_wait3A_199 = arith.constant 0 : i32
        %dma_wait3A_200 = tpu.memref_slice %arg7[%add3A_193, %dma_wait3A_199] : memref<40x128xi32, #tpu.memory_space<vmem>> -> memref<1x128xi32, #tpu.memory_space<vmem>>
        %dma_wait3A_201 = tpu.memref_squeeze %dma_wait3A_200 : memref<1x128xi32, #tpu.memory_space<vmem>> -> memref<128xi32, #tpu.memory_space<vmem>>
        %dma_wait3A_202 = arith.constant 0 : i32
        %dma_wait3A_203 = arith.constant 0 : i32
        %dma_wait3A_204 = tpu.memref_slice %arg2[%dma_wait3A_202, %dma_wait3A_203] : memref<10240x128xf32, #tpu.memory_space<hbm>> -> memref<10240x128xf32, #tpu.memory_space<hbm>>
        tpu.wait_indirect_dma semaphore(%arg12 : memref<!tpu.dma_semaphore, #tpu.memory_space<semaphore_mem>>) src(%dma_wait3A_204 : memref<10240x128xf32, #tpu.memory_space<hbm>>) dst(%dma_wait3A_198 : memref<128x128xf32, #tpu.memory_space<vmem>>)
        %dma_start3A_205 = arith.constant 0 : i32
        %dma_start3A_206 = arith.constant 0 : i32
        %dma_start3A_207 = arith.constant 0 : i32
        %dma_start3A_208 = tpu.memref_slice %arg9[%dma_start3A_205, %dma_start3A_206, %dma_start3A_207] : memref<2x128x128xf32, #tpu.memory_space<vmem>> -> memref<1x128x128xf32, #tpu.memory_space<vmem>>
        %dma_start3A_209 = tpu.memref_squeeze %dma_start3A_208 : memref<1x128x128xf32, #tpu.memory_space<vmem>> -> memref<128x128xf32, #tpu.memory_space<vmem>>
        %dma_start3A_210 = arith.constant 0 : i32
        %dma_start3A_211 = tpu.memref_slice %arg8[%add3A_193, %dma_start3A_210] : memref<40x128xi32, #tpu.memory_space<vmem>> -> memref<1x128xi32, #tpu.memory_space<vmem>>
        %dma_start3A_212 = tpu.memref_squeeze %dma_start3A_211 : memref<1x128xi32, #tpu.memory_space<vmem>> -> memref<128xi32, #tpu.memory_space<vmem>>
        %dma_start3A_213 = arith.constant 0 : i32
        %dma_start3A_214 = arith.constant 0 : i32
        %dma_start3A_215 = tpu.memref_slice %arg10[%dma_start3A_213, %dma_start3A_214] : memref<10240x128xf32, #tpu.memory_space<vmem_shared>> -> memref<10240x128xf32, #tpu.memory_space<vmem_shared>>
        tpu.enqueue_indirect_dma source(%dma_start3A_209 : memref<128x128xf32, #tpu.memory_space<vmem>>) target(%dma_start3A_215 : memref<10240x128xf32, #tpu.memory_space<vmem_shared>>) offsets(%dma_start3A_212 : memref<128xi32, #tpu.memory_space<vmem>>) semaphore(%arg14 : memref<!tpu.dma_semaphore, #tpu.memory_space<semaphore_mem>>) {add = true}
        %gt3A = arith.constant 0 : i32
        %gt3A_216 = arith.cmpi sgt, %add3A_193, %gt3A : i32
        %convert_element_type3A_217 = arith.extui %gt3A_216 : i1 to i32
        %cond3A_218 = arith.constant 0 : i32
        %cond3A_219 = arith.cmpi ne, %convert_element_type3A_217, %cond3A_218 : i32
        scf.if %cond3A_219 {
          %dma_wait3A_263 = arith.constant 1 : i32
          %dma_wait3A_264 = arith.constant 0 : i32
          %dma_wait3A_265 = arith.constant 0 : i32
          %dma_wait3A_266 = tpu.memref_slice %arg9[%dma_wait3A_263, %dma_wait3A_264, %dma_wait3A_265] : memref<2x128x128xf32, #tpu.memory_space<vmem>> -> memref<1x128x128xf32, #tpu.memory_space<vmem>>
          %dma_wait3A_267 = tpu.memref_squeeze %dma_wait3A_266 : memref<1x128x128xf32, #tpu.memory_space<vmem>> -> memref<128x128xf32, #tpu.memory_space<vmem>>
          %dma_wait3A_268 = arith.constant 0 : i32
          %dma_wait3A_269 = tpu.memref_slice %arg8[%add3A_193, %dma_wait3A_268] : memref<40x128xi32, #tpu.memory_space<vmem>> -> memref<1x128xi32, #tpu.memory_space<vmem>>
          %dma_wait3A_270 = tpu.memref_squeeze %dma_wait3A_269 : memref<1x128xi32, #tpu.memory_space<vmem>> -> memref<128xi32, #tpu.memory_space<vmem>>
          %dma_wait3A_271 = arith.constant 0 : i32
          %dma_wait3A_272 = arith.constant 0 : i32
          %dma_wait3A_273 = tpu.memref_slice %arg10[%dma_wait3A_271, %dma_wait3A_272] : memref<10240x128xf32, #tpu.memory_space<vmem_shared>> -> memref<10240x128xf32, #tpu.memory_space<vmem_shared>>
          tpu.wait_indirect_dma semaphore(%arg15 : memref<!tpu.dma_semaphore, #tpu.memory_space<semaphore_mem>>) src(%dma_wait3A_267 : memref<128x128xf32, #tpu.memory_space<vmem>>) dst(%dma_wait3A_273 : memref<10240x128xf32, #tpu.memory_space<vmem_shared>>)
        } else {
        }
        %add3A_220 = arith.constant 1 : i32
        %add3A_221 = arith.addi %add3A_193, %add3A_220 : i32
        %dma_start3A_222 = arith.constant 1 : i32
        %dma_start3A_223 = arith.constant 0 : i32
        %dma_start3A_224 = arith.constant 0 : i32
        %dma_start3A_225 = tpu.memref_slice %arg9[%dma_start3A_222, %dma_start3A_223, %dma_start3A_224] : memref<2x128x128xf32, #tpu.memory_space<vmem>> -> memref<1x128x128xf32, #tpu.memory_space<vmem>>
        %dma_start3A_226 = tpu.memref_squeeze %dma_start3A_225 : memref<1x128x128xf32, #tpu.memory_space<vmem>> -> memref<128x128xf32, #tpu.memory_space<vmem>>
        %dma_start3A_227 = arith.constant 0 : i32
        %dma_start3A_228 = tpu.memref_slice %arg7[%add3A_221, %dma_start3A_227] : memref<40x128xi32, #tpu.memory_space<vmem>> -> memref<1x128xi32, #tpu.memory_space<vmem>>
        %dma_start3A_229 = tpu.memref_squeeze %dma_start3A_228 : memref<1x128xi32, #tpu.memory_space<vmem>> -> memref<128xi32, #tpu.memory_space<vmem>>
        %dma_start3A_230 = arith.constant 0 : i32
        %dma_start3A_231 = arith.constant 0 : i32
        %dma_start3A_232 = tpu.memref_slice %arg2[%dma_start3A_230, %dma_start3A_231] : memref<10240x128xf32, #tpu.memory_space<hbm>> -> memref<10240x128xf32, #tpu.memory_space<hbm>>
        tpu.enqueue_indirect_dma source(%dma_start3A_232 : memref<10240x128xf32, #tpu.memory_space<hbm>>) target(%dma_start3A_226 : memref<128x128xf32, #tpu.memory_space<vmem>>) offsets(%dma_start3A_229 : memref<128xi32, #tpu.memory_space<vmem>>) semaphore(%arg13 : memref<!tpu.dma_semaphore, #tpu.memory_space<semaphore_mem>>)
        %dma_wait3A_233 = arith.constant 1 : i32
        %dma_wait3A_234 = arith.constant 0 : i32
        %dma_wait3A_235 = arith.constant 0 : i32
        %dma_wait3A_236 = tpu.memref_slice %arg9[%dma_wait3A_233, %dma_wait3A_234, %dma_wait3A_235] : memref<2x128x128xf32, #tpu.memory_space<vmem>> -> memref<1x128x128xf32, #tpu.memory_space<vmem>>
        %dma_wait3A_237 = tpu.memref_squeeze %dma_wait3A_236 : memref<1x128x128xf32, #tpu.memory_space<vmem>> -> memref<128x128xf32, #tpu.memory_space<vmem>>
        %dma_wait3A_238 = arith.constant 0 : i32
        %dma_wait3A_239 = tpu.memref_slice %arg7[%add3A_193, %dma_wait3A_238] : memref<40x128xi32, #tpu.memory_space<vmem>> -> memref<1x128xi32, #tpu.memory_space<vmem>>
        %dma_wait3A_240 = tpu.memref_squeeze %dma_wait3A_239 : memref<1x128xi32, #tpu.memory_space<vmem>> -> memref<128xi32, #tpu.memory_space<vmem>>
        %dma_wait3A_241 = arith.constant 0 : i32
        %dma_wait3A_242 = arith.constant 0 : i32
        %dma_wait3A_243 = tpu.memref_slice %arg2[%dma_wait3A_241, %dma_wait3A_242] : memref<10240x128xf32, #tpu.memory_space<hbm>> -> memref<10240x128xf32, #tpu.memory_space<hbm>>
        tpu.wait_indirect_dma semaphore(%arg13 : memref<!tpu.dma_semaphore, #tpu.memory_space<semaphore_mem>>) src(%dma_wait3A_243 : memref<10240x128xf32, #tpu.memory_space<hbm>>) dst(%dma_wait3A_237 : memref<128x128xf32, #tpu.memory_space<vmem>>)
        %add3A_244 = arith.constant 1 : i32
        %add3A_245 = arith.addi %add3A_193, %add3A_244 : i32
        %dma_start3A_246 = arith.constant 1 : i32
        %dma_start3A_247 = arith.constant 0 : i32
        %dma_start3A_248 = arith.constant 0 : i32
        %dma_start3A_249 = tpu.memref_slice %arg9[%dma_start3A_246, %dma_start3A_247, %dma_start3A_248] : memref<2x128x128xf32, #tpu.memory_space<vmem>> -> memref<1x128x128xf32, #tpu.memory_space<vmem>>
        %dma_start3A_250 = tpu.memref_squeeze %dma_start3A_249 : memref<1x128x128xf32, #tpu.memory_space<vmem>> -> memref<128x128xf32, #tpu.memory_space<vmem>>
        %dma_start3A_251 = arith.constant 0 : i32
        %dma_start3A_252 = tpu.memref_slice %arg8[%add3A_245, %dma_start3A_251] : memref<40x128xi32, #tpu.memory_space<vmem>> -> memref<1x128xi32, #tpu.memory_space<vmem>>
        %dma_start3A_253 = tpu.memref_squeeze %dma_start3A_252 : memref<1x128xi32, #tpu.memory_space<vmem>> -> memref<128xi32, #tpu.memory_space<vmem>>
        %dma_start3A_254 = arith.constant 0 : i32
        %dma_start3A_255 = arith.constant 0 : i32
        %dma_start3A_256 = tpu.memref_slice %arg10[%dma_start3A_254, %dma_start3A_255] : memref<10240x128xf32, #tpu.memory_space<vmem_shared>> -> memref<10240x128xf32, #tpu.memory_space<vmem_shared>>
        tpu.enqueue_indirect_dma source(%dma_start3A_250 : memref<128x128xf32, #tpu.memory_space<vmem>>) target(%dma_start3A_256 : memref<10240x128xf32, #tpu.memory_space<vmem_shared>>) offsets(%dma_start3A_253 : memref<128xi32, #tpu.memory_space<vmem>>) semaphore(%arg15 : memref<!tpu.dma_semaphore, #tpu.memory_space<semaphore_mem>>) {add = true}
        %add3A_257 = arith.constant 2 : i32
        %add3A_258 = arith.addi %add3A_193, %add3A_257 : i32
        %lt3A = arith.constant 40 : i32
        %lt3A_259 = arith.cmpi slt, %add3A_258, %lt3A : i32
        %convert_element_type3A_260 = arith.extui %lt3A_259 : i1 to i32
        %cond3A_261 = arith.constant 0 : i32
        %cond3A_262 = arith.cmpi ne, %convert_element_type3A_260, %cond3A_261 : i32
        scf.if %cond3A_262 {
          %dma_wait3A_263 = arith.constant 0 : i32
          %dma_wait3A_264 = arith.constant 0 : i32
          %dma_wait3A_265 = arith.constant 0 : i32
          %dma_wait3A_266 = tpu.memref_slice %arg9[%dma_wait3A_263, %dma_wait3A_264, %dma_wait3A_265] : memref<2x128x128xf32, #tpu.memory_space<vmem>> -> memref<1x128x128xf32, #tpu.memory_space<vmem>>
          %dma_wait3A_267 = tpu.memref_squeeze %dma_wait3A_266 : memref<1x128x128xf32, #tpu.memory_space<vmem>> -> memref<128x128xf32, #tpu.memory_space<vmem>>
          %dma_wait3A_268 = arith.constant 0 : i32
          %dma_wait3A_269 = tpu.memref_slice %arg8[%add3A_193, %dma_wait3A_268] : memref<40x128xi32, #tpu.memory_space<vmem>> -> memref<1x128xi32, #tpu.memory_space<vmem>>
          %dma_wait3A_270 = tpu.memref_squeeze %dma_wait3A_269 : memref<1x128xi32, #tpu.memory_space<vmem>> -> memref<128xi32, #tpu.memory_space<vmem>>
          %dma_wait3A_271 = arith.constant 0 : i32
          %dma_wait3A_272 = arith.constant 0 : i32
          %dma_wait3A_273 = tpu.memref_slice %arg10[%dma_wait3A_271, %dma_wait3A_272] : memref<10240x128xf32, #tpu.memory_space<vmem_shared>> -> memref<10240x128xf32, #tpu.memory_space<vmem_shared>>
          tpu.wait_indirect_dma semaphore(%arg14 : memref<!tpu.dma_semaphore, #tpu.memory_space<semaphore_mem>>) src(%dma_wait3A_267 : memref<128x128xf32, #tpu.memory_space<vmem>>) dst(%dma_wait3A_273 : memref<10240x128xf32, #tpu.memory_space<vmem_shared>>)
          %add3A_274 = arith.constant 2 : i32
          %add3A_275 = arith.addi %add3A_193, %add3A_274 : i32
          %dma_start3A_276 = arith.constant 0 : i32
          %dma_start3A_277 = arith.constant 0 : i32
          %dma_start3A_278 = arith.constant 0 : i32
          %dma_start3A_279 = tpu.memref_slice %arg9[%dma_start3A_276, %dma_start3A_277, %dma_start3A_278] : memref<2x128x128xf32, #tpu.memory_space<vmem>> -> memref<1x128x128xf32, #tpu.memory_space<vmem>>
          %dma_start3A_280 = tpu.memref_squeeze %dma_start3A_279 : memref<1x128x128xf32, #tpu.memory_space<vmem>> -> memref<128x128xf32, #tpu.memory_space<vmem>>
          %dma_start3A_281 = arith.constant 0 : i32
          %dma_start3A_282 = tpu.memref_slice %arg7[%add3A_275, %dma_start3A_281] : memref<40x128xi32, #tpu.memory_space<vmem>> -> memref<1x128xi32, #tpu.memory_space<vmem>>
          %dma_start3A_283 = tpu.memref_squeeze %dma_start3A_282 : memref<1x128xi32, #tpu.memory_space<vmem>> -> memref<128xi32, #tpu.memory_space<vmem>>
          %dma_start3A_284 = arith.constant 0 : i32
          %dma_start3A_285 = arith.constant 0 : i32
          %dma_start3A_286 = tpu.memref_slice %arg2[%dma_start3A_284, %dma_start3A_285] : memref<10240x128xf32, #tpu.memory_space<hbm>> -> memref<10240x128xf32, #tpu.memory_space<hbm>>
          tpu.enqueue_indirect_dma source(%dma_start3A_286 : memref<10240x128xf32, #tpu.memory_space<hbm>>) target(%dma_start3A_280 : memref<128x128xf32, #tpu.memory_space<vmem>>) offsets(%dma_start3A_283 : memref<128xi32, #tpu.memory_space<vmem>>) semaphore(%arg12 : memref<!tpu.dma_semaphore, #tpu.memory_space<semaphore_mem>>)
        } else {
        }
      }
      %scan3A_46 = arith.constant 20 : i32
      %dma_wait3A_47 = arith.constant 0 : i32
      %dma_wait3A_48 = arith.constant 0 : i32
      %dma_wait3A_49 = arith.constant 0 : i32
      %dma_wait3A_50 = arith.constant 0 : i32
      %dma_wait3A_51 = tpu.memref_slice %arg9[%dma_wait3A_47, %dma_wait3A_49, %dma_wait3A_50] : memref<2x128x128xf32, #tpu.memory_space<vmem>> -> memref<1x128x128xf32, #tpu.memory_space<vmem>>
      %dma_wait3A_52 = tpu.memref_squeeze %dma_wait3A_51 : memref<1x128x128xf32, #tpu.memory_space<vmem>> -> memref<128x128xf32, #tpu.memory_space<vmem>>
      %dma_wait3A_53 = arith.constant 0 : i32
      %dma_wait3A_54 = tpu.memref_slice %arg8[%dma_wait3A_48, %dma_wait3A_53] : memref<40x128xi32, #tpu.memory_space<vmem>> -> memref<1x128xi32, #tpu.memory_space<vmem>>
      %dma_wait3A_55 = tpu.memref_squeeze %dma_wait3A_54 : memref<1x128xi32, #tpu.memory_space<vmem>> -> memref<128xi32, #tpu.memory_space<vmem>>
      %dma_wait3A_56 = arith.constant 0 : i32
      %dma_wait3A_57 = arith.constant 0 : i32
      %dma_wait3A_58 = tpu.memref_slice %arg10[%dma_wait3A_56, %dma_wait3A_57] : memref<10240x128xf32, #tpu.memory_space<vmem_shared>> -> memref<10240x128xf32, #tpu.memory_space<vmem_shared>>
      tpu.wait_indirect_dma semaphore(%arg14 : memref<!tpu.dma_semaphore, #tpu.memory_space<semaphore_mem>>) src(%dma_wait3A_52 : memref<128x128xf32, #tpu.memory_space<vmem>>) dst(%dma_wait3A_58 : memref<10240x128xf32, #tpu.memory_space<vmem_shared>>)
      %dma_wait3A_59 = arith.constant 1 : i32
      %dma_wait3A_60 = arith.constant 0 : i32
      %dma_wait3A_61 = arith.constant 0 : i32
      %dma_wait3A_62 = arith.constant 0 : i32
      %dma_wait3A_63 = tpu.memref_slice %arg9[%dma_wait3A_59, %dma_wait3A_61, %dma_wait3A_62] : memref<2x128x128xf32, #tpu.memory_space<vmem>> -> memref<1x128x128xf32, #tpu.memory_space<vmem>>
      %dma_wait3A_64 = tpu.memref_squeeze %dma_wait3A_63 : memref<1x128x128xf32, #tpu.memory_space<vmem>> -> memref<128x128xf32, #tpu.memory_space<vmem>>
      %dma_wait3A_65 = arith.constant 0 : i32
      %dma_wait3A_66 = tpu.memref_slice %arg8[%dma_wait3A_60, %dma_wait3A_65] : memref<40x128xi32, #tpu.memory_space<vmem>> -> memref<1x128xi32, #tpu.memory_space<vmem>>
      %dma_wait3A_67 = tpu.memref_squeeze %dma_wait3A_66 : memref<1x128xi32, #tpu.memory_space<vmem>> -> memref<128xi32, #tpu.memory_space<vmem>>
      %dma_wait3A_68 = arith.constant 0 : i32
      %dma_wait3A_69 = arith.constant 0 : i32
      %dma_wait3A_70 = tpu.memref_slice %arg10[%dma_wait3A_68, %dma_wait3A_69] : memref<10240x128xf32, #tpu.memory_space<vmem_shared>> -> memref<10240x128xf32, #tpu.memory_space<vmem_shared>>
      tpu.wait_indirect_dma semaphore(%arg15 : memref<!tpu.dma_semaphore, #tpu.memory_space<semaphore_mem>>) src(%dma_wait3A_64 : memref<128x128xf32, #tpu.memory_space<vmem>>) dst(%dma_wait3A_70 : memref<10240x128xf32, #tpu.memory_space<vmem_shared>>)
      %add3A_71 = arith.constant 40 : i32
      %add3A_72 = arith.addi %mul3A_15, %add3A_71 : i32
      %dma_start3A_73 = arith.constant 0 : i32
      %dma_start3A_74 = tpu.memref_slice %arg3[%add3A_72, %dma_start3A_73] : memref<2560x128xi32, #tpu.memory_space<hbm>> -> memref<40x128xi32, #tpu.memory_space<hbm>>
      %dma_start3A_75 = arith.constant 0 : i32
      %dma_start3A_76 = tpu.memref_slice %arg3[%add3A_72, %dma_start3A_75] : memref<2560x128xi32, #tpu.memory_space<hbm>> -> memref<40x128xi32, #tpu.memory_space<hbm>>
      tpu.enqueue_dma source(%dma_start3A_76 : memref<40x128xi32, #tpu.memory_space<hbm>>) target(%arg7 : memref<40x128xi32, #tpu.memory_space<vmem>>) target_semaphore(%arg11 : memref<!tpu.dma_semaphore, #tpu.memory_space<semaphore_mem>>)
      %dma_wait3A_77 = arith.constant 0 : i32
      %dma_wait3A_78 = tpu.memref_slice %arg3[%add3A_72, %dma_wait3A_77] : memref<2560x128xi32, #tpu.memory_space<hbm>> -> memref<40x128xi32, #tpu.memory_space<hbm>>
      %dma_wait3A_79 = arith.constant 0 : i32
      %dma_wait3A_80 = tpu.memref_slice %arg3[%add3A_72, %dma_wait3A_79] : memref<2560x128xi32, #tpu.memory_space<hbm>> -> memref<40x128xi32, #tpu.memory_space<hbm>>
      tpu.wait_dma2 semaphore(%arg11 : memref<!tpu.dma_semaphore, #tpu.memory_space<semaphore_mem>>) src(%dma_wait3A_80 : memref<40x128xi32, #tpu.memory_space<hbm>>) dst(%arg7 : memref<40x128xi32, #tpu.memory_space<vmem>>)
      %dma_start3A_81 = arith.constant 0 : i32
      %dma_start3A_82 = tpu.memref_slice %arg4[%add3A_72, %dma_start3A_81] : memref<2560x128xi32, #tpu.memory_space<hbm>> -> memref<40x128xi32, #tpu.memory_space<hbm>>
      %dma_start3A_83 = arith.constant 0 : i32
      %dma_start3A_84 = tpu.memref_slice %arg4[%add3A_72, %dma_start3A_83] : memref<2560x128xi32, #tpu.memory_space<hbm>> -> memref<40x128xi32, #tpu.memory_space<hbm>>
      tpu.enqueue_dma source(%dma_start3A_84 : memref<40x128xi32, #tpu.memory_space<hbm>>) target(%arg8 : memref<40x128xi32, #tpu.memory_space<vmem>>) target_semaphore(%arg11 : memref<!tpu.dma_semaphore, #tpu.memory_space<semaphore_mem>>)
      %dma_wait3A_85 = arith.constant 0 : i32
      %dma_wait3A_86 = tpu.memref_slice %arg4[%add3A_72, %dma_wait3A_85] : memref<2560x128xi32, #tpu.memory_space<hbm>> -> memref<40x128xi32, #tpu.memory_space<hbm>>
      %dma_wait3A_87 = arith.constant 0 : i32
      %dma_wait3A_88 = tpu.memref_slice %arg4[%add3A_72, %dma_wait3A_87] : memref<2560x128xi32, #tpu.memory_space<hbm>> -> memref<40x128xi32, #tpu.memory_space<hbm>>
      tpu.wait_dma2 semaphore(%arg11 : memref<!tpu.dma_semaphore, #tpu.memory_space<semaphore_mem>>) src(%dma_wait3A_88 : memref<40x128xi32, #tpu.memory_space<hbm>>) dst(%arg8 : memref<40x128xi32, #tpu.memory_space<vmem>>)
      %dma_start3A_89 = arith.constant 0 : i32
      %dma_start3A_90 = arith.constant 0 : i32
      %dma_start3A_91 = arith.constant 0 : i32
      %dma_start3A_92 = arith.constant 0 : i32
      %dma_start3A_93 = tpu.memref_slice %arg9[%dma_start3A_90, %dma_start3A_91, %dma_start3A_92] : memref<2x128x128xf32, #tpu.memory_space<vmem>> -> memref<1x128x128xf32, #tpu.memory_space<vmem>>
      %dma_start3A_94 = tpu.memref_squeeze %dma_start3A_93 : memref<1x128x128xf32, #tpu.memory_space<vmem>> -> memref<128x128xf32, #tpu.memory_space<vmem>>
      %dma_start3A_95 = arith.constant 0 : i32
      %dma_start3A_96 = tpu.memref_slice %arg7[%dma_start3A_89, %dma_start3A_95] : memref<40x128xi32, #tpu.memory_space<vmem>> -> memref<1x128xi32, #tpu.memory_space<vmem>>
      %dma_start3A_97 = tpu.memref_squeeze %dma_start3A_96 : memref<1x128xi32, #tpu.memory_space<vmem>> -> memref<128xi32, #tpu.memory_space<vmem>>
      %dma_start3A_98 = arith.constant 0 : i32
      %dma_start3A_99 = arith.constant 0 : i32
      %dma_start3A_100 = tpu.memref_slice %arg2[%dma_start3A_98, %dma_start3A_99] : memref<10240x128xf32, #tpu.memory_space<hbm>> -> memref<10240x128xf32, #tpu.memory_space<hbm>>
      tpu.enqueue_indirect_dma source(%dma_start3A_100 : memref<10240x128xf32, #tpu.memory_space<hbm>>) target(%dma_start3A_94 : memref<128x128xf32, #tpu.memory_space<vmem>>) offsets(%dma_start3A_97 : memref<128xi32, #tpu.memory_space<vmem>>) semaphore(%arg12 : memref<!tpu.dma_semaphore, #tpu.memory_space<semaphore_mem>>)
      %scan3A_101 = arith.constant 0 : i32
      %scan3A_102 = arith.constant 20 : i32
      %scan3A_103 = arith.addi %scan3A_101, %scan3A_102 : i32
      %scan3A_104 = arith.constant 1 : i32
      scf.for %scan3A_189 = %scan3A_101 to %scan3A_103 step %scan3A_104  : i32 {
        %mul3A_190 = arith.constant 2 : i32
        %mul3A_191 = arith.muli %scan3A_189, %mul3A_190 : i32
        %add3A_192 = arith.constant 0 : i32
        %add3A_193 = arith.addi %add3A_192, %mul3A_191 : i32
        %dma_wait3A_194 = arith.constant 0 : i32
        %dma_wait3A_195 = arith.constant 0 : i32
        %dma_wait3A_196 = arith.constant 0 : i32
        %dma_wait3A_197 = tpu.memref_slice %arg9[%dma_wait3A_194, %dma_wait3A_195, %dma_wait3A_196] : memref<2x128x128xf32, #tpu.memory_space<vmem>> -> memref<1x128x128xf32, #tpu.memory_space<vmem>>
        %dma_wait3A_198 = tpu.memref_squeeze %dma_wait3A_197 : memref<1x128x128xf32, #tpu.memory_space<vmem>> -> memref<128x128xf32, #tpu.memory_space<vmem>>
        %dma_wait3A_199 = arith.constant 0 : i32
        %dma_wait3A_200 = tpu.memref_slice %arg7[%add3A_193, %dma_wait3A_199] : memref<40x128xi32, #tpu.memory_space<vmem>> -> memref<1x128xi32, #tpu.memory_space<vmem>>
        %dma_wait3A_201 = tpu.memref_squeeze %dma_wait3A_200 : memref<1x128xi32, #tpu.memory_space<vmem>> -> memref<128xi32, #tpu.memory_space<vmem>>
        %dma_wait3A_202 = arith.constant 0 : i32
        %dma_wait3A_203 = arith.constant 0 : i32
        %dma_wait3A_204 = tpu.memref_slice %arg2[%dma_wait3A_202, %dma_wait3A_203] : memref<10240x128xf32, #tpu.memory_space<hbm>> -> memref<10240x128xf32, #tpu.memory_space<hbm>>
        tpu.wait_indirect_dma semaphore(%arg12 : memref<!tpu.dma_semaphore, #tpu.memory_space<semaphore_mem>>) src(%dma_wait3A_204 : memref<10240x128xf32, #tpu.memory_space<hbm>>) dst(%dma_wait3A_198 : memref<128x128xf32, #tpu.memory_space<vmem>>)
        %dma_start3A_205 = arith.constant 0 : i32
        %dma_start3A_206 = arith.constant 0 : i32
        %dma_start3A_207 = arith.constant 0 : i32
        %dma_start3A_208 = tpu.memref_slice %arg9[%dma_start3A_205, %dma_start3A_206, %dma_start3A_207] : memref<2x128x128xf32, #tpu.memory_space<vmem>> -> memref<1x128x128xf32, #tpu.memory_space<vmem>>
        %dma_start3A_209 = tpu.memref_squeeze %dma_start3A_208 : memref<1x128x128xf32, #tpu.memory_space<vmem>> -> memref<128x128xf32, #tpu.memory_space<vmem>>
        %dma_start3A_210 = arith.constant 0 : i32
        %dma_start3A_211 = tpu.memref_slice %arg8[%add3A_193, %dma_start3A_210] : memref<40x128xi32, #tpu.memory_space<vmem>> -> memref<1x128xi32, #tpu.memory_space<vmem>>
        %dma_start3A_212 = tpu.memref_squeeze %dma_start3A_211 : memref<1x128xi32, #tpu.memory_space<vmem>> -> memref<128xi32, #tpu.memory_space<vmem>>
        %dma_start3A_213 = arith.constant 0 : i32
        %dma_start3A_214 = arith.constant 0 : i32
        %dma_start3A_215 = tpu.memref_slice %arg10[%dma_start3A_213, %dma_start3A_214] : memref<10240x128xf32, #tpu.memory_space<vmem_shared>> -> memref<10240x128xf32, #tpu.memory_space<vmem_shared>>
        tpu.enqueue_indirect_dma source(%dma_start3A_209 : memref<128x128xf32, #tpu.memory_space<vmem>>) target(%dma_start3A_215 : memref<10240x128xf32, #tpu.memory_space<vmem_shared>>) offsets(%dma_start3A_212 : memref<128xi32, #tpu.memory_space<vmem>>) semaphore(%arg14 : memref<!tpu.dma_semaphore, #tpu.memory_space<semaphore_mem>>) {add = true}
        %gt3A = arith.constant 0 : i32
        %gt3A_216 = arith.cmpi sgt, %add3A_193, %gt3A : i32
        %convert_element_type3A_217 = arith.extui %gt3A_216 : i1 to i32
        %cond3A_218 = arith.constant 0 : i32
        %cond3A_219 = arith.cmpi ne, %convert_element_type3A_217, %cond3A_218 : i32
        scf.if %cond3A_219 {
          %dma_wait3A_263 = arith.constant 1 : i32
          %dma_wait3A_264 = arith.constant 0 : i32
          %dma_wait3A_265 = arith.constant 0 : i32
          %dma_wait3A_266 = tpu.memref_slice %arg9[%dma_wait3A_263, %dma_wait3A_264, %dma_wait3A_265] : memref<2x128x128xf32, #tpu.memory_space<vmem>> -> memref<1x128x128xf32, #tpu.memory_space<vmem>>
          %dma_wait3A_267 = tpu.memref_squeeze %dma_wait3A_266 : memref<1x128x128xf32, #tpu.memory_space<vmem>> -> memref<128x128xf32, #tpu.memory_space<vmem>>
          %dma_wait3A_268 = arith.constant 0 : i32
          %dma_wait3A_269 = tpu.memref_slice %arg8[%add3A_193, %dma_wait3A_268] : memref<40x128xi32, #tpu.memory_space<vmem>> -> memref<1x128xi32, #tpu.memory_space<vmem>>
          %dma_wait3A_270 = tpu.memref_squeeze %dma_wait3A_269 : memref<1x128xi32, #tpu.memory_space<vmem>> -> memref<128xi32, #tpu.memory_space<vmem>>
          %dma_wait3A_271 = arith.constant 0 : i32
          %dma_wait3A_272 = arith.constant 0 : i32
          %dma_wait3A_273 = tpu.memref_slice %arg10[%dma_wait3A_271, %dma_wait3A_272] : memref<10240x128xf32, #tpu.memory_space<vmem_shared>> -> memref<10240x128xf32, #tpu.memory_space<vmem_shared>>
          tpu.wait_indirect_dma semaphore(%arg15 : memref<!tpu.dma_semaphore, #tpu.memory_space<semaphore_mem>>) src(%dma_wait3A_267 : memref<128x128xf32, #tpu.memory_space<vmem>>) dst(%dma_wait3A_273 : memref<10240x128xf32, #tpu.memory_space<vmem_shared>>)
        } else {
        }
        %add3A_220 = arith.constant 1 : i32
        %add3A_221 = arith.addi %add3A_193, %add3A_220 : i32
        %dma_start3A_222 = arith.constant 1 : i32
        %dma_start3A_223 = arith.constant 0 : i32
        %dma_start3A_224 = arith.constant 0 : i32
        %dma_start3A_225 = tpu.memref_slice %arg9[%dma_start3A_222, %dma_start3A_223, %dma_start3A_224] : memref<2x128x128xf32, #tpu.memory_space<vmem>> -> memref<1x128x128xf32, #tpu.memory_space<vmem>>
        %dma_start3A_226 = tpu.memref_squeeze %dma_start3A_225 : memref<1x128x128xf32, #tpu.memory_space<vmem>> -> memref<128x128xf32, #tpu.memory_space<vmem>>
        %dma_start3A_227 = arith.constant 0 : i32
        %dma_start3A_228 = tpu.memref_slice %arg7[%add3A_221, %dma_start3A_227] : memref<40x128xi32, #tpu.memory_space<vmem>> -> memref<1x128xi32, #tpu.memory_space<vmem>>
        %dma_start3A_229 = tpu.memref_squeeze %dma_start3A_228 : memref<1x128xi32, #tpu.memory_space<vmem>> -> memref<128xi32, #tpu.memory_space<vmem>>
        %dma_start3A_230 = arith.constant 0 : i32
        %dma_start3A_231 = arith.constant 0 : i32
        %dma_start3A_232 = tpu.memref_slice %arg2[%dma_start3A_230, %dma_start3A_231] : memref<10240x128xf32, #tpu.memory_space<hbm>> -> memref<10240x128xf32, #tpu.memory_space<hbm>>
        tpu.enqueue_indirect_dma source(%dma_start3A_232 : memref<10240x128xf32, #tpu.memory_space<hbm>>) target(%dma_start3A_226 : memref<128x128xf32, #tpu.memory_space<vmem>>) offsets(%dma_start3A_229 : memref<128xi32, #tpu.memory_space<vmem>>) semaphore(%arg13 : memref<!tpu.dma_semaphore, #tpu.memory_space<semaphore_mem>>)
        %dma_wait3A_233 = arith.constant 1 : i32
        %dma_wait3A_234 = arith.constant 0 : i32
        %dma_wait3A_235 = arith.constant 0 : i32
        %dma_wait3A_236 = tpu.memref_slice %arg9[%dma_wait3A_233, %dma_wait3A_234, %dma_wait3A_235] : memref<2x128x128xf32, #tpu.memory_space<vmem>> -> memref<1x128x128xf32, #tpu.memory_space<vmem>>
        %dma_wait3A_237 = tpu.memref_squeeze %dma_wait3A_236 : memref<1x128x128xf32, #tpu.memory_space<vmem>> -> memref<128x128xf32, #tpu.memory_space<vmem>>
        %dma_wait3A_238 = arith.constant 0 : i32
        %dma_wait3A_239 = tpu.memref_slice %arg7[%add3A_193, %dma_wait3A_238] : memref<40x128xi32, #tpu.memory_space<vmem>> -> memref<1x128xi32, #tpu.memory_space<vmem>>
        %dma_wait3A_240 = tpu.memref_squeeze %dma_wait3A_239 : memref<1x128xi32, #tpu.memory_space<vmem>> -> memref<128xi32, #tpu.memory_space<vmem>>
        %dma_wait3A_241 = arith.constant 0 : i32
        %dma_wait3A_242 = arith.constant 0 : i32
        %dma_wait3A_243 = tpu.memref_slice %arg2[%dma_wait3A_241, %dma_wait3A_242] : memref<10240x128xf32, #tpu.memory_space<hbm>> -> memref<10240x128xf32, #tpu.memory_space<hbm>>
        tpu.wait_indirect_dma semaphore(%arg13 : memref<!tpu.dma_semaphore, #tpu.memory_space<semaphore_mem>>) src(%dma_wait3A_243 : memref<10240x128xf32, #tpu.memory_space<hbm>>) dst(%dma_wait3A_237 : memref<128x128xf32, #tpu.memory_space<vmem>>)
        %add3A_244 = arith.constant 1 : i32
        %add3A_245 = arith.addi %add3A_193, %add3A_244 : i32
        %dma_start3A_246 = arith.constant 1 : i32
        %dma_start3A_247 = arith.constant 0 : i32
        %dma_start3A_248 = arith.constant 0 : i32
        %dma_start3A_249 = tpu.memref_slice %arg9[%dma_start3A_246, %dma_start3A_247, %dma_start3A_248] : memref<2x128x128xf32, #tpu.memory_space<vmem>> -> memref<1x128x128xf32, #tpu.memory_space<vmem>>
        %dma_start3A_250 = tpu.memref_squeeze %dma_start3A_249 : memref<1x128x128xf32, #tpu.memory_space<vmem>> -> memref<128x128xf32, #tpu.memory_space<vmem>>
        %dma_start3A_251 = arith.constant 0 : i32
        %dma_start3A_252 = tpu.memref_slice %arg8[%add3A_245, %dma_start3A_251] : memref<40x128xi32, #tpu.memory_space<vmem>> -> memref<1x128xi32, #tpu.memory_space<vmem>>
        %dma_start3A_253 = tpu.memref_squeeze %dma_start3A_252 : memref<1x128xi32, #tpu.memory_space<vmem>> -> memref<128xi32, #tpu.memory_space<vmem>>
        %dma_start3A_254 = arith.constant 0 : i32
        %dma_start3A_255 = arith.constant 0 : i32
        %dma_start3A_256 = tpu.memref_slice %arg10[%dma_start3A_254, %dma_start3A_255] : memref<10240x128xf32, #tpu.memory_space<vmem_shared>> -> memref<10240x128xf32, #tpu.memory_space<vmem_shared>>
        tpu.enqueue_indirect_dma source(%dma_start3A_250 : memref<128x128xf32, #tpu.memory_space<vmem>>) target(%dma_start3A_256 : memref<10240x128xf32, #tpu.memory_space<vmem_shared>>) offsets(%dma_start3A_253 : memref<128xi32, #tpu.memory_space<vmem>>) semaphore(%arg15 : memref<!tpu.dma_semaphore, #tpu.memory_space<semaphore_mem>>) {add = true}
        %add3A_257 = arith.constant 2 : i32
        %add3A_258 = arith.addi %add3A_193, %add3A_257 : i32
        %lt3A = arith.constant 40 : i32
        %lt3A_259 = arith.cmpi slt, %add3A_258, %lt3A : i32
        %convert_element_type3A_260 = arith.extui %lt3A_259 : i1 to i32
        %cond3A_261 = arith.constant 0 : i32
        %cond3A_262 = arith.cmpi ne, %convert_element_type3A_260, %cond3A_261 : i32
        scf.if %cond3A_262 {
          %dma_wait3A_263 = arith.constant 0 : i32
          %dma_wait3A_264 = arith.constant 0 : i32
          %dma_wait3A_265 = arith.constant 0 : i32
          %dma_wait3A_266 = tpu.memref_slice %arg9[%dma_wait3A_263, %dma_wait3A_264, %dma_wait3A_265] : memref<2x128x128xf32, #tpu.memory_space<vmem>> -> memref<1x128x128xf32, #tpu.memory_space<vmem>>
          %dma_wait3A_267 = tpu.memref_squeeze %dma_wait3A_266 : memref<1x128x128xf32, #tpu.memory_space<vmem>> -> memref<128x128xf32, #tpu.memory_space<vmem>>
          %dma_wait3A_268 = arith.constant 0 : i32
          %dma_wait3A_269 = tpu.memref_slice %arg8[%add3A_193, %dma_wait3A_268] : memref<40x128xi32, #tpu.memory_space<vmem>> -> memref<1x128xi32, #tpu.memory_space<vmem>>
          %dma_wait3A_270 = tpu.memref_squeeze %dma_wait3A_269 : memref<1x128xi32, #tpu.memory_space<vmem>> -> memref<128xi32, #tpu.memory_space<vmem>>
          %dma_wait3A_271 = arith.constant 0 : i32
          %dma_wait3A_272 = arith.constant 0 : i32
          %dma_wait3A_273 = tpu.memref_slice %arg10[%dma_wait3A_271, %dma_wait3A_272] : memref<10240x128xf32, #tpu.memory_space<vmem_shared>> -> memref<10240x128xf32, #tpu.memory_space<vmem_shared>>
          tpu.wait_indirect_dma semaphore(%arg14 : memref<!tpu.dma_semaphore, #tpu.memory_space<semaphore_mem>>) src(%dma_wait3A_267 : memref<128x128xf32, #tpu.memory_space<vmem>>) dst(%dma_wait3A_273 : memref<10240x128xf32, #tpu.memory_space<vmem_shared>>)
          %add3A_274 = arith.constant 2 : i32
          %add3A_275 = arith.addi %add3A_193, %add3A_274 : i32
          %dma_start3A_276 = arith.constant 0 : i32
          %dma_start3A_277 = arith.constant 0 : i32
          %dma_start3A_278 = arith.constant 0 : i32
          %dma_start3A_279 = tpu.memref_slice %arg9[%dma_start3A_276, %dma_start3A_277, %dma_start3A_278] : memref<2x128x128xf32, #tpu.memory_space<vmem>> -> memref<1x128x128xf32, #tpu.memory_space<vmem>>
          %dma_start3A_280 = tpu.memref_squeeze %dma_start3A_279 : memref<1x128x128xf32, #tpu.memory_space<vmem>> -> memref<128x128xf32, #tpu.memory_space<vmem>>
          %dma_start3A_281 = arith.constant 0 : i32
          %dma_start3A_282 = tpu.memref_slice %arg7[%add3A_275, %dma_start3A_281] : memref<40x128xi32, #tpu.memory_space<vmem>> -> memref<1x128xi32, #tpu.memory_space<vmem>>
          %dma_start3A_283 = tpu.memref_squeeze %dma_start3A_282 : memref<1x128xi32, #tpu.memory_space<vmem>> -> memref<128xi32, #tpu.memory_space<vmem>>
          %dma_start3A_284 = arith.constant 0 : i32
          %dma_start3A_285 = arith.constant 0 : i32
          %dma_start3A_286 = tpu.memref_slice %arg2[%dma_start3A_284, %dma_start3A_285] : memref<10240x128xf32, #tpu.memory_space<hbm>> -> memref<10240x128xf32, #tpu.memory_space<hbm>>
          tpu.enqueue_indirect_dma source(%dma_start3A_286 : memref<10240x128xf32, #tpu.memory_space<hbm>>) target(%dma_start3A_280 : memref<128x128xf32, #tpu.memory_space<vmem>>) offsets(%dma_start3A_283 : memref<128xi32, #tpu.memory_space<vmem>>) semaphore(%arg12 : memref<!tpu.dma_semaphore, #tpu.memory_space<semaphore_mem>>)
        } else {
        }
      }
      %scan3A_105 = arith.constant 20 : i32
      %dma_wait3A_106 = arith.constant 0 : i32
      %dma_wait3A_107 = arith.constant 0 : i32
      %dma_wait3A_108 = arith.constant 0 : i32
      %dma_wait3A_109 = arith.constant 0 : i32
      %dma_wait3A_110 = tpu.memref_slice %arg9[%dma_wait3A_106, %dma_wait3A_108, %dma_wait3A_109] : memref<2x128x128xf32, #tpu.memory_space<vmem>> -> memref<1x128x128xf32, #tpu.memory_space<vmem>>
      %dma_wait3A_111 = tpu.memref_squeeze %dma_wait3A_110 : memref<1x128x128xf32, #tpu.memory_space<vmem>> -> memref<128x128xf32, #tpu.memory_space<vmem>>
      %dma_wait3A_112 = arith.constant 0 : i32
      %dma_wait3A_113 = tpu.memref_slice %arg8[%dma_wait3A_107, %dma_wait3A_112] : memref<40x128xi32, #tpu.memory_space<vmem>> -> memref<1x128xi32, #tpu.memory_space<vmem>>
      %dma_wait3A_114 = tpu.memref_squeeze %dma_wait3A_113 : memref<1x128xi32, #tpu.memory_space<vmem>> -> memref<128xi32, #tpu.memory_space<vmem>>
      %dma_wait3A_115 = arith.constant 0 : i32
      %dma_wait3A_116 = arith.constant 0 : i32
      %dma_wait3A_117 = tpu.memref_slice %arg10[%dma_wait3A_115, %dma_wait3A_116] : memref<10240x128xf32, #tpu.memory_space<vmem_shared>> -> memref<10240x128xf32, #tpu.memory_space<vmem_shared>>
      tpu.wait_indirect_dma semaphore(%arg14 : memref<!tpu.dma_semaphore, #tpu.memory_space<semaphore_mem>>) src(%dma_wait3A_111 : memref<128x128xf32, #tpu.memory_space<vmem>>) dst(%dma_wait3A_117 : memref<10240x128xf32, #tpu.memory_space<vmem_shared>>)
      %dma_wait3A_118 = arith.constant 1 : i32
      %dma_wait3A_119 = arith.constant 0 : i32
      %dma_wait3A_120 = arith.constant 0 : i32
      %dma_wait3A_121 = arith.constant 0 : i32
      %dma_wait3A_122 = tpu.memref_slice %arg9[%dma_wait3A_118, %dma_wait3A_120, %dma_wait3A_121] : memref<2x128x128xf32, #tpu.memory_space<vmem>> -> memref<1x128x128xf32, #tpu.memory_space<vmem>>
      %dma_wait3A_123 = tpu.memref_squeeze %dma_wait3A_122 : memref<1x128x128xf32, #tpu.memory_space<vmem>> -> memref<128x128xf32, #tpu.memory_space<vmem>>
      %dma_wait3A_124 = arith.constant 0 : i32
      %dma_wait3A_125 = tpu.memref_slice %arg8[%dma_wait3A_119, %dma_wait3A_124] : memref<40x128xi32, #tpu.memory_space<vmem>> -> memref<1x128xi32, #tpu.memory_space<vmem>>
      %dma_wait3A_126 = tpu.memref_squeeze %dma_wait3A_125 : memref<1x128xi32, #tpu.memory_space<vmem>> -> memref<128xi32, #tpu.memory_space<vmem>>
      %dma_wait3A_127 = arith.constant 0 : i32
      %dma_wait3A_128 = arith.constant 0 : i32
      %dma_wait3A_129 = tpu.memref_slice %arg10[%dma_wait3A_127, %dma_wait3A_128] : memref<10240x128xf32, #tpu.memory_space<vmem_shared>> -> memref<10240x128xf32, #tpu.memory_space<vmem_shared>>
      tpu.wait_indirect_dma semaphore(%arg15 : memref<!tpu.dma_semaphore, #tpu.memory_space<semaphore_mem>>) src(%dma_wait3A_123 : memref<128x128xf32, #tpu.memory_space<vmem>>) dst(%dma_wait3A_129 : memref<10240x128xf32, #tpu.memory_space<vmem_shared>>)
      %add3A_130 = arith.constant 80 : i32
      %add3A_131 = arith.addi %mul3A_15, %add3A_130 : i32
      %dma_start3A_132 = arith.constant 0 : i32
      %dma_start3A_133 = tpu.memref_slice %arg3[%add3A_131, %dma_start3A_132] : memref<2560x128xi32, #tpu.memory_space<hbm>> -> memref<40x128xi32, #tpu.memory_space<hbm>>
      %dma_start3A_134 = arith.constant 0 : i32
      %dma_start3A_135 = tpu.memref_slice %arg3[%add3A_131, %dma_start3A_134] : memref<2560x128xi32, #tpu.memory_space<hbm>> -> memref<40x128xi32, #tpu.memory_space<hbm>>
      tpu.enqueue_dma source(%dma_start3A_135 : memref<40x128xi32, #tpu.memory_space<hbm>>) target(%arg7 : memref<40x128xi32, #tpu.memory_space<vmem>>) target_semaphore(%arg11 : memref<!tpu.dma_semaphore, #tpu.memory_space<semaphore_mem>>)
      %dma_wait3A_136 = arith.constant 0 : i32
      %dma_wait3A_137 = tpu.memref_slice %arg3[%add3A_131, %dma_wait3A_136] : memref<2560x128xi32, #tpu.memory_space<hbm>> -> memref<40x128xi32, #tpu.memory_space<hbm>>
      %dma_wait3A_138 = arith.constant 0 : i32
      %dma_wait3A_139 = tpu.memref_slice %arg3[%add3A_131, %dma_wait3A_138] : memref<2560x128xi32, #tpu.memory_space<hbm>> -> memref<40x128xi32, #tpu.memory_space<hbm>>
      tpu.wait_dma2 semaphore(%arg11 : memref<!tpu.dma_semaphore, #tpu.memory_space<semaphore_mem>>) src(%dma_wait3A_139 : memref<40x128xi32, #tpu.memory_space<hbm>>) dst(%arg7 : memref<40x128xi32, #tpu.memory_space<vmem>>)
      %dma_start3A_140 = arith.constant 0 : i32
      %dma_start3A_141 = tpu.memref_slice %arg4[%add3A_131, %dma_start3A_140] : memref<2560x128xi32, #tpu.memory_space<hbm>> -> memref<40x128xi32, #tpu.memory_space<hbm>>
      %dma_start3A_142 = arith.constant 0 : i32
      %dma_start3A_143 = tpu.memref_slice %arg4[%add3A_131, %dma_start3A_142] : memref<2560x128xi32, #tpu.memory_space<hbm>> -> memref<40x128xi32, #tpu.memory_space<hbm>>
      tpu.enqueue_dma source(%dma_start3A_143 : memref<40x128xi32, #tpu.memory_space<hbm>>) target(%arg8 : memref<40x128xi32, #tpu.memory_space<vmem>>) target_semaphore(%arg11 : memref<!tpu.dma_semaphore, #tpu.memory_space<semaphore_mem>>)
      %dma_wait3A_144 = arith.constant 0 : i32
      %dma_wait3A_145 = tpu.memref_slice %arg4[%add3A_131, %dma_wait3A_144] : memref<2560x128xi32, #tpu.memory_space<hbm>> -> memref<40x128xi32, #tpu.memory_space<hbm>>
      %dma_wait3A_146 = arith.constant 0 : i32
      %dma_wait3A_147 = tpu.memref_slice %arg4[%add3A_131, %dma_wait3A_146] : memref<2560x128xi32, #tpu.memory_space<hbm>> -> memref<40x128xi32, #tpu.memory_space<hbm>>
      tpu.wait_dma2 semaphore(%arg11 : memref<!tpu.dma_semaphore, #tpu.memory_space<semaphore_mem>>) src(%dma_wait3A_147 : memref<40x128xi32, #tpu.memory_space<hbm>>) dst(%arg8 : memref<40x128xi32, #tpu.memory_space<vmem>>)
      %dma_start3A_148 = arith.constant 0 : i32
      %dma_start3A_149 = arith.constant 0 : i32
      %dma_start3A_150 = arith.constant 0 : i32
      %dma_start3A_151 = arith.constant 0 : i32
      %dma_start3A_152 = tpu.memref_slice %arg9[%dma_start3A_149, %dma_start3A_150, %dma_start3A_151] : memref<2x128x128xf32, #tpu.memory_space<vmem>> -> memref<1x128x128xf32, #tpu.memory_space<vmem>>
      %dma_start3A_153 = tpu.memref_squeeze %dma_start3A_152 : memref<1x128x128xf32, #tpu.memory_space<vmem>> -> memref<128x128xf32, #tpu.memory_space<vmem>>
      %dma_start3A_154 = arith.constant 0 : i32
      %dma_start3A_155 = tpu.memref_slice %arg7[%dma_start3A_148, %dma_start3A_154] : memref<40x128xi32, #tpu.memory_space<vmem>> -> memref<1x128xi32, #tpu.memory_space<vmem>>
      %dma_start3A_156 = tpu.memref_squeeze %dma_start3A_155 : memref<1x128xi32, #tpu.memory_space<vmem>> -> memref<128xi32, #tpu.memory_space<vmem>>
      %dma_start3A_157 = arith.constant 0 : i32
      %dma_start3A_158 = arith.constant 0 : i32
      %dma_start3A_159 = tpu.memref_slice %arg2[%dma_start3A_157, %dma_start3A_158] : memref<10240x128xf32, #tpu.memory_space<hbm>> -> memref<10240x128xf32, #tpu.memory_space<hbm>>
      tpu.enqueue_indirect_dma source(%dma_start3A_159 : memref<10240x128xf32, #tpu.memory_space<hbm>>) target(%dma_start3A_153 : memref<128x128xf32, #tpu.memory_space<vmem>>) offsets(%dma_start3A_156 : memref<128xi32, #tpu.memory_space<vmem>>) semaphore(%arg12 : memref<!tpu.dma_semaphore, #tpu.memory_space<semaphore_mem>>)
      %scan3A_160 = arith.constant 0 : i32
      %scan3A_161 = arith.constant 20 : i32
      %scan3A_162 = arith.addi %scan3A_160, %scan3A_161 : i32
      %scan3A_163 = arith.constant 1 : i32
      scf.for %scan3A_189 = %scan3A_160 to %scan3A_162 step %scan3A_163  : i32 {
        %mul3A_190 = arith.constant 2 : i32
        %mul3A_191 = arith.muli %scan3A_189, %mul3A_190 : i32
        %add3A_192 = arith.constant 0 : i32
        %add3A_193 = arith.addi %add3A_192, %mul3A_191 : i32
        %dma_wait3A_194 = arith.constant 0 : i32
        %dma_wait3A_195 = arith.constant 0 : i32
        %dma_wait3A_196 = arith.constant 0 : i32
        %dma_wait3A_197 = tpu.memref_slice %arg9[%dma_wait3A_194, %dma_wait3A_195, %dma_wait3A_196] : memref<2x128x128xf32, #tpu.memory_space<vmem>> -> memref<1x128x128xf32, #tpu.memory_space<vmem>>
        %dma_wait3A_198 = tpu.memref_squeeze %dma_wait3A_197 : memref<1x128x128xf32, #tpu.memory_space<vmem>> -> memref<128x128xf32, #tpu.memory_space<vmem>>
        %dma_wait3A_199 = arith.constant 0 : i32
        %dma_wait3A_200 = tpu.memref_slice %arg7[%add3A_193, %dma_wait3A_199] : memref<40x128xi32, #tpu.memory_space<vmem>> -> memref<1x128xi32, #tpu.memory_space<vmem>>
        %dma_wait3A_201 = tpu.memref_squeeze %dma_wait3A_200 : memref<1x128xi32, #tpu.memory_space<vmem>> -> memref<128xi32, #tpu.memory_space<vmem>>
        %dma_wait3A_202 = arith.constant 0 : i32
        %dma_wait3A_203 = arith.constant 0 : i32
        %dma_wait3A_204 = tpu.memref_slice %arg2[%dma_wait3A_202, %dma_wait3A_203] : memref<10240x128xf32, #tpu.memory_space<hbm>> -> memref<10240x128xf32, #tpu.memory_space<hbm>>
        tpu.wait_indirect_dma semaphore(%arg12 : memref<!tpu.dma_semaphore, #tpu.memory_space<semaphore_mem>>) src(%dma_wait3A_204 : memref<10240x128xf32, #tpu.memory_space<hbm>>) dst(%dma_wait3A_198 : memref<128x128xf32, #tpu.memory_space<vmem>>)
        %dma_start3A_205 = arith.constant 0 : i32
        %dma_start3A_206 = arith.constant 0 : i32
        %dma_start3A_207 = arith.constant 0 : i32
        %dma_start3A_208 = tpu.memref_slice %arg9[%dma_start3A_205, %dma_start3A_206, %dma_start3A_207] : memref<2x128x128xf32, #tpu.memory_space<vmem>> -> memref<1x128x128xf32, #tpu.memory_space<vmem>>
        %dma_start3A_209 = tpu.memref_squeeze %dma_start3A_208 : memref<1x128x128xf32, #tpu.memory_space<vmem>> -> memref<128x128xf32, #tpu.memory_space<vmem>>
        %dma_start3A_210 = arith.constant 0 : i32
        %dma_start3A_211 = tpu.memref_slice %arg8[%add3A_193, %dma_start3A_210] : memref<40x128xi32, #tpu.memory_space<vmem>> -> memref<1x128xi32, #tpu.memory_space<vmem>>
        %dma_start3A_212 = tpu.memref_squeeze %dma_start3A_211 : memref<1x128xi32, #tpu.memory_space<vmem>> -> memref<128xi32, #tpu.memory_space<vmem>>
        %dma_start3A_213 = arith.constant 0 : i32
        %dma_start3A_214 = arith.constant 0 : i32
        %dma_start3A_215 = tpu.memref_slice %arg10[%dma_start3A_213, %dma_start3A_214] : memref<10240x128xf32, #tpu.memory_space<vmem_shared>> -> memref<10240x128xf32, #tpu.memory_space<vmem_shared>>
        tpu.enqueue_indirect_dma source(%dma_start3A_209 : memref<128x128xf32, #tpu.memory_space<vmem>>) target(%dma_start3A_215 : memref<10240x128xf32, #tpu.memory_space<vmem_shared>>) offsets(%dma_start3A_212 : memref<128xi32, #tpu.memory_space<vmem>>) semaphore(%arg14 : memref<!tpu.dma_semaphore, #tpu.memory_space<semaphore_mem>>) {add = true}
        %gt3A = arith.constant 0 : i32
        %gt3A_216 = arith.cmpi sgt, %add3A_193, %gt3A : i32
        %convert_element_type3A_217 = arith.extui %gt3A_216 : i1 to i32
        %cond3A_218 = arith.constant 0 : i32
        %cond3A_219 = arith.cmpi ne, %convert_element_type3A_217, %cond3A_218 : i32
        scf.if %cond3A_219 {
          %dma_wait3A_263 = arith.constant 1 : i32
          %dma_wait3A_264 = arith.constant 0 : i32
          %dma_wait3A_265 = arith.constant 0 : i32
          %dma_wait3A_266 = tpu.memref_slice %arg9[%dma_wait3A_263, %dma_wait3A_264, %dma_wait3A_265] : memref<2x128x128xf32, #tpu.memory_space<vmem>> -> memref<1x128x128xf32, #tpu.memory_space<vmem>>
          %dma_wait3A_267 = tpu.memref_squeeze %dma_wait3A_266 : memref<1x128x128xf32, #tpu.memory_space<vmem>> -> memref<128x128xf32, #tpu.memory_space<vmem>>
          %dma_wait3A_268 = arith.constant 0 : i32
          %dma_wait3A_269 = tpu.memref_slice %arg8[%add3A_193, %dma_wait3A_268] : memref<40x128xi32, #tpu.memory_space<vmem>> -> memref<1x128xi32, #tpu.memory_space<vmem>>
          %dma_wait3A_270 = tpu.memref_squeeze %dma_wait3A_269 : memref<1x128xi32, #tpu.memory_space<vmem>> -> memref<128xi32, #tpu.memory_space<vmem>>
          %dma_wait3A_271 = arith.constant 0 : i32
          %dma_wait3A_272 = arith.constant 0 : i32
          %dma_wait3A_273 = tpu.memref_slice %arg10[%dma_wait3A_271, %dma_wait3A_272] : memref<10240x128xf32, #tpu.memory_space<vmem_shared>> -> memref<10240x128xf32, #tpu.memory_space<vmem_shared>>
          tpu.wait_indirect_dma semaphore(%arg15 : memref<!tpu.dma_semaphore, #tpu.memory_space<semaphore_mem>>) src(%dma_wait3A_267 : memref<128x128xf32, #tpu.memory_space<vmem>>) dst(%dma_wait3A_273 : memref<10240x128xf32, #tpu.memory_space<vmem_shared>>)
        } else {
        }
        %add3A_220 = arith.constant 1 : i32
        %add3A_221 = arith.addi %add3A_193, %add3A_220 : i32
        %dma_start3A_222 = arith.constant 1 : i32
        %dma_start3A_223 = arith.constant 0 : i32
        %dma_start3A_224 = arith.constant 0 : i32
        %dma_start3A_225 = tpu.memref_slice %arg9[%dma_start3A_222, %dma_start3A_223, %dma_start3A_224] : memref<2x128x128xf32, #tpu.memory_space<vmem>> -> memref<1x128x128xf32, #tpu.memory_space<vmem>>
        %dma_start3A_226 = tpu.memref_squeeze %dma_start3A_225 : memref<1x128x128xf32, #tpu.memory_space<vmem>> -> memref<128x128xf32, #tpu.memory_space<vmem>>
        %dma_start3A_227 = arith.constant 0 : i32
        %dma_start3A_228 = tpu.memref_slice %arg7[%add3A_221, %dma_start3A_227] : memref<40x128xi32, #tpu.memory_space<vmem>> -> memref<1x128xi32, #tpu.memory_space<vmem>>
        %dma_start3A_229 = tpu.memref_squeeze %dma_start3A_228 : memref<1x128xi32, #tpu.memory_space<vmem>> -> memref<128xi32, #tpu.memory_space<vmem>>
        %dma_start3A_230 = arith.constant 0 : i32
        %dma_start3A_231 = arith.constant 0 : i32
        %dma_start3A_232 = tpu.memref_slice %arg2[%dma_start3A_230, %dma_start3A_231] : memref<10240x128xf32, #tpu.memory_space<hbm>> -> memref<10240x128xf32, #tpu.memory_space<hbm>>
        tpu.enqueue_indirect_dma source(%dma_start3A_232 : memref<10240x128xf32, #tpu.memory_space<hbm>>) target(%dma_start3A_226 : memref<128x128xf32, #tpu.memory_space<vmem>>) offsets(%dma_start3A_229 : memref<128xi32, #tpu.memory_space<vmem>>) semaphore(%arg13 : memref<!tpu.dma_semaphore, #tpu.memory_space<semaphore_mem>>)
        %dma_wait3A_233 = arith.constant 1 : i32
        %dma_wait3A_234 = arith.constant 0 : i32
        %dma_wait3A_235 = arith.constant 0 : i32
        %dma_wait3A_236 = tpu.memref_slice %arg9[%dma_wait3A_233, %dma_wait3A_234, %dma_wait3A_235] : memref<2x128x128xf32, #tpu.memory_space<vmem>> -> memref<1x128x128xf32, #tpu.memory_space<vmem>>
        %dma_wait3A_237 = tpu.memref_squeeze %dma_wait3A_236 : memref<1x128x128xf32, #tpu.memory_space<vmem>> -> memref<128x128xf32, #tpu.memory_space<vmem>>
        %dma_wait3A_238 = arith.constant 0 : i32
        %dma_wait3A_239 = tpu.memref_slice %arg7[%add3A_193, %dma_wait3A_238] : memref<40x128xi32, #tpu.memory_space<vmem>> -> memref<1x128xi32, #tpu.memory_space<vmem>>
        %dma_wait3A_240 = tpu.memref_squeeze %dma_wait3A_239 : memref<1x128xi32, #tpu.memory_space<vmem>> -> memref<128xi32, #tpu.memory_space<vmem>>
        %dma_wait3A_241 = arith.constant 0 : i32
        %dma_wait3A_242 = arith.constant 0 : i32
        %dma_wait3A_243 = tpu.memref_slice %arg2[%dma_wait3A_241, %dma_wait3A_242] : memref<10240x128xf32, #tpu.memory_space<hbm>> -> memref<10240x128xf32, #tpu.memory_space<hbm>>
        tpu.wait_indirect_dma semaphore(%arg13 : memref<!tpu.dma_semaphore, #tpu.memory_space<semaphore_mem>>) src(%dma_wait3A_243 : memref<10240x128xf32, #tpu.memory_space<hbm>>) dst(%dma_wait3A_237 : memref<128x128xf32, #tpu.memory_space<vmem>>)
        %add3A_244 = arith.constant 1 : i32
        %add3A_245 = arith.addi %add3A_193, %add3A_244 : i32
        %dma_start3A_246 = arith.constant 1 : i32
        %dma_start3A_247 = arith.constant 0 : i32
        %dma_start3A_248 = arith.constant 0 : i32
        %dma_start3A_249 = tpu.memref_slice %arg9[%dma_start3A_246, %dma_start3A_247, %dma_start3A_248] : memref<2x128x128xf32, #tpu.memory_space<vmem>> -> memref<1x128x128xf32, #tpu.memory_space<vmem>>
        %dma_start3A_250 = tpu.memref_squeeze %dma_start3A_249 : memref<1x128x128xf32, #tpu.memory_space<vmem>> -> memref<128x128xf32, #tpu.memory_space<vmem>>
        %dma_start3A_251 = arith.constant 0 : i32
        %dma_start3A_252 = tpu.memref_slice %arg8[%add3A_245, %dma_start3A_251] : memref<40x128xi32, #tpu.memory_space<vmem>> -> memref<1x128xi32, #tpu.memory_space<vmem>>
        %dma_start3A_253 = tpu.memref_squeeze %dma_start3A_252 : memref<1x128xi32, #tpu.memory_space<vmem>> -> memref<128xi32, #tpu.memory_space<vmem>>
        %dma_start3A_254 = arith.constant 0 : i32
        %dma_start3A_255 = arith.constant 0 : i32
        %dma_start3A_256 = tpu.memref_slice %arg10[%dma_start3A_254, %dma_start3A_255] : memref<10240x128xf32, #tpu.memory_space<vmem_shared>> -> memref<10240x128xf32, #tpu.memory_space<vmem_shared>>
        tpu.enqueue_indirect_dma source(%dma_start3A_250 : memref<128x128xf32, #tpu.memory_space<vmem>>) target(%dma_start3A_256 : memref<10240x128xf32, #tpu.memory_space<vmem_shared>>) offsets(%dma_start3A_253 : memref<128xi32, #tpu.memory_space<vmem>>) semaphore(%arg15 : memref<!tpu.dma_semaphore, #tpu.memory_space<semaphore_mem>>) {add = true}
        %add3A_257 = arith.constant 2 : i32
        %add3A_258 = arith.addi %add3A_193, %add3A_257 : i32
        %lt3A = arith.constant 40 : i32
        %lt3A_259 = arith.cmpi slt, %add3A_258, %lt3A : i32
        %convert_element_type3A_260 = arith.extui %lt3A_259 : i1 to i32
        %cond3A_261 = arith.constant 0 : i32
        %cond3A_262 = arith.cmpi ne, %convert_element_type3A_260, %cond3A_261 : i32
        scf.if %cond3A_262 {
          %dma_wait3A_263 = arith.constant 0 : i32
          %dma_wait3A_264 = arith.constant 0 : i32
          %dma_wait3A_265 = arith.constant 0 : i32
          %dma_wait3A_266 = tpu.memref_slice %arg9[%dma_wait3A_263, %dma_wait3A_264, %dma_wait3A_265] : memref<2x128x128xf32, #tpu.memory_space<vmem>> -> memref<1x128x128xf32, #tpu.memory_space<vmem>>
          %dma_wait3A_267 = tpu.memref_squeeze %dma_wait3A_266 : memref<1x128x128xf32, #tpu.memory_space<vmem>> -> memref<128x128xf32, #tpu.memory_space<vmem>>
          %dma_wait3A_268 = arith.constant 0 : i32
          %dma_wait3A_269 = tpu.memref_slice %arg8[%add3A_193, %dma_wait3A_268] : memref<40x128xi32, #tpu.memory_space<vmem>> -> memref<1x128xi32, #tpu.memory_space<vmem>>
          %dma_wait3A_270 = tpu.memref_squeeze %dma_wait3A_269 : memref<1x128xi32, #tpu.memory_space<vmem>> -> memref<128xi32, #tpu.memory_space<vmem>>
          %dma_wait3A_271 = arith.constant 0 : i32
          %dma_wait3A_272 = arith.constant 0 : i32
          %dma_wait3A_273 = tpu.memref_slice %arg10[%dma_wait3A_271, %dma_wait3A_272] : memref<10240x128xf32, #tpu.memory_space<vmem_shared>> -> memref<10240x128xf32, #tpu.memory_space<vmem_shared>>
          tpu.wait_indirect_dma semaphore(%arg14 : memref<!tpu.dma_semaphore, #tpu.memory_space<semaphore_mem>>) src(%dma_wait3A_267 : memref<128x128xf32, #tpu.memory_space<vmem>>) dst(%dma_wait3A_273 : memref<10240x128xf32, #tpu.memory_space<vmem_shared>>)
          %add3A_274 = arith.constant 2 : i32
          %add3A_275 = arith.addi %add3A_193, %add3A_274 : i32
          %dma_start3A_276 = arith.constant 0 : i32
          %dma_start3A_277 = arith.constant 0 : i32
          %dma_start3A_278 = arith.constant 0 : i32
          %dma_start3A_279 = tpu.memref_slice %arg9[%dma_start3A_276, %dma_start3A_277, %dma_start3A_278] : memref<2x128x128xf32, #tpu.memory_space<vmem>> -> memref<1x128x128xf32, #tpu.memory_space<vmem>>
          %dma_start3A_280 = tpu.memref_squeeze %dma_start3A_279 : memref<1x128x128xf32, #tpu.memory_space<vmem>> -> memref<128x128xf32, #tpu.memory_space<vmem>>
          %dma_start3A_281 = arith.constant 0 : i32
          %dma_start3A_282 = tpu.memref_slice %arg7[%add3A_275, %dma_start3A_281] : memref<40x128xi32, #tpu.memory_space<vmem>> -> memref<1x128xi32, #tpu.memory_space<vmem>>
          %dma_start3A_283 = tpu.memref_squeeze %dma_start3A_282 : memref<1x128xi32, #tpu.memory_space<vmem>> -> memref<128xi32, #tpu.memory_space<vmem>>
          %dma_start3A_284 = arith.constant 0 : i32
          %dma_start3A_285 = arith.constant 0 : i32
          %dma_start3A_286 = tpu.memref_slice %arg2[%dma_start3A_284, %dma_start3A_285] : memref<10240x128xf32, #tpu.memory_space<hbm>> -> memref<10240x128xf32, #tpu.memory_space<hbm>>
          tpu.enqueue_indirect_dma source(%dma_start3A_286 : memref<10240x128xf32, #tpu.memory_space<hbm>>) target(%dma_start3A_280 : memref<128x128xf32, #tpu.memory_space<vmem>>) offsets(%dma_start3A_283 : memref<128xi32, #tpu.memory_space<vmem>>) semaphore(%arg12 : memref<!tpu.dma_semaphore, #tpu.memory_space<semaphore_mem>>)
        } else {
        }
      }
      %scan3A_164 = arith.constant 20 : i32
      %dma_wait3A_165 = arith.constant 0 : i32
      %dma_wait3A_166 = arith.constant 0 : i32
      %dma_wait3A_167 = arith.constant 0 : i32
      %dma_wait3A_168 = arith.constant 0 : i32
      %dma_wait3A_169 = tpu.memref_slice %arg9[%dma_wait3A_165, %dma_wait3A_167, %dma_wait3A_168] : memref<2x128x128xf32, #tpu.memory_space<vmem>> -> memref<1x128x128xf32, #tpu.memory_space<vmem>>
      %dma_wait3A_170 = tpu.memref_squeeze %dma_wait3A_169 : memref<1x128x128xf32, #tpu.memory_space<vmem>> -> memref<128x128xf32, #tpu.memory_space<vmem>>
      %dma_wait3A_171 = arith.constant 0 : i32
      %dma_wait3A_172 = tpu.memref_slice %arg8[%dma_wait3A_166, %dma_wait3A_171] : memref<40x128xi32, #tpu.memory_space<vmem>> -> memref<1x128xi32, #tpu.memory_space<vmem>>
      %dma_wait3A_173 = tpu.memref_squeeze %dma_wait3A_172 : memref<1x128xi32, #tpu.memory_space<vmem>> -> memref<128xi32, #tpu.memory_space<vmem>>
      %dma_wait3A_174 = arith.constant 0 : i32
      %dma_wait3A_175 = arith.constant 0 : i32
      %dma_wait3A_176 = tpu.memref_slice %arg10[%dma_wait3A_174, %dma_wait3A_175] : memref<10240x128xf32, #tpu.memory_space<vmem_shared>> -> memref<10240x128xf32, #tpu.memory_space<vmem_shared>>
      tpu.wait_indirect_dma semaphore(%arg14 : memref<!tpu.dma_semaphore, #tpu.memory_space<semaphore_mem>>) src(%dma_wait3A_170 : memref<128x128xf32, #tpu.memory_space<vmem>>) dst(%dma_wait3A_176 : memref<10240x128xf32, #tpu.memory_space<vmem_shared>>)
      %dma_wait3A_177 = arith.constant 1 : i32
      %dma_wait3A_178 = arith.constant 0 : i32
      %dma_wait3A_179 = arith.constant 0 : i32
      %dma_wait3A_180 = arith.constant 0 : i32
      %dma_wait3A_181 = tpu.memref_slice %arg9[%dma_wait3A_177, %dma_wait3A_179, %dma_wait3A_180] : memref<2x128x128xf32, #tpu.memory_space<vmem>> -> memref<1x128x128xf32, #tpu.memory_space<vmem>>
      %dma_wait3A_182 = tpu.memref_squeeze %dma_wait3A_181 : memref<1x128x128xf32, #tpu.memory_space<vmem>> -> memref<128x128xf32, #tpu.memory_space<vmem>>
      %dma_wait3A_183 = arith.constant 0 : i32
      %dma_wait3A_184 = tpu.memref_slice %arg8[%dma_wait3A_178, %dma_wait3A_183] : memref<40x128xi32, #tpu.memory_space<vmem>> -> memref<1x128xi32, #tpu.memory_space<vmem>>
      %dma_wait3A_185 = tpu.memref_squeeze %dma_wait3A_184 : memref<1x128xi32, #tpu.memory_space<vmem>> -> memref<128xi32, #tpu.memory_space<vmem>>
      %dma_wait3A_186 = arith.constant 0 : i32
      %dma_wait3A_187 = arith.constant 0 : i32
      %dma_wait3A_188 = tpu.memref_slice %arg10[%dma_wait3A_186, %dma_wait3A_187] : memref<10240x128xf32, #tpu.memory_space<vmem_shared>> -> memref<10240x128xf32, #tpu.memory_space<vmem_shared>>
      tpu.wait_indirect_dma semaphore(%arg15 : memref<!tpu.dma_semaphore, #tpu.memory_space<semaphore_mem>>) src(%dma_wait3A_182 : memref<128x128xf32, #tpu.memory_space<vmem>>) dst(%dma_wait3A_188 : memref<10240x128xf32, #tpu.memory_space<vmem_shared>>)
    } else {
    }
    %eq3A_6 = arith.constant 1 : i32
    %eq3A_7 = arith.cmpi eq, %arg0, %eq3A_6 : i32
    %convert_element_type3A_8 = arith.extui %eq3A_7 : i1 to i32
    %cond3A_9 = arith.constant 0 : i32
    %cond3A_10 = arith.cmpi ne, %convert_element_type3A_8, %cond3A_9 : i32
    scf.if %cond3A_10 {
      %mul3A = arith.constant 40 : i32
      %mul3A_15 = arith.muli %arg1, %mul3A : i32
      %add3A = arith.constant 1920 : i32
      %add3A_16 = arith.addi %add3A, %mul3A_15 : i32
      %add3A_17 = arith.constant 0 : i32
      %add3A_18 = arith.addi %add3A_16, %add3A_17 : i32
      %dma_start3A = arith.constant 0 : i32
      %dma_start3A_19 = tpu.memref_slice %arg3[%add3A_18, %dma_start3A] : memref<2560x128xi32, #tpu.memory_space<hbm>> -> memref<40x128xi32, #tpu.memory_space<hbm>>
      %dma_start3A_20 = arith.constant 0 : i32
      %dma_start3A_21 = tpu.memref_slice %arg3[%add3A_18, %dma_start3A_20] : memref<2560x128xi32, #tpu.memory_space<hbm>> -> memref<40x128xi32, #tpu.memory_space<hbm>>
      tpu.enqueue_dma source(%dma_start3A_21 : memref<40x128xi32, #tpu.memory_space<hbm>>) target(%arg7 : memref<40x128xi32, #tpu.memory_space<vmem>>) target_semaphore(%arg11 : memref<!tpu.dma_semaphore, #tpu.memory_space<semaphore_mem>>)
      %dma_wait3A = arith.constant 0 : i32
      %dma_wait3A_22 = tpu.memref_slice %arg3[%add3A_18, %dma_wait3A] : memref<2560x128xi32, #tpu.memory_space<hbm>> -> memref<40x128xi32, #tpu.memory_space<hbm>>
      %dma_wait3A_23 = arith.constant 0 : i32
      %dma_wait3A_24 = tpu.memref_slice %arg3[%add3A_18, %dma_wait3A_23] : memref<2560x128xi32, #tpu.memory_space<hbm>> -> memref<40x128xi32, #tpu.memory_space<hbm>>
      tpu.wait_dma2 semaphore(%arg11 : memref<!tpu.dma_semaphore, #tpu.memory_space<semaphore_mem>>) src(%dma_wait3A_24 : memref<40x128xi32, #tpu.memory_space<hbm>>) dst(%arg7 : memref<40x128xi32, #tpu.memory_space<vmem>>)
      %dma_start3A_25 = arith.constant 0 : i32
      %dma_start3A_26 = tpu.memref_slice %arg4[%add3A_18, %dma_start3A_25] : memref<2560x128xi32, #tpu.memory_space<hbm>> -> memref<40x128xi32, #tpu.memory_space<hbm>>
      %dma_start3A_27 = arith.constant 0 : i32
      %dma_start3A_28 = tpu.memref_slice %arg4[%add3A_18, %dma_start3A_27] : memref<2560x128xi32, #tpu.memory_space<hbm>> -> memref<40x128xi32, #tpu.memory_space<hbm>>
      tpu.enqueue_dma source(%dma_start3A_28 : memref<40x128xi32, #tpu.memory_space<hbm>>) target(%arg8 : memref<40x128xi32, #tpu.memory_space<vmem>>) target_semaphore(%arg11 : memref<!tpu.dma_semaphore, #tpu.memory_space<semaphore_mem>>)
      %dma_wait3A_29 = arith.constant 0 : i32
      %dma_wait3A_30 = tpu.memref_slice %arg4[%add3A_18, %dma_wait3A_29] : memref<2560x128xi32, #tpu.memory_space<hbm>> -> memref<40x128xi32, #tpu.memory_space<hbm>>
      %dma_wait3A_31 = arith.constant 0 : i32
      %dma_wait3A_32 = tpu.memref_slice %arg4[%add3A_18, %dma_wait3A_31] : memref<2560x128xi32, #tpu.memory_space<hbm>> -> memref<40x128xi32, #tpu.memory_space<hbm>>
      tpu.wait_dma2 semaphore(%arg11 : memref<!tpu.dma_semaphore, #tpu.memory_space<semaphore_mem>>) src(%dma_wait3A_32 : memref<40x128xi32, #tpu.memory_space<hbm>>) dst(%arg8 : memref<40x128xi32, #tpu.memory_space<vmem>>)
      %dma_start3A_33 = arith.constant 0 : i32
      %dma_start3A_34 = arith.constant 0 : i32
      %dma_start3A_35 = arith.constant 0 : i32
      %dma_start3A_36 = arith.constant 0 : i32
      %dma_start3A_37 = tpu.memref_slice %arg9[%dma_start3A_34, %dma_start3A_35, %dma_start3A_36] : memref<2x128x128xf32, #tpu.memory_space<vmem>> -> memref<1x128x128xf32, #tpu.memory_space<vmem>>
      %dma_start3A_38 = tpu.memref_squeeze %dma_start3A_37 : memref<1x128x128xf32, #tpu.memory_space<vmem>> -> memref<128x128xf32, #tpu.memory_space<vmem>>
      %dma_start3A_39 = arith.constant 0 : i32
      %dma_start3A_40 = tpu.memref_slice %arg7[%dma_start3A_33, %dma_start3A_39] : memref<40x128xi32, #tpu.memory_space<vmem>> -> memref<1x128xi32, #tpu.memory_space<vmem>>
      %dma_start3A_41 = tpu.memref_squeeze %dma_start3A_40 : memref<1x128xi32, #tpu.memory_space<vmem>> -> memref<128xi32, #tpu.memory_space<vmem>>
      %dma_start3A_42 = arith.constant 0 : i32
      %dma_start3A_43 = arith.constant 0 : i32
      %dma_start3A_44 = tpu.memref_slice %arg2[%dma_start3A_42, %dma_start3A_43] : memref<10240x128xf32, #tpu.memory_space<hbm>> -> memref<10240x128xf32, #tpu.memory_space<hbm>>
      tpu.enqueue_indirect_dma source(%dma_start3A_44 : memref<10240x128xf32, #tpu.memory_space<hbm>>) target(%dma_start3A_38 : memref<128x128xf32, #tpu.memory_space<vmem>>) offsets(%dma_start3A_41 : memref<128xi32, #tpu.memory_space<vmem>>) semaphore(%arg12 : memref<!tpu.dma_semaphore, #tpu.memory_space<semaphore_mem>>)
      %scan3A = arith.constant 0 : i32
      %scan3A_45 = arith.constant 20 : i32
      %scan3A_46 = arith.addi %scan3A, %scan3A_45 : i32
      %scan3A_47 = arith.constant 1 : i32
      scf.for %scan3A_73 = %scan3A to %scan3A_46 step %scan3A_47  : i32 {
        %mul3A_74 = arith.constant 2 : i32
        %mul3A_75 = arith.muli %scan3A_73, %mul3A_74 : i32
        %add3A_76 = arith.constant 0 : i32
        %add3A_77 = arith.addi %add3A_76, %mul3A_75 : i32
        %dma_wait3A_78 = arith.constant 0 : i32
        %dma_wait3A_79 = arith.constant 0 : i32
        %dma_wait3A_80 = arith.constant 0 : i32
        %dma_wait3A_81 = tpu.memref_slice %arg9[%dma_wait3A_78, %dma_wait3A_79, %dma_wait3A_80] : memref<2x128x128xf32, #tpu.memory_space<vmem>> -> memref<1x128x128xf32, #tpu.memory_space<vmem>>
        %dma_wait3A_82 = tpu.memref_squeeze %dma_wait3A_81 : memref<1x128x128xf32, #tpu.memory_space<vmem>> -> memref<128x128xf32, #tpu.memory_space<vmem>>
        %dma_wait3A_83 = arith.constant 0 : i32
        %dma_wait3A_84 = tpu.memref_slice %arg7[%add3A_77, %dma_wait3A_83] : memref<40x128xi32, #tpu.memory_space<vmem>> -> memref<1x128xi32, #tpu.memory_space<vmem>>
        %dma_wait3A_85 = tpu.memref_squeeze %dma_wait3A_84 : memref<1x128xi32, #tpu.memory_space<vmem>> -> memref<128xi32, #tpu.memory_space<vmem>>
        %dma_wait3A_86 = arith.constant 0 : i32
        %dma_wait3A_87 = arith.constant 0 : i32
        %dma_wait3A_88 = tpu.memref_slice %arg2[%dma_wait3A_86, %dma_wait3A_87] : memref<10240x128xf32, #tpu.memory_space<hbm>> -> memref<10240x128xf32, #tpu.memory_space<hbm>>
        tpu.wait_indirect_dma semaphore(%arg12 : memref<!tpu.dma_semaphore, #tpu.memory_space<semaphore_mem>>) src(%dma_wait3A_88 : memref<10240x128xf32, #tpu.memory_space<hbm>>) dst(%dma_wait3A_82 : memref<128x128xf32, #tpu.memory_space<vmem>>)
        %dma_start3A_89 = arith.constant 0 : i32
        %dma_start3A_90 = arith.constant 0 : i32
        %dma_start3A_91 = arith.constant 0 : i32
        %dma_start3A_92 = tpu.memref_slice %arg9[%dma_start3A_89, %dma_start3A_90, %dma_start3A_91] : memref<2x128x128xf32, #tpu.memory_space<vmem>> -> memref<1x128x128xf32, #tpu.memory_space<vmem>>
        %dma_start3A_93 = tpu.memref_squeeze %dma_start3A_92 : memref<1x128x128xf32, #tpu.memory_space<vmem>> -> memref<128x128xf32, #tpu.memory_space<vmem>>
        %dma_start3A_94 = arith.constant 0 : i32
        %dma_start3A_95 = tpu.memref_slice %arg8[%add3A_77, %dma_start3A_94] : memref<40x128xi32, #tpu.memory_space<vmem>> -> memref<1x128xi32, #tpu.memory_space<vmem>>
        %dma_start3A_96 = tpu.memref_squeeze %dma_start3A_95 : memref<1x128xi32, #tpu.memory_space<vmem>> -> memref<128xi32, #tpu.memory_space<vmem>>
        %dma_start3A_97 = arith.constant 0 : i32
        %dma_start3A_98 = arith.constant 0 : i32
        %dma_start3A_99 = tpu.memref_slice %arg10[%dma_start3A_97, %dma_start3A_98] : memref<10240x128xf32, #tpu.memory_space<vmem_shared>> -> memref<10240x128xf32, #tpu.memory_space<vmem_shared>>
        tpu.enqueue_indirect_dma source(%dma_start3A_93 : memref<128x128xf32, #tpu.memory_space<vmem>>) target(%dma_start3A_99 : memref<10240x128xf32, #tpu.memory_space<vmem_shared>>) offsets(%dma_start3A_96 : memref<128xi32, #tpu.memory_space<vmem>>) semaphore(%arg14 : memref<!tpu.dma_semaphore, #tpu.memory_space<semaphore_mem>>) {add = true}
        %gt3A = arith.constant 0 : i32
        %gt3A_100 = arith.cmpi sgt, %add3A_77, %gt3A : i32
        %convert_element_type3A_101 = arith.extui %gt3A_100 : i1 to i32
        %cond3A_102 = arith.constant 0 : i32
        %cond3A_103 = arith.cmpi ne, %convert_element_type3A_101, %cond3A_102 : i32
        scf.if %cond3A_103 {
          %dma_wait3A_147 = arith.constant 1 : i32
          %dma_wait3A_148 = arith.constant 0 : i32
          %dma_wait3A_149 = arith.constant 0 : i32
          %dma_wait3A_150 = tpu.memref_slice %arg9[%dma_wait3A_147, %dma_wait3A_148, %dma_wait3A_149] : memref<2x128x128xf32, #tpu.memory_space<vmem>> -> memref<1x128x128xf32, #tpu.memory_space<vmem>>
          %dma_wait3A_151 = tpu.memref_squeeze %dma_wait3A_150 : memref<1x128x128xf32, #tpu.memory_space<vmem>> -> memref<128x128xf32, #tpu.memory_space<vmem>>
          %dma_wait3A_152 = arith.constant 0 : i32
          %dma_wait3A_153 = tpu.memref_slice %arg8[%add3A_77, %dma_wait3A_152] : memref<40x128xi32, #tpu.memory_space<vmem>> -> memref<1x128xi32, #tpu.memory_space<vmem>>
          %dma_wait3A_154 = tpu.memref_squeeze %dma_wait3A_153 : memref<1x128xi32, #tpu.memory_space<vmem>> -> memref<128xi32, #tpu.memory_space<vmem>>
          %dma_wait3A_155 = arith.constant 0 : i32
          %dma_wait3A_156 = arith.constant 0 : i32
          %dma_wait3A_157 = tpu.memref_slice %arg10[%dma_wait3A_155, %dma_wait3A_156] : memref<10240x128xf32, #tpu.memory_space<vmem_shared>> -> memref<10240x128xf32, #tpu.memory_space<vmem_shared>>
          tpu.wait_indirect_dma semaphore(%arg15 : memref<!tpu.dma_semaphore, #tpu.memory_space<semaphore_mem>>) src(%dma_wait3A_151 : memref<128x128xf32, #tpu.memory_space<vmem>>) dst(%dma_wait3A_157 : memref<10240x128xf32, #tpu.memory_space<vmem_shared>>)
        } else {
        }
        %add3A_104 = arith.constant 1 : i32
        %add3A_105 = arith.addi %add3A_77, %add3A_104 : i32
        %dma_start3A_106 = arith.constant 1 : i32
        %dma_start3A_107 = arith.constant 0 : i32
        %dma_start3A_108 = arith.constant 0 : i32
        %dma_start3A_109 = tpu.memref_slice %arg9[%dma_start3A_106, %dma_start3A_107, %dma_start3A_108] : memref<2x128x128xf32, #tpu.memory_space<vmem>> -> memref<1x128x128xf32, #tpu.memory_space<vmem>>
        %dma_start3A_110 = tpu.memref_squeeze %dma_start3A_109 : memref<1x128x128xf32, #tpu.memory_space<vmem>> -> memref<128x128xf32, #tpu.memory_space<vmem>>
        %dma_start3A_111 = arith.constant 0 : i32
        %dma_start3A_112 = tpu.memref_slice %arg7[%add3A_105, %dma_start3A_111] : memref<40x128xi32, #tpu.memory_space<vmem>> -> memref<1x128xi32, #tpu.memory_space<vmem>>
        %dma_start3A_113 = tpu.memref_squeeze %dma_start3A_112 : memref<1x128xi32, #tpu.memory_space<vmem>> -> memref<128xi32, #tpu.memory_space<vmem>>
        %dma_start3A_114 = arith.constant 0 : i32
        %dma_start3A_115 = arith.constant 0 : i32
        %dma_start3A_116 = tpu.memref_slice %arg2[%dma_start3A_114, %dma_start3A_115] : memref<10240x128xf32, #tpu.memory_space<hbm>> -> memref<10240x128xf32, #tpu.memory_space<hbm>>
        tpu.enqueue_indirect_dma source(%dma_start3A_116 : memref<10240x128xf32, #tpu.memory_space<hbm>>) target(%dma_start3A_110 : memref<128x128xf32, #tpu.memory_space<vmem>>) offsets(%dma_start3A_113 : memref<128xi32, #tpu.memory_space<vmem>>) semaphore(%arg13 : memref<!tpu.dma_semaphore, #tpu.memory_space<semaphore_mem>>)
        %dma_wait3A_117 = arith.constant 1 : i32
        %dma_wait3A_118 = arith.constant 0 : i32
        %dma_wait3A_119 = arith.constant 0 : i32
        %dma_wait3A_120 = tpu.memref_slice %arg9[%dma_wait3A_117, %dma_wait3A_118, %dma_wait3A_119] : memref<2x128x128xf32, #tpu.memory_space<vmem>> -> memref<1x128x128xf32, #tpu.memory_space<vmem>>
        %dma_wait3A_121 = tpu.memref_squeeze %dma_wait3A_120 : memref<1x128x128xf32, #tpu.memory_space<vmem>> -> memref<128x128xf32, #tpu.memory_space<vmem>>
        %dma_wait3A_122 = arith.constant 0 : i32
        %dma_wait3A_123 = tpu.memref_slice %arg7[%add3A_77, %dma_wait3A_122] : memref<40x128xi32, #tpu.memory_space<vmem>> -> memref<1x128xi32, #tpu.memory_space<vmem>>
        %dma_wait3A_124 = tpu.memref_squeeze %dma_wait3A_123 : memref<1x128xi32, #tpu.memory_space<vmem>> -> memref<128xi32, #tpu.memory_space<vmem>>
        %dma_wait3A_125 = arith.constant 0 : i32
        %dma_wait3A_126 = arith.constant 0 : i32
        %dma_wait3A_127 = tpu.memref_slice %arg2[%dma_wait3A_125, %dma_wait3A_126] : memref<10240x128xf32, #tpu.memory_space<hbm>> -> memref<10240x128xf32, #tpu.memory_space<hbm>>
        tpu.wait_indirect_dma semaphore(%arg13 : memref<!tpu.dma_semaphore, #tpu.memory_space<semaphore_mem>>) src(%dma_wait3A_127 : memref<10240x128xf32, #tpu.memory_space<hbm>>) dst(%dma_wait3A_121 : memref<128x128xf32, #tpu.memory_space<vmem>>)
        %add3A_128 = arith.constant 1 : i32
        %add3A_129 = arith.addi %add3A_77, %add3A_128 : i32
        %dma_start3A_130 = arith.constant 1 : i32
        %dma_start3A_131 = arith.constant 0 : i32
        %dma_start3A_132 = arith.constant 0 : i32
        %dma_start3A_133 = tpu.memref_slice %arg9[%dma_start3A_130, %dma_start3A_131, %dma_start3A_132] : memref<2x128x128xf32, #tpu.memory_space<vmem>> -> memref<1x128x128xf32, #tpu.memory_space<vmem>>
        %dma_start3A_134 = tpu.memref_squeeze %dma_start3A_133 : memref<1x128x128xf32, #tpu.memory_space<vmem>> -> memref<128x128xf32, #tpu.memory_space<vmem>>
        %dma_start3A_135 = arith.constant 0 : i32
        %dma_start3A_136 = tpu.memref_slice %arg8[%add3A_129, %dma_start3A_135] : memref<40x128xi32, #tpu.memory_space<vmem>> -> memref<1x128xi32, #tpu.memory_space<vmem>>
        %dma_start3A_137 = tpu.memref_squeeze %dma_start3A_136 : memref<1x128xi32, #tpu.memory_space<vmem>> -> memref<128xi32, #tpu.memory_space<vmem>>
        %dma_start3A_138 = arith.constant 0 : i32
        %dma_start3A_139 = arith.constant 0 : i32
        %dma_start3A_140 = tpu.memref_slice %arg10[%dma_start3A_138, %dma_start3A_139] : memref<10240x128xf32, #tpu.memory_space<vmem_shared>> -> memref<10240x128xf32, #tpu.memory_space<vmem_shared>>
        tpu.enqueue_indirect_dma source(%dma_start3A_134 : memref<128x128xf32, #tpu.memory_space<vmem>>) target(%dma_start3A_140 : memref<10240x128xf32, #tpu.memory_space<vmem_shared>>) offsets(%dma_start3A_137 : memref<128xi32, #tpu.memory_space<vmem>>) semaphore(%arg15 : memref<!tpu.dma_semaphore, #tpu.memory_space<semaphore_mem>>) {add = true}
        %add3A_141 = arith.constant 2 : i32
        %add3A_142 = arith.addi %add3A_77, %add3A_141 : i32
        %lt3A = arith.constant 40 : i32
        %lt3A_143 = arith.cmpi slt, %add3A_142, %lt3A : i32
        %convert_element_type3A_144 = arith.extui %lt3A_143 : i1 to i32
        %cond3A_145 = arith.constant 0 : i32
        %cond3A_146 = arith.cmpi ne, %convert_element_type3A_144, %cond3A_145 : i32
        scf.if %cond3A_146 {
          %dma_wait3A_147 = arith.constant 0 : i32
          %dma_wait3A_148 = arith.constant 0 : i32
          %dma_wait3A_149 = arith.constant 0 : i32
          %dma_wait3A_150 = tpu.memref_slice %arg9[%dma_wait3A_147, %dma_wait3A_148, %dma_wait3A_149] : memref<2x128x128xf32, #tpu.memory_space<vmem>> -> memref<1x128x128xf32, #tpu.memory_space<vmem>>
          %dma_wait3A_151 = tpu.memref_squeeze %dma_wait3A_150 : memref<1x128x128xf32, #tpu.memory_space<vmem>> -> memref<128x128xf32, #tpu.memory_space<vmem>>
          %dma_wait3A_152 = arith.constant 0 : i32
          %dma_wait3A_153 = tpu.memref_slice %arg8[%add3A_77, %dma_wait3A_152] : memref<40x128xi32, #tpu.memory_space<vmem>> -> memref<1x128xi32, #tpu.memory_space<vmem>>
          %dma_wait3A_154 = tpu.memref_squeeze %dma_wait3A_153 : memref<1x128xi32, #tpu.memory_space<vmem>> -> memref<128xi32, #tpu.memory_space<vmem>>
          %dma_wait3A_155 = arith.constant 0 : i32
          %dma_wait3A_156 = arith.constant 0 : i32
          %dma_wait3A_157 = tpu.memref_slice %arg10[%dma_wait3A_155, %dma_wait3A_156] : memref<10240x128xf32, #tpu.memory_space<vmem_shared>> -> memref<10240x128xf32, #tpu.memory_space<vmem_shared>>
          tpu.wait_indirect_dma semaphore(%arg14 : memref<!tpu.dma_semaphore, #tpu.memory_space<semaphore_mem>>) src(%dma_wait3A_151 : memref<128x128xf32, #tpu.memory_space<vmem>>) dst(%dma_wait3A_157 : memref<10240x128xf32, #tpu.memory_space<vmem_shared>>)
          %add3A_158 = arith.constant 2 : i32
          %add3A_159 = arith.addi %add3A_77, %add3A_158 : i32
          %dma_start3A_160 = arith.constant 0 : i32
          %dma_start3A_161 = arith.constant 0 : i32
          %dma_start3A_162 = arith.constant 0 : i32
          %dma_start3A_163 = tpu.memref_slice %arg9[%dma_start3A_160, %dma_start3A_161, %dma_start3A_162] : memref<2x128x128xf32, #tpu.memory_space<vmem>> -> memref<1x128x128xf32, #tpu.memory_space<vmem>>
          %dma_start3A_164 = tpu.memref_squeeze %dma_start3A_163 : memref<1x128x128xf32, #tpu.memory_space<vmem>> -> memref<128x128xf32, #tpu.memory_space<vmem>>
          %dma_start3A_165 = arith.constant 0 : i32
          %dma_start3A_166 = tpu.memref_slice %arg7[%add3A_159, %dma_start3A_165] : memref<40x128xi32, #tpu.memory_space<vmem>> -> memref<1x128xi32, #tpu.memory_space<vmem>>
          %dma_start3A_167 = tpu.memref_squeeze %dma_start3A_166 : memref<1x128xi32, #tpu.memory_space<vmem>> -> memref<128xi32, #tpu.memory_space<vmem>>
          %dma_start3A_168 = arith.constant 0 : i32
          %dma_start3A_169 = arith.constant 0 : i32
          %dma_start3A_170 = tpu.memref_slice %arg2[%dma_start3A_168, %dma_start3A_169] : memref<10240x128xf32, #tpu.memory_space<hbm>> -> memref<10240x128xf32, #tpu.memory_space<hbm>>
          tpu.enqueue_indirect_dma source(%dma_start3A_170 : memref<10240x128xf32, #tpu.memory_space<hbm>>) target(%dma_start3A_164 : memref<128x128xf32, #tpu.memory_space<vmem>>) offsets(%dma_start3A_167 : memref<128xi32, #tpu.memory_space<vmem>>) semaphore(%arg12 : memref<!tpu.dma_semaphore, #tpu.memory_space<semaphore_mem>>)
        } else {
        }
      }
      %scan3A_48 = arith.constant 20 : i32
      %dma_wait3A_49 = arith.constant 0 : i32
      %dma_wait3A_50 = arith.constant 0 : i32
      %dma_wait3A_51 = arith.constant 0 : i32
      %dma_wait3A_52 = arith.constant 0 : i32
      %dma_wait3A_53 = tpu.memref_slice %arg9[%dma_wait3A_49, %dma_wait3A_51, %dma_wait3A_52] : memref<2x128x128xf32, #tpu.memory_space<vmem>> -> memref<1x128x128xf32, #tpu.memory_space<vmem>>
      %dma_wait3A_54 = tpu.memref_squeeze %dma_wait3A_53 : memref<1x128x128xf32, #tpu.memory_space<vmem>> -> memref<128x128xf32, #tpu.memory_space<vmem>>
      %dma_wait3A_55 = arith.constant 0 : i32
      %dma_wait3A_56 = tpu.memref_slice %arg8[%dma_wait3A_50, %dma_wait3A_55] : memref<40x128xi32, #tpu.memory_space<vmem>> -> memref<1x128xi32, #tpu.memory_space<vmem>>
      %dma_wait3A_57 = tpu.memref_squeeze %dma_wait3A_56 : memref<1x128xi32, #tpu.memory_space<vmem>> -> memref<128xi32, #tpu.memory_space<vmem>>
      %dma_wait3A_58 = arith.constant 0 : i32
      %dma_wait3A_59 = arith.constant 0 : i32
      %dma_wait3A_60 = tpu.memref_slice %arg10[%dma_wait3A_58, %dma_wait3A_59] : memref<10240x128xf32, #tpu.memory_space<vmem_shared>> -> memref<10240x128xf32, #tpu.memory_space<vmem_shared>>
      tpu.wait_indirect_dma semaphore(%arg14 : memref<!tpu.dma_semaphore, #tpu.memory_space<semaphore_mem>>) src(%dma_wait3A_54 : memref<128x128xf32, #tpu.memory_space<vmem>>) dst(%dma_wait3A_60 : memref<10240x128xf32, #tpu.memory_space<vmem_shared>>)
      %dma_wait3A_61 = arith.constant 1 : i32
      %dma_wait3A_62 = arith.constant 0 : i32
      %dma_wait3A_63 = arith.constant 0 : i32
      %dma_wait3A_64 = arith.constant 0 : i32
      %dma_wait3A_65 = tpu.memref_slice %arg9[%dma_wait3A_61, %dma_wait3A_63, %dma_wait3A_64] : memref<2x128x128xf32, #tpu.memory_space<vmem>> -> memref<1x128x128xf32, #tpu.memory_space<vmem>>
      %dma_wait3A_66 = tpu.memref_squeeze %dma_wait3A_65 : memref<1x128x128xf32, #tpu.memory_space<vmem>> -> memref<128x128xf32, #tpu.memory_space<vmem>>
      %dma_wait3A_67 = arith.constant 0 : i32
      %dma_wait3A_68 = tpu.memref_slice %arg8[%dma_wait3A_62, %dma_wait3A_67] : memref<40x128xi32, #tpu.memory_space<vmem>> -> memref<1x128xi32, #tpu.memory_space<vmem>>
      %dma_wait3A_69 = tpu.memref_squeeze %dma_wait3A_68 : memref<1x128xi32, #tpu.memory_space<vmem>> -> memref<128xi32, #tpu.memory_space<vmem>>
      %dma_wait3A_70 = arith.constant 0 : i32
      %dma_wait3A_71 = arith.constant 0 : i32
      %dma_wait3A_72 = tpu.memref_slice %arg10[%dma_wait3A_70, %dma_wait3A_71] : memref<10240x128xf32, #tpu.memory_space<vmem_shared>> -> memref<10240x128xf32, #tpu.memory_space<vmem_shared>>
      tpu.wait_indirect_dma semaphore(%arg15 : memref<!tpu.dma_semaphore, #tpu.memory_space<semaphore_mem>>) src(%dma_wait3A_66 : memref<128x128xf32, #tpu.memory_space<vmem>>) dst(%dma_wait3A_72 : memref<10240x128xf32, #tpu.memory_space<vmem_shared>>)
    } else {
    }
    %barrier3A_11 = arith.constant 0 : index
    tpu.barrier barrier_id(%barrier3A_11)
    %convert_element_type3A_12 = arith.extui %ge3A_0 : i1 to i32
    %cond3A_13 = arith.constant 0 : i32
    %cond3A_14 = arith.cmpi ne, %convert_element_type3A_12, %cond3A_13 : i32
    scf.if %cond3A_14 {
      %scan3A = arith.constant 0 : i32
      %scan3A_15 = arith.constant 5 : i32
      %scan3A_16 = arith.addi %scan3A, %scan3A_15 : i32
      %scan3A_17 = arith.constant 1 : i32
      scf.for %scan3A_19 = %scan3A to %scan3A_16 step %scan3A_17  : i32 {
        %mul3A = arith.constant 128 : i32
        %mul3A_20 = arith.muli %scan3A_19, %mul3A : i32
        %add3A = arith.constant 0 : i32
        %add3A_21 = arith.addi %add3A, %mul3A_20 : i32
        %mul3A_22 = arith.constant 640 : i32
        %mul3A_23 = arith.muli %arg1, %mul3A_22 : i32
        %add3A_24 = arith.addi %mul3A_23, %add3A_21 : i32
        "tpu.region"() ({
          %run_scoped3A = tpu.sem_alloc : memref<!tpu.dma_semaphore, #tpu.memory_space<semaphore_mem>>
          %dma_start3A = arith.constant 0 : i32
          %dma_start3A_25 = tpu.memref_slice %arg6[%arg0, %add3A_24, %dma_start3A] : memref<2x10240x128xf32, #tpu.memory_space<hbm>> -> memref<1x128x128xf32, #tpu.memory_space<hbm>>
          %dma_start3A_26 = tpu.memref_squeeze %dma_start3A_25 : memref<1x128x128xf32, #tpu.memory_space<hbm>> -> memref<128x128xf32, #tpu.memory_space<hbm>>
          %dma_start3A_27 = arith.constant 0 : i32
          %dma_start3A_28 = tpu.memref_slice %arg10[%add3A_24, %dma_start3A_27] : memref<10240x128xf32, #tpu.memory_space<vmem_shared>> -> memref<128x128xf32, #tpu.memory_space<vmem_shared>>
          tpu.enqueue_dma source(%dma_start3A_28 : memref<128x128xf32, #tpu.memory_space<vmem_shared>>) target(%dma_start3A_26 : memref<128x128xf32, #tpu.memory_space<hbm>>) target_semaphore(%run_scoped3A : memref<!tpu.dma_semaphore, #tpu.memory_space<semaphore_mem>>)
          %dma_wait3A = arith.constant 0 : i32
          %dma_wait3A_29 = tpu.memref_slice %arg6[%arg0, %add3A_24, %dma_wait3A] : memref<2x10240x128xf32, #tpu.memory_space<hbm>> -> memref<1x128x128xf32, #tpu.memory_space<hbm>>
          %dma_wait3A_30 = tpu.memref_squeeze %dma_wait3A_29 : memref<1x128x128xf32, #tpu.memory_space<hbm>> -> memref<128x128xf32, #tpu.memory_space<hbm>>
          %dma_wait3A_31 = arith.constant 0 : i32
          %dma_wait3A_32 = tpu.memref_slice %arg10[%add3A_24, %dma_wait3A_31] : memref<10240x128xf32, #tpu.memory_space<vmem_shared>> -> memref<128x128xf32, #tpu.memory_space<vmem_shared>>
          tpu.wait_dma2 semaphore(%run_scoped3A : memref<!tpu.dma_semaphore, #tpu.memory_space<semaphore_mem>>) src(%dma_wait3A_32 : memref<128x128xf32, #tpu.memory_space<vmem_shared>>) dst(%dma_wait3A_30 : memref<128x128xf32, #tpu.memory_space<hbm>>)
          tpu.yield
        }) : () -> ()
      }
      %scan3A_18 = arith.constant 5 : i32
    } else {
    }
    return
  }
}

#map = affine_map<(d0, d1) -> (0, 0)>
#map1 = affine_map<(d0, d1) -> (0, 0, 0)>
module attributes {stable_mosaic.version = 14 : i64} {
  func.func @agg(%arg0: i32, %arg1: i32, %arg2: memref<10240x8xf32, #tpu.memory_space<hbm>>, %arg3: memref<2560x128xi32, #tpu.memory_space<hbm>>, %arg4: memref<2560x128xi32, #tpu.memory_space<hbm>>, %arg5: memref<10240x8xf32, #tpu.memory_space<hbm>>, %arg6: memref<2x10240x8xf32, #tpu.memory_space<hbm>>, %arg7: memref<40x128xi32, #tpu.memory_space<vmem>>, %arg8: memref<40x128xi32, #tpu.memory_space<vmem>>, %arg9: memref<2x128x8xf32, #tpu.memory_space<vmem>>, %arg10: memref<10240x8xf32, #tpu.memory_space<vmem_shared>>, %arg11: memref<!tpu.dma_semaphore, #tpu.memory_space<semaphore_mem>>, %arg12: memref<!tpu.dma_semaphore, #tpu.memory_space<semaphore_mem>>, %arg13: memref<!tpu.dma_semaphore, #tpu.memory_space<semaphore_mem>>, %arg14: memref<!tpu.dma_semaphore, #tpu.memory_space<semaphore_mem>>, %arg15: memref<!tpu.dma_semaphore, #tpu.memory_space<semaphore_mem>>) attributes {dimension_semantics = [#tpu.dimension_semantics<core_parallel>, #tpu.dimension_semantics<subcore_parallel>], iteration_bounds = array<i64: 2, 16>, scalar_prefetch = 0 : i64, scratch_operands = 9 : i64, tpu.core_type = #tpu.core_type<sc_vector_subcore>, window_params = [{transform_indices = #map}, {transform_indices = #map}, {transform_indices = #map}, {transform_indices = #map}, {transform_indices = #map1}]} {
    %ge3A = arith.constant 0 : i32
    %ge3A_0 = arith.cmpi sge, %arg0, %ge3A : i32
    %convert_element_type3A = arith.extui %ge3A_0 : i1 to i32
    %cond3A = arith.constant 0 : i32
    %cond3A_1 = arith.cmpi ne, %convert_element_type3A, %cond3A : i32
    scf.if %cond3A_1 {
      %mul3A = arith.constant 640 : i32
      %mul3A_15 = arith.muli %arg1, %mul3A : i32
      "tpu.region"() ({
        %run_scoped3A = tpu.sem_alloc : memref<!tpu.dma_semaphore, #tpu.memory_space<semaphore_mem>>
        %dma_start3A = arith.constant 0 : i32
        %dma_start3A_16 = tpu.memref_slice %arg10[%mul3A_15, %dma_start3A] : memref<10240x8xf32, #tpu.memory_space<vmem_shared>> -> memref<640x8xf32, #tpu.memory_space<vmem_shared>>
        %dma_start3A_17 = arith.constant 0 : i32
        %dma_start3A_18 = tpu.memref_slice %arg5[%mul3A_15, %dma_start3A_17] : memref<10240x8xf32, #tpu.memory_space<hbm>> -> memref<640x8xf32, #tpu.memory_space<hbm>>
        tpu.enqueue_dma source(%dma_start3A_18 : memref<640x8xf32, #tpu.memory_space<hbm>>) target(%dma_start3A_16 : memref<640x8xf32, #tpu.memory_space<vmem_shared>>) target_semaphore(%run_scoped3A : memref<!tpu.dma_semaphore, #tpu.memory_space<semaphore_mem>>)
        %dma_wait3A = arith.constant 0 : i32
        %dma_wait3A_19 = tpu.memref_slice %arg10[%mul3A_15, %dma_wait3A] : memref<10240x8xf32, #tpu.memory_space<vmem_shared>> -> memref<640x8xf32, #tpu.memory_space<vmem_shared>>
        %dma_wait3A_20 = arith.constant 0 : i32
        %dma_wait3A_21 = tpu.memref_slice %arg5[%mul3A_15, %dma_wait3A_20] : memref<10240x8xf32, #tpu.memory_space<hbm>> -> memref<640x8xf32, #tpu.memory_space<hbm>>
        tpu.wait_dma2 semaphore(%run_scoped3A : memref<!tpu.dma_semaphore, #tpu.memory_space<semaphore_mem>>) src(%dma_wait3A_21 : memref<640x8xf32, #tpu.memory_space<hbm>>) dst(%dma_wait3A_19 : memref<640x8xf32, #tpu.memory_space<vmem_shared>>)
        tpu.yield
      }) : () -> ()
    } else {
    }
    %barrier3A = arith.constant 0 : index
    tpu.barrier barrier_id(%barrier3A)
    %eq3A = arith.constant 0 : i32
    %eq3A_2 = arith.cmpi eq, %arg0, %eq3A : i32
    %convert_element_type3A_3 = arith.extui %eq3A_2 : i1 to i32
    %cond3A_4 = arith.constant 0 : i32
    %cond3A_5 = arith.cmpi ne, %convert_element_type3A_3, %cond3A_4 : i32
    scf.if %cond3A_5 {
      %mul3A = arith.constant 80 : i32
      %mul3A_15 = arith.muli %arg1, %mul3A : i32
      %add3A = arith.constant 0 : i32
      %add3A_16 = arith.addi %mul3A_15, %add3A : i32
      %dma_start3A = arith.constant 0 : i32
      %dma_start3A_17 = tpu.memref_slice %arg3[%add3A_16, %dma_start3A] : memref<2560x128xi32, #tpu.memory_space<hbm>> -> memref<40x128xi32, #tpu.memory_space<hbm>>
      %dma_start3A_18 = arith.constant 0 : i32
      %dma_start3A_19 = tpu.memref_slice %arg3[%add3A_16, %dma_start3A_18] : memref<2560x128xi32, #tpu.memory_space<hbm>> -> memref<40x128xi32, #tpu.memory_space<hbm>>
      tpu.enqueue_dma source(%dma_start3A_19 : memref<40x128xi32, #tpu.memory_space<hbm>>) target(%arg7 : memref<40x128xi32, #tpu.memory_space<vmem>>) target_semaphore(%arg11 : memref<!tpu.dma_semaphore, #tpu.memory_space<semaphore_mem>>)
      %dma_wait3A = arith.constant 0 : i32
      %dma_wait3A_20 = tpu.memref_slice %arg3[%add3A_16, %dma_wait3A] : memref<2560x128xi32, #tpu.memory_space<hbm>> -> memref<40x128xi32, #tpu.memory_space<hbm>>
      %dma_wait3A_21 = arith.constant 0 : i32
      %dma_wait3A_22 = tpu.memref_slice %arg3[%add3A_16, %dma_wait3A_21] : memref<2560x128xi32, #tpu.memory_space<hbm>> -> memref<40x128xi32, #tpu.memory_space<hbm>>
      tpu.wait_dma2 semaphore(%arg11 : memref<!tpu.dma_semaphore, #tpu.memory_space<semaphore_mem>>) src(%dma_wait3A_22 : memref<40x128xi32, #tpu.memory_space<hbm>>) dst(%arg7 : memref<40x128xi32, #tpu.memory_space<vmem>>)
      %dma_start3A_23 = arith.constant 0 : i32
      %dma_start3A_24 = tpu.memref_slice %arg4[%add3A_16, %dma_start3A_23] : memref<2560x128xi32, #tpu.memory_space<hbm>> -> memref<40x128xi32, #tpu.memory_space<hbm>>
      %dma_start3A_25 = arith.constant 0 : i32
      %dma_start3A_26 = tpu.memref_slice %arg4[%add3A_16, %dma_start3A_25] : memref<2560x128xi32, #tpu.memory_space<hbm>> -> memref<40x128xi32, #tpu.memory_space<hbm>>
      tpu.enqueue_dma source(%dma_start3A_26 : memref<40x128xi32, #tpu.memory_space<hbm>>) target(%arg8 : memref<40x128xi32, #tpu.memory_space<vmem>>) target_semaphore(%arg11 : memref<!tpu.dma_semaphore, #tpu.memory_space<semaphore_mem>>)
      %dma_wait3A_27 = arith.constant 0 : i32
      %dma_wait3A_28 = tpu.memref_slice %arg4[%add3A_16, %dma_wait3A_27] : memref<2560x128xi32, #tpu.memory_space<hbm>> -> memref<40x128xi32, #tpu.memory_space<hbm>>
      %dma_wait3A_29 = arith.constant 0 : i32
      %dma_wait3A_30 = tpu.memref_slice %arg4[%add3A_16, %dma_wait3A_29] : memref<2560x128xi32, #tpu.memory_space<hbm>> -> memref<40x128xi32, #tpu.memory_space<hbm>>
      tpu.wait_dma2 semaphore(%arg11 : memref<!tpu.dma_semaphore, #tpu.memory_space<semaphore_mem>>) src(%dma_wait3A_30 : memref<40x128xi32, #tpu.memory_space<hbm>>) dst(%arg8 : memref<40x128xi32, #tpu.memory_space<vmem>>)
      %dma_start3A_31 = arith.constant 0 : i32
      %dma_start3A_32 = arith.constant 0 : i32
      %dma_start3A_33 = arith.constant 0 : i32
      %dma_start3A_34 = arith.constant 0 : i32
      %dma_start3A_35 = tpu.memref_slice %arg9[%dma_start3A_32, %dma_start3A_33, %dma_start3A_34] : memref<2x128x8xf32, #tpu.memory_space<vmem>> -> memref<1x128x8xf32, #tpu.memory_space<vmem>>
      %dma_start3A_36 = tpu.memref_squeeze %dma_start3A_35 : memref<1x128x8xf32, #tpu.memory_space<vmem>> -> memref<128x8xf32, #tpu.memory_space<vmem>>
      %dma_start3A_37 = arith.constant 0 : i32
      %dma_start3A_38 = tpu.memref_slice %arg7[%dma_start3A_31, %dma_start3A_37] : memref<40x128xi32, #tpu.memory_space<vmem>> -> memref<1x128xi32, #tpu.memory_space<vmem>>
      %dma_start3A_39 = tpu.memref_squeeze %dma_start3A_38 : memref<1x128xi32, #tpu.memory_space<vmem>> -> memref<128xi32, #tpu.memory_space<vmem>>
      %dma_start3A_40 = arith.constant 0 : i32
      %dma_start3A_41 = arith.constant 0 : i32
      %dma_start3A_42 = tpu.memref_slice %arg2[%dma_start3A_40, %dma_start3A_41] : memref<10240x8xf32, #tpu.memory_space<hbm>> -> memref<10240x8xf32, #tpu.memory_space<hbm>>
      tpu.enqueue_indirect_dma source(%dma_start3A_42 : memref<10240x8xf32, #tpu.memory_space<hbm>>) target(%dma_start3A_36 : memref<128x8xf32, #tpu.memory_space<vmem>>) offsets(%dma_start3A_39 : memref<128xi32, #tpu.memory_space<vmem>>) semaphore(%arg12 : memref<!tpu.dma_semaphore, #tpu.memory_space<semaphore_mem>>)
      %scan3A = arith.constant 0 : i32
      %scan3A_43 = arith.constant 20 : i32
      %scan3A_44 = arith.addi %scan3A, %scan3A_43 : i32
      %scan3A_45 = arith.constant 1 : i32
      scf.for %scan3A_130 = %scan3A to %scan3A_44 step %scan3A_45  : i32 {
        %mul3A_131 = arith.constant 2 : i32
        %mul3A_132 = arith.muli %scan3A_130, %mul3A_131 : i32
        %add3A_133 = arith.constant 0 : i32
        %add3A_134 = arith.addi %add3A_133, %mul3A_132 : i32
        %dma_wait3A_135 = arith.constant 0 : i32
        %dma_wait3A_136 = arith.constant 0 : i32
        %dma_wait3A_137 = arith.constant 0 : i32
        %dma_wait3A_138 = tpu.memref_slice %arg9[%dma_wait3A_135, %dma_wait3A_136, %dma_wait3A_137] : memref<2x128x8xf32, #tpu.memory_space<vmem>> -> memref<1x128x8xf32, #tpu.memory_space<vmem>>
        %dma_wait3A_139 = tpu.memref_squeeze %dma_wait3A_138 : memref<1x128x8xf32, #tpu.memory_space<vmem>> -> memref<128x8xf32, #tpu.memory_space<vmem>>
        %dma_wait3A_140 = arith.constant 0 : i32
        %dma_wait3A_141 = tpu.memref_slice %arg7[%add3A_134, %dma_wait3A_140] : memref<40x128xi32, #tpu.memory_space<vmem>> -> memref<1x128xi32, #tpu.memory_space<vmem>>
        %dma_wait3A_142 = tpu.memref_squeeze %dma_wait3A_141 : memref<1x128xi32, #tpu.memory_space<vmem>> -> memref<128xi32, #tpu.memory_space<vmem>>
        %dma_wait3A_143 = arith.constant 0 : i32
        %dma_wait3A_144 = arith.constant 0 : i32
        %dma_wait3A_145 = tpu.memref_slice %arg2[%dma_wait3A_143, %dma_wait3A_144] : memref<10240x8xf32, #tpu.memory_space<hbm>> -> memref<10240x8xf32, #tpu.memory_space<hbm>>
        tpu.wait_indirect_dma semaphore(%arg12 : memref<!tpu.dma_semaphore, #tpu.memory_space<semaphore_mem>>) src(%dma_wait3A_145 : memref<10240x8xf32, #tpu.memory_space<hbm>>) dst(%dma_wait3A_139 : memref<128x8xf32, #tpu.memory_space<vmem>>)
        %dma_start3A_146 = arith.constant 0 : i32
        %dma_start3A_147 = arith.constant 0 : i32
        %dma_start3A_148 = arith.constant 0 : i32
        %dma_start3A_149 = tpu.memref_slice %arg9[%dma_start3A_146, %dma_start3A_147, %dma_start3A_148] : memref<2x128x8xf32, #tpu.memory_space<vmem>> -> memref<1x128x8xf32, #tpu.memory_space<vmem>>
        %dma_start3A_150 = tpu.memref_squeeze %dma_start3A_149 : memref<1x128x8xf32, #tpu.memory_space<vmem>> -> memref<128x8xf32, #tpu.memory_space<vmem>>
        %dma_start3A_151 = arith.constant 0 : i32
        %dma_start3A_152 = tpu.memref_slice %arg8[%add3A_134, %dma_start3A_151] : memref<40x128xi32, #tpu.memory_space<vmem>> -> memref<1x128xi32, #tpu.memory_space<vmem>>
        %dma_start3A_153 = tpu.memref_squeeze %dma_start3A_152 : memref<1x128xi32, #tpu.memory_space<vmem>> -> memref<128xi32, #tpu.memory_space<vmem>>
        %dma_start3A_154 = arith.constant 0 : i32
        %dma_start3A_155 = arith.constant 0 : i32
        %dma_start3A_156 = tpu.memref_slice %arg10[%dma_start3A_154, %dma_start3A_155] : memref<10240x8xf32, #tpu.memory_space<vmem_shared>> -> memref<10240x8xf32, #tpu.memory_space<vmem_shared>>
        tpu.enqueue_indirect_dma source(%dma_start3A_150 : memref<128x8xf32, #tpu.memory_space<vmem>>) target(%dma_start3A_156 : memref<10240x8xf32, #tpu.memory_space<vmem_shared>>) offsets(%dma_start3A_153 : memref<128xi32, #tpu.memory_space<vmem>>) semaphore(%arg14 : memref<!tpu.dma_semaphore, #tpu.memory_space<semaphore_mem>>) {add = true}
        %gt3A = arith.constant 0 : i32
        %gt3A_157 = arith.cmpi sgt, %add3A_134, %gt3A : i32
        %convert_element_type3A_158 = arith.extui %gt3A_157 : i1 to i32
        %cond3A_159 = arith.constant 0 : i32
        %cond3A_160 = arith.cmpi ne, %convert_element_type3A_158, %cond3A_159 : i32
        scf.if %cond3A_160 {
          %dma_wait3A_204 = arith.constant 1 : i32
          %dma_wait3A_205 = arith.constant 0 : i32
          %dma_wait3A_206 = arith.constant 0 : i32
          %dma_wait3A_207 = tpu.memref_slice %arg9[%dma_wait3A_204, %dma_wait3A_205, %dma_wait3A_206] : memref<2x128x8xf32, #tpu.memory_space<vmem>> -> memref<1x128x8xf32, #tpu.memory_space<vmem>>
          %dma_wait3A_208 = tpu.memref_squeeze %dma_wait3A_207 : memref<1x128x8xf32, #tpu.memory_space<vmem>> -> memref<128x8xf32, #tpu.memory_space<vmem>>
          %dma_wait3A_209 = arith.constant 0 : i32
          %dma_wait3A_210 = tpu.memref_slice %arg8[%add3A_134, %dma_wait3A_209] : memref<40x128xi32, #tpu.memory_space<vmem>> -> memref<1x128xi32, #tpu.memory_space<vmem>>
          %dma_wait3A_211 = tpu.memref_squeeze %dma_wait3A_210 : memref<1x128xi32, #tpu.memory_space<vmem>> -> memref<128xi32, #tpu.memory_space<vmem>>
          %dma_wait3A_212 = arith.constant 0 : i32
          %dma_wait3A_213 = arith.constant 0 : i32
          %dma_wait3A_214 = tpu.memref_slice %arg10[%dma_wait3A_212, %dma_wait3A_213] : memref<10240x8xf32, #tpu.memory_space<vmem_shared>> -> memref<10240x8xf32, #tpu.memory_space<vmem_shared>>
          tpu.wait_indirect_dma semaphore(%arg15 : memref<!tpu.dma_semaphore, #tpu.memory_space<semaphore_mem>>) src(%dma_wait3A_208 : memref<128x8xf32, #tpu.memory_space<vmem>>) dst(%dma_wait3A_214 : memref<10240x8xf32, #tpu.memory_space<vmem_shared>>)
        } else {
        }
        %add3A_161 = arith.constant 1 : i32
        %add3A_162 = arith.addi %add3A_134, %add3A_161 : i32
        %dma_start3A_163 = arith.constant 1 : i32
        %dma_start3A_164 = arith.constant 0 : i32
        %dma_start3A_165 = arith.constant 0 : i32
        %dma_start3A_166 = tpu.memref_slice %arg9[%dma_start3A_163, %dma_start3A_164, %dma_start3A_165] : memref<2x128x8xf32, #tpu.memory_space<vmem>> -> memref<1x128x8xf32, #tpu.memory_space<vmem>>
        %dma_start3A_167 = tpu.memref_squeeze %dma_start3A_166 : memref<1x128x8xf32, #tpu.memory_space<vmem>> -> memref<128x8xf32, #tpu.memory_space<vmem>>
        %dma_start3A_168 = arith.constant 0 : i32
        %dma_start3A_169 = tpu.memref_slice %arg7[%add3A_162, %dma_start3A_168] : memref<40x128xi32, #tpu.memory_space<vmem>> -> memref<1x128xi32, #tpu.memory_space<vmem>>
        %dma_start3A_170 = tpu.memref_squeeze %dma_start3A_169 : memref<1x128xi32, #tpu.memory_space<vmem>> -> memref<128xi32, #tpu.memory_space<vmem>>
        %dma_start3A_171 = arith.constant 0 : i32
        %dma_start3A_172 = arith.constant 0 : i32
        %dma_start3A_173 = tpu.memref_slice %arg2[%dma_start3A_171, %dma_start3A_172] : memref<10240x8xf32, #tpu.memory_space<hbm>> -> memref<10240x8xf32, #tpu.memory_space<hbm>>
        tpu.enqueue_indirect_dma source(%dma_start3A_173 : memref<10240x8xf32, #tpu.memory_space<hbm>>) target(%dma_start3A_167 : memref<128x8xf32, #tpu.memory_space<vmem>>) offsets(%dma_start3A_170 : memref<128xi32, #tpu.memory_space<vmem>>) semaphore(%arg13 : memref<!tpu.dma_semaphore, #tpu.memory_space<semaphore_mem>>)
        %dma_wait3A_174 = arith.constant 1 : i32
        %dma_wait3A_175 = arith.constant 0 : i32
        %dma_wait3A_176 = arith.constant 0 : i32
        %dma_wait3A_177 = tpu.memref_slice %arg9[%dma_wait3A_174, %dma_wait3A_175, %dma_wait3A_176] : memref<2x128x8xf32, #tpu.memory_space<vmem>> -> memref<1x128x8xf32, #tpu.memory_space<vmem>>
        %dma_wait3A_178 = tpu.memref_squeeze %dma_wait3A_177 : memref<1x128x8xf32, #tpu.memory_space<vmem>> -> memref<128x8xf32, #tpu.memory_space<vmem>>
        %dma_wait3A_179 = arith.constant 0 : i32
        %dma_wait3A_180 = tpu.memref_slice %arg7[%add3A_134, %dma_wait3A_179] : memref<40x128xi32, #tpu.memory_space<vmem>> -> memref<1x128xi32, #tpu.memory_space<vmem>>
        %dma_wait3A_181 = tpu.memref_squeeze %dma_wait3A_180 : memref<1x128xi32, #tpu.memory_space<vmem>> -> memref<128xi32, #tpu.memory_space<vmem>>
        %dma_wait3A_182 = arith.constant 0 : i32
        %dma_wait3A_183 = arith.constant 0 : i32
        %dma_wait3A_184 = tpu.memref_slice %arg2[%dma_wait3A_182, %dma_wait3A_183] : memref<10240x8xf32, #tpu.memory_space<hbm>> -> memref<10240x8xf32, #tpu.memory_space<hbm>>
        tpu.wait_indirect_dma semaphore(%arg13 : memref<!tpu.dma_semaphore, #tpu.memory_space<semaphore_mem>>) src(%dma_wait3A_184 : memref<10240x8xf32, #tpu.memory_space<hbm>>) dst(%dma_wait3A_178 : memref<128x8xf32, #tpu.memory_space<vmem>>)
        %add3A_185 = arith.constant 1 : i32
        %add3A_186 = arith.addi %add3A_134, %add3A_185 : i32
        %dma_start3A_187 = arith.constant 1 : i32
        %dma_start3A_188 = arith.constant 0 : i32
        %dma_start3A_189 = arith.constant 0 : i32
        %dma_start3A_190 = tpu.memref_slice %arg9[%dma_start3A_187, %dma_start3A_188, %dma_start3A_189] : memref<2x128x8xf32, #tpu.memory_space<vmem>> -> memref<1x128x8xf32, #tpu.memory_space<vmem>>
        %dma_start3A_191 = tpu.memref_squeeze %dma_start3A_190 : memref<1x128x8xf32, #tpu.memory_space<vmem>> -> memref<128x8xf32, #tpu.memory_space<vmem>>
        %dma_start3A_192 = arith.constant 0 : i32
        %dma_start3A_193 = tpu.memref_slice %arg8[%add3A_186, %dma_start3A_192] : memref<40x128xi32, #tpu.memory_space<vmem>> -> memref<1x128xi32, #tpu.memory_space<vmem>>
        %dma_start3A_194 = tpu.memref_squeeze %dma_start3A_193 : memref<1x128xi32, #tpu.memory_space<vmem>> -> memref<128xi32, #tpu.memory_space<vmem>>
        %dma_start3A_195 = arith.constant 0 : i32
        %dma_start3A_196 = arith.constant 0 : i32
        %dma_start3A_197 = tpu.memref_slice %arg10[%dma_start3A_195, %dma_start3A_196] : memref<10240x8xf32, #tpu.memory_space<vmem_shared>> -> memref<10240x8xf32, #tpu.memory_space<vmem_shared>>
        tpu.enqueue_indirect_dma source(%dma_start3A_191 : memref<128x8xf32, #tpu.memory_space<vmem>>) target(%dma_start3A_197 : memref<10240x8xf32, #tpu.memory_space<vmem_shared>>) offsets(%dma_start3A_194 : memref<128xi32, #tpu.memory_space<vmem>>) semaphore(%arg15 : memref<!tpu.dma_semaphore, #tpu.memory_space<semaphore_mem>>) {add = true}
        %add3A_198 = arith.constant 2 : i32
        %add3A_199 = arith.addi %add3A_134, %add3A_198 : i32
        %lt3A = arith.constant 40 : i32
        %lt3A_200 = arith.cmpi slt, %add3A_199, %lt3A : i32
        %convert_element_type3A_201 = arith.extui %lt3A_200 : i1 to i32
        %cond3A_202 = arith.constant 0 : i32
        %cond3A_203 = arith.cmpi ne, %convert_element_type3A_201, %cond3A_202 : i32
        scf.if %cond3A_203 {
          %dma_wait3A_204 = arith.constant 0 : i32
          %dma_wait3A_205 = arith.constant 0 : i32
          %dma_wait3A_206 = arith.constant 0 : i32
          %dma_wait3A_207 = tpu.memref_slice %arg9[%dma_wait3A_204, %dma_wait3A_205, %dma_wait3A_206] : memref<2x128x8xf32, #tpu.memory_space<vmem>> -> memref<1x128x8xf32, #tpu.memory_space<vmem>>
          %dma_wait3A_208 = tpu.memref_squeeze %dma_wait3A_207 : memref<1x128x8xf32, #tpu.memory_space<vmem>> -> memref<128x8xf32, #tpu.memory_space<vmem>>
          %dma_wait3A_209 = arith.constant 0 : i32
          %dma_wait3A_210 = tpu.memref_slice %arg8[%add3A_134, %dma_wait3A_209] : memref<40x128xi32, #tpu.memory_space<vmem>> -> memref<1x128xi32, #tpu.memory_space<vmem>>
          %dma_wait3A_211 = tpu.memref_squeeze %dma_wait3A_210 : memref<1x128xi32, #tpu.memory_space<vmem>> -> memref<128xi32, #tpu.memory_space<vmem>>
          %dma_wait3A_212 = arith.constant 0 : i32
          %dma_wait3A_213 = arith.constant 0 : i32
          %dma_wait3A_214 = tpu.memref_slice %arg10[%dma_wait3A_212, %dma_wait3A_213] : memref<10240x8xf32, #tpu.memory_space<vmem_shared>> -> memref<10240x8xf32, #tpu.memory_space<vmem_shared>>
          tpu.wait_indirect_dma semaphore(%arg14 : memref<!tpu.dma_semaphore, #tpu.memory_space<semaphore_mem>>) src(%dma_wait3A_208 : memref<128x8xf32, #tpu.memory_space<vmem>>) dst(%dma_wait3A_214 : memref<10240x8xf32, #tpu.memory_space<vmem_shared>>)
          %add3A_215 = arith.constant 2 : i32
          %add3A_216 = arith.addi %add3A_134, %add3A_215 : i32
          %dma_start3A_217 = arith.constant 0 : i32
          %dma_start3A_218 = arith.constant 0 : i32
          %dma_start3A_219 = arith.constant 0 : i32
          %dma_start3A_220 = tpu.memref_slice %arg9[%dma_start3A_217, %dma_start3A_218, %dma_start3A_219] : memref<2x128x8xf32, #tpu.memory_space<vmem>> -> memref<1x128x8xf32, #tpu.memory_space<vmem>>
          %dma_start3A_221 = tpu.memref_squeeze %dma_start3A_220 : memref<1x128x8xf32, #tpu.memory_space<vmem>> -> memref<128x8xf32, #tpu.memory_space<vmem>>
          %dma_start3A_222 = arith.constant 0 : i32
          %dma_start3A_223 = tpu.memref_slice %arg7[%add3A_216, %dma_start3A_222] : memref<40x128xi32, #tpu.memory_space<vmem>> -> memref<1x128xi32, #tpu.memory_space<vmem>>
          %dma_start3A_224 = tpu.memref_squeeze %dma_start3A_223 : memref<1x128xi32, #tpu.memory_space<vmem>> -> memref<128xi32, #tpu.memory_space<vmem>>
          %dma_start3A_225 = arith.constant 0 : i32
          %dma_start3A_226 = arith.constant 0 : i32
          %dma_start3A_227 = tpu.memref_slice %arg2[%dma_start3A_225, %dma_start3A_226] : memref<10240x8xf32, #tpu.memory_space<hbm>> -> memref<10240x8xf32, #tpu.memory_space<hbm>>
          tpu.enqueue_indirect_dma source(%dma_start3A_227 : memref<10240x8xf32, #tpu.memory_space<hbm>>) target(%dma_start3A_221 : memref<128x8xf32, #tpu.memory_space<vmem>>) offsets(%dma_start3A_224 : memref<128xi32, #tpu.memory_space<vmem>>) semaphore(%arg12 : memref<!tpu.dma_semaphore, #tpu.memory_space<semaphore_mem>>)
        } else {
        }
      }
      %scan3A_46 = arith.constant 20 : i32
      %dma_wait3A_47 = arith.constant 0 : i32
      %dma_wait3A_48 = arith.constant 0 : i32
      %dma_wait3A_49 = arith.constant 0 : i32
      %dma_wait3A_50 = arith.constant 0 : i32
      %dma_wait3A_51 = tpu.memref_slice %arg9[%dma_wait3A_47, %dma_wait3A_49, %dma_wait3A_50] : memref<2x128x8xf32, #tpu.memory_space<vmem>> -> memref<1x128x8xf32, #tpu.memory_space<vmem>>
      %dma_wait3A_52 = tpu.memref_squeeze %dma_wait3A_51 : memref<1x128x8xf32, #tpu.memory_space<vmem>> -> memref<128x8xf32, #tpu.memory_space<vmem>>
      %dma_wait3A_53 = arith.constant 0 : i32
      %dma_wait3A_54 = tpu.memref_slice %arg8[%dma_wait3A_48, %dma_wait3A_53] : memref<40x128xi32, #tpu.memory_space<vmem>> -> memref<1x128xi32, #tpu.memory_space<vmem>>
      %dma_wait3A_55 = tpu.memref_squeeze %dma_wait3A_54 : memref<1x128xi32, #tpu.memory_space<vmem>> -> memref<128xi32, #tpu.memory_space<vmem>>
      %dma_wait3A_56 = arith.constant 0 : i32
      %dma_wait3A_57 = arith.constant 0 : i32
      %dma_wait3A_58 = tpu.memref_slice %arg10[%dma_wait3A_56, %dma_wait3A_57] : memref<10240x8xf32, #tpu.memory_space<vmem_shared>> -> memref<10240x8xf32, #tpu.memory_space<vmem_shared>>
      tpu.wait_indirect_dma semaphore(%arg14 : memref<!tpu.dma_semaphore, #tpu.memory_space<semaphore_mem>>) src(%dma_wait3A_52 : memref<128x8xf32, #tpu.memory_space<vmem>>) dst(%dma_wait3A_58 : memref<10240x8xf32, #tpu.memory_space<vmem_shared>>)
      %dma_wait3A_59 = arith.constant 1 : i32
      %dma_wait3A_60 = arith.constant 0 : i32
      %dma_wait3A_61 = arith.constant 0 : i32
      %dma_wait3A_62 = arith.constant 0 : i32
      %dma_wait3A_63 = tpu.memref_slice %arg9[%dma_wait3A_59, %dma_wait3A_61, %dma_wait3A_62] : memref<2x128x8xf32, #tpu.memory_space<vmem>> -> memref<1x128x8xf32, #tpu.memory_space<vmem>>
      %dma_wait3A_64 = tpu.memref_squeeze %dma_wait3A_63 : memref<1x128x8xf32, #tpu.memory_space<vmem>> -> memref<128x8xf32, #tpu.memory_space<vmem>>
      %dma_wait3A_65 = arith.constant 0 : i32
      %dma_wait3A_66 = tpu.memref_slice %arg8[%dma_wait3A_60, %dma_wait3A_65] : memref<40x128xi32, #tpu.memory_space<vmem>> -> memref<1x128xi32, #tpu.memory_space<vmem>>
      %dma_wait3A_67 = tpu.memref_squeeze %dma_wait3A_66 : memref<1x128xi32, #tpu.memory_space<vmem>> -> memref<128xi32, #tpu.memory_space<vmem>>
      %dma_wait3A_68 = arith.constant 0 : i32
      %dma_wait3A_69 = arith.constant 0 : i32
      %dma_wait3A_70 = tpu.memref_slice %arg10[%dma_wait3A_68, %dma_wait3A_69] : memref<10240x8xf32, #tpu.memory_space<vmem_shared>> -> memref<10240x8xf32, #tpu.memory_space<vmem_shared>>
      tpu.wait_indirect_dma semaphore(%arg15 : memref<!tpu.dma_semaphore, #tpu.memory_space<semaphore_mem>>) src(%dma_wait3A_64 : memref<128x8xf32, #tpu.memory_space<vmem>>) dst(%dma_wait3A_70 : memref<10240x8xf32, #tpu.memory_space<vmem_shared>>)
      %add3A_71 = arith.constant 40 : i32
      %add3A_72 = arith.addi %mul3A_15, %add3A_71 : i32
      %dma_start3A_73 = arith.constant 0 : i32
      %dma_start3A_74 = tpu.memref_slice %arg3[%add3A_72, %dma_start3A_73] : memref<2560x128xi32, #tpu.memory_space<hbm>> -> memref<40x128xi32, #tpu.memory_space<hbm>>
      %dma_start3A_75 = arith.constant 0 : i32
      %dma_start3A_76 = tpu.memref_slice %arg3[%add3A_72, %dma_start3A_75] : memref<2560x128xi32, #tpu.memory_space<hbm>> -> memref<40x128xi32, #tpu.memory_space<hbm>>
      tpu.enqueue_dma source(%dma_start3A_76 : memref<40x128xi32, #tpu.memory_space<hbm>>) target(%arg7 : memref<40x128xi32, #tpu.memory_space<vmem>>) target_semaphore(%arg11 : memref<!tpu.dma_semaphore, #tpu.memory_space<semaphore_mem>>)
      %dma_wait3A_77 = arith.constant 0 : i32
      %dma_wait3A_78 = tpu.memref_slice %arg3[%add3A_72, %dma_wait3A_77] : memref<2560x128xi32, #tpu.memory_space<hbm>> -> memref<40x128xi32, #tpu.memory_space<hbm>>
      %dma_wait3A_79 = arith.constant 0 : i32
      %dma_wait3A_80 = tpu.memref_slice %arg3[%add3A_72, %dma_wait3A_79] : memref<2560x128xi32, #tpu.memory_space<hbm>> -> memref<40x128xi32, #tpu.memory_space<hbm>>
      tpu.wait_dma2 semaphore(%arg11 : memref<!tpu.dma_semaphore, #tpu.memory_space<semaphore_mem>>) src(%dma_wait3A_80 : memref<40x128xi32, #tpu.memory_space<hbm>>) dst(%arg7 : memref<40x128xi32, #tpu.memory_space<vmem>>)
      %dma_start3A_81 = arith.constant 0 : i32
      %dma_start3A_82 = tpu.memref_slice %arg4[%add3A_72, %dma_start3A_81] : memref<2560x128xi32, #tpu.memory_space<hbm>> -> memref<40x128xi32, #tpu.memory_space<hbm>>
      %dma_start3A_83 = arith.constant 0 : i32
      %dma_start3A_84 = tpu.memref_slice %arg4[%add3A_72, %dma_start3A_83] : memref<2560x128xi32, #tpu.memory_space<hbm>> -> memref<40x128xi32, #tpu.memory_space<hbm>>
      tpu.enqueue_dma source(%dma_start3A_84 : memref<40x128xi32, #tpu.memory_space<hbm>>) target(%arg8 : memref<40x128xi32, #tpu.memory_space<vmem>>) target_semaphore(%arg11 : memref<!tpu.dma_semaphore, #tpu.memory_space<semaphore_mem>>)
      %dma_wait3A_85 = arith.constant 0 : i32
      %dma_wait3A_86 = tpu.memref_slice %arg4[%add3A_72, %dma_wait3A_85] : memref<2560x128xi32, #tpu.memory_space<hbm>> -> memref<40x128xi32, #tpu.memory_space<hbm>>
      %dma_wait3A_87 = arith.constant 0 : i32
      %dma_wait3A_88 = tpu.memref_slice %arg4[%add3A_72, %dma_wait3A_87] : memref<2560x128xi32, #tpu.memory_space<hbm>> -> memref<40x128xi32, #tpu.memory_space<hbm>>
      tpu.wait_dma2 semaphore(%arg11 : memref<!tpu.dma_semaphore, #tpu.memory_space<semaphore_mem>>) src(%dma_wait3A_88 : memref<40x128xi32, #tpu.memory_space<hbm>>) dst(%arg8 : memref<40x128xi32, #tpu.memory_space<vmem>>)
      %dma_start3A_89 = arith.constant 0 : i32
      %dma_start3A_90 = arith.constant 0 : i32
      %dma_start3A_91 = arith.constant 0 : i32
      %dma_start3A_92 = arith.constant 0 : i32
      %dma_start3A_93 = tpu.memref_slice %arg9[%dma_start3A_90, %dma_start3A_91, %dma_start3A_92] : memref<2x128x8xf32, #tpu.memory_space<vmem>> -> memref<1x128x8xf32, #tpu.memory_space<vmem>>
      %dma_start3A_94 = tpu.memref_squeeze %dma_start3A_93 : memref<1x128x8xf32, #tpu.memory_space<vmem>> -> memref<128x8xf32, #tpu.memory_space<vmem>>
      %dma_start3A_95 = arith.constant 0 : i32
      %dma_start3A_96 = tpu.memref_slice %arg7[%dma_start3A_89, %dma_start3A_95] : memref<40x128xi32, #tpu.memory_space<vmem>> -> memref<1x128xi32, #tpu.memory_space<vmem>>
      %dma_start3A_97 = tpu.memref_squeeze %dma_start3A_96 : memref<1x128xi32, #tpu.memory_space<vmem>> -> memref<128xi32, #tpu.memory_space<vmem>>
      %dma_start3A_98 = arith.constant 0 : i32
      %dma_start3A_99 = arith.constant 0 : i32
      %dma_start3A_100 = tpu.memref_slice %arg2[%dma_start3A_98, %dma_start3A_99] : memref<10240x8xf32, #tpu.memory_space<hbm>> -> memref<10240x8xf32, #tpu.memory_space<hbm>>
      tpu.enqueue_indirect_dma source(%dma_start3A_100 : memref<10240x8xf32, #tpu.memory_space<hbm>>) target(%dma_start3A_94 : memref<128x8xf32, #tpu.memory_space<vmem>>) offsets(%dma_start3A_97 : memref<128xi32, #tpu.memory_space<vmem>>) semaphore(%arg12 : memref<!tpu.dma_semaphore, #tpu.memory_space<semaphore_mem>>)
      %scan3A_101 = arith.constant 0 : i32
      %scan3A_102 = arith.constant 20 : i32
      %scan3A_103 = arith.addi %scan3A_101, %scan3A_102 : i32
      %scan3A_104 = arith.constant 1 : i32
      scf.for %scan3A_130 = %scan3A_101 to %scan3A_103 step %scan3A_104  : i32 {
        %mul3A_131 = arith.constant 2 : i32
        %mul3A_132 = arith.muli %scan3A_130, %mul3A_131 : i32
        %add3A_133 = arith.constant 0 : i32
        %add3A_134 = arith.addi %add3A_133, %mul3A_132 : i32
        %dma_wait3A_135 = arith.constant 0 : i32
        %dma_wait3A_136 = arith.constant 0 : i32
        %dma_wait3A_137 = arith.constant 0 : i32
        %dma_wait3A_138 = tpu.memref_slice %arg9[%dma_wait3A_135, %dma_wait3A_136, %dma_wait3A_137] : memref<2x128x8xf32, #tpu.memory_space<vmem>> -> memref<1x128x8xf32, #tpu.memory_space<vmem>>
        %dma_wait3A_139 = tpu.memref_squeeze %dma_wait3A_138 : memref<1x128x8xf32, #tpu.memory_space<vmem>> -> memref<128x8xf32, #tpu.memory_space<vmem>>
        %dma_wait3A_140 = arith.constant 0 : i32
        %dma_wait3A_141 = tpu.memref_slice %arg7[%add3A_134, %dma_wait3A_140] : memref<40x128xi32, #tpu.memory_space<vmem>> -> memref<1x128xi32, #tpu.memory_space<vmem>>
        %dma_wait3A_142 = tpu.memref_squeeze %dma_wait3A_141 : memref<1x128xi32, #tpu.memory_space<vmem>> -> memref<128xi32, #tpu.memory_space<vmem>>
        %dma_wait3A_143 = arith.constant 0 : i32
        %dma_wait3A_144 = arith.constant 0 : i32
        %dma_wait3A_145 = tpu.memref_slice %arg2[%dma_wait3A_143, %dma_wait3A_144] : memref<10240x8xf32, #tpu.memory_space<hbm>> -> memref<10240x8xf32, #tpu.memory_space<hbm>>
        tpu.wait_indirect_dma semaphore(%arg12 : memref<!tpu.dma_semaphore, #tpu.memory_space<semaphore_mem>>) src(%dma_wait3A_145 : memref<10240x8xf32, #tpu.memory_space<hbm>>) dst(%dma_wait3A_139 : memref<128x8xf32, #tpu.memory_space<vmem>>)
        %dma_start3A_146 = arith.constant 0 : i32
        %dma_start3A_147 = arith.constant 0 : i32
        %dma_start3A_148 = arith.constant 0 : i32
        %dma_start3A_149 = tpu.memref_slice %arg9[%dma_start3A_146, %dma_start3A_147, %dma_start3A_148] : memref<2x128x8xf32, #tpu.memory_space<vmem>> -> memref<1x128x8xf32, #tpu.memory_space<vmem>>
        %dma_start3A_150 = tpu.memref_squeeze %dma_start3A_149 : memref<1x128x8xf32, #tpu.memory_space<vmem>> -> memref<128x8xf32, #tpu.memory_space<vmem>>
        %dma_start3A_151 = arith.constant 0 : i32
        %dma_start3A_152 = tpu.memref_slice %arg8[%add3A_134, %dma_start3A_151] : memref<40x128xi32, #tpu.memory_space<vmem>> -> memref<1x128xi32, #tpu.memory_space<vmem>>
        %dma_start3A_153 = tpu.memref_squeeze %dma_start3A_152 : memref<1x128xi32, #tpu.memory_space<vmem>> -> memref<128xi32, #tpu.memory_space<vmem>>
        %dma_start3A_154 = arith.constant 0 : i32
        %dma_start3A_155 = arith.constant 0 : i32
        %dma_start3A_156 = tpu.memref_slice %arg10[%dma_start3A_154, %dma_start3A_155] : memref<10240x8xf32, #tpu.memory_space<vmem_shared>> -> memref<10240x8xf32, #tpu.memory_space<vmem_shared>>
        tpu.enqueue_indirect_dma source(%dma_start3A_150 : memref<128x8xf32, #tpu.memory_space<vmem>>) target(%dma_start3A_156 : memref<10240x8xf32, #tpu.memory_space<vmem_shared>>) offsets(%dma_start3A_153 : memref<128xi32, #tpu.memory_space<vmem>>) semaphore(%arg14 : memref<!tpu.dma_semaphore, #tpu.memory_space<semaphore_mem>>) {add = true}
        %gt3A = arith.constant 0 : i32
        %gt3A_157 = arith.cmpi sgt, %add3A_134, %gt3A : i32
        %convert_element_type3A_158 = arith.extui %gt3A_157 : i1 to i32
        %cond3A_159 = arith.constant 0 : i32
        %cond3A_160 = arith.cmpi ne, %convert_element_type3A_158, %cond3A_159 : i32
        scf.if %cond3A_160 {
          %dma_wait3A_204 = arith.constant 1 : i32
          %dma_wait3A_205 = arith.constant 0 : i32
          %dma_wait3A_206 = arith.constant 0 : i32
          %dma_wait3A_207 = tpu.memref_slice %arg9[%dma_wait3A_204, %dma_wait3A_205, %dma_wait3A_206] : memref<2x128x8xf32, #tpu.memory_space<vmem>> -> memref<1x128x8xf32, #tpu.memory_space<vmem>>
          %dma_wait3A_208 = tpu.memref_squeeze %dma_wait3A_207 : memref<1x128x8xf32, #tpu.memory_space<vmem>> -> memref<128x8xf32, #tpu.memory_space<vmem>>
          %dma_wait3A_209 = arith.constant 0 : i32
          %dma_wait3A_210 = tpu.memref_slice %arg8[%add3A_134, %dma_wait3A_209] : memref<40x128xi32, #tpu.memory_space<vmem>> -> memref<1x128xi32, #tpu.memory_space<vmem>>
          %dma_wait3A_211 = tpu.memref_squeeze %dma_wait3A_210 : memref<1x128xi32, #tpu.memory_space<vmem>> -> memref<128xi32, #tpu.memory_space<vmem>>
          %dma_wait3A_212 = arith.constant 0 : i32
          %dma_wait3A_213 = arith.constant 0 : i32
          %dma_wait3A_214 = tpu.memref_slice %arg10[%dma_wait3A_212, %dma_wait3A_213] : memref<10240x8xf32, #tpu.memory_space<vmem_shared>> -> memref<10240x8xf32, #tpu.memory_space<vmem_shared>>
          tpu.wait_indirect_dma semaphore(%arg15 : memref<!tpu.dma_semaphore, #tpu.memory_space<semaphore_mem>>) src(%dma_wait3A_208 : memref<128x8xf32, #tpu.memory_space<vmem>>) dst(%dma_wait3A_214 : memref<10240x8xf32, #tpu.memory_space<vmem_shared>>)
        } else {
        }
        %add3A_161 = arith.constant 1 : i32
        %add3A_162 = arith.addi %add3A_134, %add3A_161 : i32
        %dma_start3A_163 = arith.constant 1 : i32
        %dma_start3A_164 = arith.constant 0 : i32
        %dma_start3A_165 = arith.constant 0 : i32
        %dma_start3A_166 = tpu.memref_slice %arg9[%dma_start3A_163, %dma_start3A_164, %dma_start3A_165] : memref<2x128x8xf32, #tpu.memory_space<vmem>> -> memref<1x128x8xf32, #tpu.memory_space<vmem>>
        %dma_start3A_167 = tpu.memref_squeeze %dma_start3A_166 : memref<1x128x8xf32, #tpu.memory_space<vmem>> -> memref<128x8xf32, #tpu.memory_space<vmem>>
        %dma_start3A_168 = arith.constant 0 : i32
        %dma_start3A_169 = tpu.memref_slice %arg7[%add3A_162, %dma_start3A_168] : memref<40x128xi32, #tpu.memory_space<vmem>> -> memref<1x128xi32, #tpu.memory_space<vmem>>
        %dma_start3A_170 = tpu.memref_squeeze %dma_start3A_169 : memref<1x128xi32, #tpu.memory_space<vmem>> -> memref<128xi32, #tpu.memory_space<vmem>>
        %dma_start3A_171 = arith.constant 0 : i32
        %dma_start3A_172 = arith.constant 0 : i32
        %dma_start3A_173 = tpu.memref_slice %arg2[%dma_start3A_171, %dma_start3A_172] : memref<10240x8xf32, #tpu.memory_space<hbm>> -> memref<10240x8xf32, #tpu.memory_space<hbm>>
        tpu.enqueue_indirect_dma source(%dma_start3A_173 : memref<10240x8xf32, #tpu.memory_space<hbm>>) target(%dma_start3A_167 : memref<128x8xf32, #tpu.memory_space<vmem>>) offsets(%dma_start3A_170 : memref<128xi32, #tpu.memory_space<vmem>>) semaphore(%arg13 : memref<!tpu.dma_semaphore, #tpu.memory_space<semaphore_mem>>)
        %dma_wait3A_174 = arith.constant 1 : i32
        %dma_wait3A_175 = arith.constant 0 : i32
        %dma_wait3A_176 = arith.constant 0 : i32
        %dma_wait3A_177 = tpu.memref_slice %arg9[%dma_wait3A_174, %dma_wait3A_175, %dma_wait3A_176] : memref<2x128x8xf32, #tpu.memory_space<vmem>> -> memref<1x128x8xf32, #tpu.memory_space<vmem>>
        %dma_wait3A_178 = tpu.memref_squeeze %dma_wait3A_177 : memref<1x128x8xf32, #tpu.memory_space<vmem>> -> memref<128x8xf32, #tpu.memory_space<vmem>>
        %dma_wait3A_179 = arith.constant 0 : i32
        %dma_wait3A_180 = tpu.memref_slice %arg7[%add3A_134, %dma_wait3A_179] : memref<40x128xi32, #tpu.memory_space<vmem>> -> memref<1x128xi32, #tpu.memory_space<vmem>>
        %dma_wait3A_181 = tpu.memref_squeeze %dma_wait3A_180 : memref<1x128xi32, #tpu.memory_space<vmem>> -> memref<128xi32, #tpu.memory_space<vmem>>
        %dma_wait3A_182 = arith.constant 0 : i32
        %dma_wait3A_183 = arith.constant 0 : i32
        %dma_wait3A_184 = tpu.memref_slice %arg2[%dma_wait3A_182, %dma_wait3A_183] : memref<10240x8xf32, #tpu.memory_space<hbm>> -> memref<10240x8xf32, #tpu.memory_space<hbm>>
        tpu.wait_indirect_dma semaphore(%arg13 : memref<!tpu.dma_semaphore, #tpu.memory_space<semaphore_mem>>) src(%dma_wait3A_184 : memref<10240x8xf32, #tpu.memory_space<hbm>>) dst(%dma_wait3A_178 : memref<128x8xf32, #tpu.memory_space<vmem>>)
        %add3A_185 = arith.constant 1 : i32
        %add3A_186 = arith.addi %add3A_134, %add3A_185 : i32
        %dma_start3A_187 = arith.constant 1 : i32
        %dma_start3A_188 = arith.constant 0 : i32
        %dma_start3A_189 = arith.constant 0 : i32
        %dma_start3A_190 = tpu.memref_slice %arg9[%dma_start3A_187, %dma_start3A_188, %dma_start3A_189] : memref<2x128x8xf32, #tpu.memory_space<vmem>> -> memref<1x128x8xf32, #tpu.memory_space<vmem>>
        %dma_start3A_191 = tpu.memref_squeeze %dma_start3A_190 : memref<1x128x8xf32, #tpu.memory_space<vmem>> -> memref<128x8xf32, #tpu.memory_space<vmem>>
        %dma_start3A_192 = arith.constant 0 : i32
        %dma_start3A_193 = tpu.memref_slice %arg8[%add3A_186, %dma_start3A_192] : memref<40x128xi32, #tpu.memory_space<vmem>> -> memref<1x128xi32, #tpu.memory_space<vmem>>
        %dma_start3A_194 = tpu.memref_squeeze %dma_start3A_193 : memref<1x128xi32, #tpu.memory_space<vmem>> -> memref<128xi32, #tpu.memory_space<vmem>>
        %dma_start3A_195 = arith.constant 0 : i32
        %dma_start3A_196 = arith.constant 0 : i32
        %dma_start3A_197 = tpu.memref_slice %arg10[%dma_start3A_195, %dma_start3A_196] : memref<10240x8xf32, #tpu.memory_space<vmem_shared>> -> memref<10240x8xf32, #tpu.memory_space<vmem_shared>>
        tpu.enqueue_indirect_dma source(%dma_start3A_191 : memref<128x8xf32, #tpu.memory_space<vmem>>) target(%dma_start3A_197 : memref<10240x8xf32, #tpu.memory_space<vmem_shared>>) offsets(%dma_start3A_194 : memref<128xi32, #tpu.memory_space<vmem>>) semaphore(%arg15 : memref<!tpu.dma_semaphore, #tpu.memory_space<semaphore_mem>>) {add = true}
        %add3A_198 = arith.constant 2 : i32
        %add3A_199 = arith.addi %add3A_134, %add3A_198 : i32
        %lt3A = arith.constant 40 : i32
        %lt3A_200 = arith.cmpi slt, %add3A_199, %lt3A : i32
        %convert_element_type3A_201 = arith.extui %lt3A_200 : i1 to i32
        %cond3A_202 = arith.constant 0 : i32
        %cond3A_203 = arith.cmpi ne, %convert_element_type3A_201, %cond3A_202 : i32
        scf.if %cond3A_203 {
          %dma_wait3A_204 = arith.constant 0 : i32
          %dma_wait3A_205 = arith.constant 0 : i32
          %dma_wait3A_206 = arith.constant 0 : i32
          %dma_wait3A_207 = tpu.memref_slice %arg9[%dma_wait3A_204, %dma_wait3A_205, %dma_wait3A_206] : memref<2x128x8xf32, #tpu.memory_space<vmem>> -> memref<1x128x8xf32, #tpu.memory_space<vmem>>
          %dma_wait3A_208 = tpu.memref_squeeze %dma_wait3A_207 : memref<1x128x8xf32, #tpu.memory_space<vmem>> -> memref<128x8xf32, #tpu.memory_space<vmem>>
          %dma_wait3A_209 = arith.constant 0 : i32
          %dma_wait3A_210 = tpu.memref_slice %arg8[%add3A_134, %dma_wait3A_209] : memref<40x128xi32, #tpu.memory_space<vmem>> -> memref<1x128xi32, #tpu.memory_space<vmem>>
          %dma_wait3A_211 = tpu.memref_squeeze %dma_wait3A_210 : memref<1x128xi32, #tpu.memory_space<vmem>> -> memref<128xi32, #tpu.memory_space<vmem>>
          %dma_wait3A_212 = arith.constant 0 : i32
          %dma_wait3A_213 = arith.constant 0 : i32
          %dma_wait3A_214 = tpu.memref_slice %arg10[%dma_wait3A_212, %dma_wait3A_213] : memref<10240x8xf32, #tpu.memory_space<vmem_shared>> -> memref<10240x8xf32, #tpu.memory_space<vmem_shared>>
          tpu.wait_indirect_dma semaphore(%arg14 : memref<!tpu.dma_semaphore, #tpu.memory_space<semaphore_mem>>) src(%dma_wait3A_208 : memref<128x8xf32, #tpu.memory_space<vmem>>) dst(%dma_wait3A_214 : memref<10240x8xf32, #tpu.memory_space<vmem_shared>>)
          %add3A_215 = arith.constant 2 : i32
          %add3A_216 = arith.addi %add3A_134, %add3A_215 : i32
          %dma_start3A_217 = arith.constant 0 : i32
          %dma_start3A_218 = arith.constant 0 : i32
          %dma_start3A_219 = arith.constant 0 : i32
          %dma_start3A_220 = tpu.memref_slice %arg9[%dma_start3A_217, %dma_start3A_218, %dma_start3A_219] : memref<2x128x8xf32, #tpu.memory_space<vmem>> -> memref<1x128x8xf32, #tpu.memory_space<vmem>>
          %dma_start3A_221 = tpu.memref_squeeze %dma_start3A_220 : memref<1x128x8xf32, #tpu.memory_space<vmem>> -> memref<128x8xf32, #tpu.memory_space<vmem>>
          %dma_start3A_222 = arith.constant 0 : i32
          %dma_start3A_223 = tpu.memref_slice %arg7[%add3A_216, %dma_start3A_222] : memref<40x128xi32, #tpu.memory_space<vmem>> -> memref<1x128xi32, #tpu.memory_space<vmem>>
          %dma_start3A_224 = tpu.memref_squeeze %dma_start3A_223 : memref<1x128xi32, #tpu.memory_space<vmem>> -> memref<128xi32, #tpu.memory_space<vmem>>
          %dma_start3A_225 = arith.constant 0 : i32
          %dma_start3A_226 = arith.constant 0 : i32
          %dma_start3A_227 = tpu.memref_slice %arg2[%dma_start3A_225, %dma_start3A_226] : memref<10240x8xf32, #tpu.memory_space<hbm>> -> memref<10240x8xf32, #tpu.memory_space<hbm>>
          tpu.enqueue_indirect_dma source(%dma_start3A_227 : memref<10240x8xf32, #tpu.memory_space<hbm>>) target(%dma_start3A_221 : memref<128x8xf32, #tpu.memory_space<vmem>>) offsets(%dma_start3A_224 : memref<128xi32, #tpu.memory_space<vmem>>) semaphore(%arg12 : memref<!tpu.dma_semaphore, #tpu.memory_space<semaphore_mem>>)
        } else {
        }
      }
      %scan3A_105 = arith.constant 20 : i32
      %dma_wait3A_106 = arith.constant 0 : i32
      %dma_wait3A_107 = arith.constant 0 : i32
      %dma_wait3A_108 = arith.constant 0 : i32
      %dma_wait3A_109 = arith.constant 0 : i32
      %dma_wait3A_110 = tpu.memref_slice %arg9[%dma_wait3A_106, %dma_wait3A_108, %dma_wait3A_109] : memref<2x128x8xf32, #tpu.memory_space<vmem>> -> memref<1x128x8xf32, #tpu.memory_space<vmem>>
      %dma_wait3A_111 = tpu.memref_squeeze %dma_wait3A_110 : memref<1x128x8xf32, #tpu.memory_space<vmem>> -> memref<128x8xf32, #tpu.memory_space<vmem>>
      %dma_wait3A_112 = arith.constant 0 : i32
      %dma_wait3A_113 = tpu.memref_slice %arg8[%dma_wait3A_107, %dma_wait3A_112] : memref<40x128xi32, #tpu.memory_space<vmem>> -> memref<1x128xi32, #tpu.memory_space<vmem>>
      %dma_wait3A_114 = tpu.memref_squeeze %dma_wait3A_113 : memref<1x128xi32, #tpu.memory_space<vmem>> -> memref<128xi32, #tpu.memory_space<vmem>>
      %dma_wait3A_115 = arith.constant 0 : i32
      %dma_wait3A_116 = arith.constant 0 : i32
      %dma_wait3A_117 = tpu.memref_slice %arg10[%dma_wait3A_115, %dma_wait3A_116] : memref<10240x8xf32, #tpu.memory_space<vmem_shared>> -> memref<10240x8xf32, #tpu.memory_space<vmem_shared>>
      tpu.wait_indirect_dma semaphore(%arg14 : memref<!tpu.dma_semaphore, #tpu.memory_space<semaphore_mem>>) src(%dma_wait3A_111 : memref<128x8xf32, #tpu.memory_space<vmem>>) dst(%dma_wait3A_117 : memref<10240x8xf32, #tpu.memory_space<vmem_shared>>)
      %dma_wait3A_118 = arith.constant 1 : i32
      %dma_wait3A_119 = arith.constant 0 : i32
      %dma_wait3A_120 = arith.constant 0 : i32
      %dma_wait3A_121 = arith.constant 0 : i32
      %dma_wait3A_122 = tpu.memref_slice %arg9[%dma_wait3A_118, %dma_wait3A_120, %dma_wait3A_121] : memref<2x128x8xf32, #tpu.memory_space<vmem>> -> memref<1x128x8xf32, #tpu.memory_space<vmem>>
      %dma_wait3A_123 = tpu.memref_squeeze %dma_wait3A_122 : memref<1x128x8xf32, #tpu.memory_space<vmem>> -> memref<128x8xf32, #tpu.memory_space<vmem>>
      %dma_wait3A_124 = arith.constant 0 : i32
      %dma_wait3A_125 = tpu.memref_slice %arg8[%dma_wait3A_119, %dma_wait3A_124] : memref<40x128xi32, #tpu.memory_space<vmem>> -> memref<1x128xi32, #tpu.memory_space<vmem>>
      %dma_wait3A_126 = tpu.memref_squeeze %dma_wait3A_125 : memref<1x128xi32, #tpu.memory_space<vmem>> -> memref<128xi32, #tpu.memory_space<vmem>>
      %dma_wait3A_127 = arith.constant 0 : i32
      %dma_wait3A_128 = arith.constant 0 : i32
      %dma_wait3A_129 = tpu.memref_slice %arg10[%dma_wait3A_127, %dma_wait3A_128] : memref<10240x8xf32, #tpu.memory_space<vmem_shared>> -> memref<10240x8xf32, #tpu.memory_space<vmem_shared>>
      tpu.wait_indirect_dma semaphore(%arg15 : memref<!tpu.dma_semaphore, #tpu.memory_space<semaphore_mem>>) src(%dma_wait3A_123 : memref<128x8xf32, #tpu.memory_space<vmem>>) dst(%dma_wait3A_129 : memref<10240x8xf32, #tpu.memory_space<vmem_shared>>)
    } else {
    }
    %eq3A_6 = arith.constant 1 : i32
    %eq3A_7 = arith.cmpi eq, %arg0, %eq3A_6 : i32
    %convert_element_type3A_8 = arith.extui %eq3A_7 : i1 to i32
    %cond3A_9 = arith.constant 0 : i32
    %cond3A_10 = arith.cmpi ne, %convert_element_type3A_8, %cond3A_9 : i32
    scf.if %cond3A_10 {
      %mul3A = arith.constant 80 : i32
      %mul3A_15 = arith.muli %arg1, %mul3A : i32
      %add3A = arith.constant 1280 : i32
      %add3A_16 = arith.addi %add3A, %mul3A_15 : i32
      %add3A_17 = arith.constant 0 : i32
      %add3A_18 = arith.addi %add3A_16, %add3A_17 : i32
      %dma_start3A = arith.constant 0 : i32
      %dma_start3A_19 = tpu.memref_slice %arg3[%add3A_18, %dma_start3A] : memref<2560x128xi32, #tpu.memory_space<hbm>> -> memref<40x128xi32, #tpu.memory_space<hbm>>
      %dma_start3A_20 = arith.constant 0 : i32
      %dma_start3A_21 = tpu.memref_slice %arg3[%add3A_18, %dma_start3A_20] : memref<2560x128xi32, #tpu.memory_space<hbm>> -> memref<40x128xi32, #tpu.memory_space<hbm>>
      tpu.enqueue_dma source(%dma_start3A_21 : memref<40x128xi32, #tpu.memory_space<hbm>>) target(%arg7 : memref<40x128xi32, #tpu.memory_space<vmem>>) target_semaphore(%arg11 : memref<!tpu.dma_semaphore, #tpu.memory_space<semaphore_mem>>)
      %dma_wait3A = arith.constant 0 : i32
      %dma_wait3A_22 = tpu.memref_slice %arg3[%add3A_18, %dma_wait3A] : memref<2560x128xi32, #tpu.memory_space<hbm>> -> memref<40x128xi32, #tpu.memory_space<hbm>>
      %dma_wait3A_23 = arith.constant 0 : i32
      %dma_wait3A_24 = tpu.memref_slice %arg3[%add3A_18, %dma_wait3A_23] : memref<2560x128xi32, #tpu.memory_space<hbm>> -> memref<40x128xi32, #tpu.memory_space<hbm>>
      tpu.wait_dma2 semaphore(%arg11 : memref<!tpu.dma_semaphore, #tpu.memory_space<semaphore_mem>>) src(%dma_wait3A_24 : memref<40x128xi32, #tpu.memory_space<hbm>>) dst(%arg7 : memref<40x128xi32, #tpu.memory_space<vmem>>)
      %dma_start3A_25 = arith.constant 0 : i32
      %dma_start3A_26 = tpu.memref_slice %arg4[%add3A_18, %dma_start3A_25] : memref<2560x128xi32, #tpu.memory_space<hbm>> -> memref<40x128xi32, #tpu.memory_space<hbm>>
      %dma_start3A_27 = arith.constant 0 : i32
      %dma_start3A_28 = tpu.memref_slice %arg4[%add3A_18, %dma_start3A_27] : memref<2560x128xi32, #tpu.memory_space<hbm>> -> memref<40x128xi32, #tpu.memory_space<hbm>>
      tpu.enqueue_dma source(%dma_start3A_28 : memref<40x128xi32, #tpu.memory_space<hbm>>) target(%arg8 : memref<40x128xi32, #tpu.memory_space<vmem>>) target_semaphore(%arg11 : memref<!tpu.dma_semaphore, #tpu.memory_space<semaphore_mem>>)
      %dma_wait3A_29 = arith.constant 0 : i32
      %dma_wait3A_30 = tpu.memref_slice %arg4[%add3A_18, %dma_wait3A_29] : memref<2560x128xi32, #tpu.memory_space<hbm>> -> memref<40x128xi32, #tpu.memory_space<hbm>>
      %dma_wait3A_31 = arith.constant 0 : i32
      %dma_wait3A_32 = tpu.memref_slice %arg4[%add3A_18, %dma_wait3A_31] : memref<2560x128xi32, #tpu.memory_space<hbm>> -> memref<40x128xi32, #tpu.memory_space<hbm>>
      tpu.wait_dma2 semaphore(%arg11 : memref<!tpu.dma_semaphore, #tpu.memory_space<semaphore_mem>>) src(%dma_wait3A_32 : memref<40x128xi32, #tpu.memory_space<hbm>>) dst(%arg8 : memref<40x128xi32, #tpu.memory_space<vmem>>)
      %dma_start3A_33 = arith.constant 0 : i32
      %dma_start3A_34 = arith.constant 0 : i32
      %dma_start3A_35 = arith.constant 0 : i32
      %dma_start3A_36 = arith.constant 0 : i32
      %dma_start3A_37 = tpu.memref_slice %arg9[%dma_start3A_34, %dma_start3A_35, %dma_start3A_36] : memref<2x128x8xf32, #tpu.memory_space<vmem>> -> memref<1x128x8xf32, #tpu.memory_space<vmem>>
      %dma_start3A_38 = tpu.memref_squeeze %dma_start3A_37 : memref<1x128x8xf32, #tpu.memory_space<vmem>> -> memref<128x8xf32, #tpu.memory_space<vmem>>
      %dma_start3A_39 = arith.constant 0 : i32
      %dma_start3A_40 = tpu.memref_slice %arg7[%dma_start3A_33, %dma_start3A_39] : memref<40x128xi32, #tpu.memory_space<vmem>> -> memref<1x128xi32, #tpu.memory_space<vmem>>
      %dma_start3A_41 = tpu.memref_squeeze %dma_start3A_40 : memref<1x128xi32, #tpu.memory_space<vmem>> -> memref<128xi32, #tpu.memory_space<vmem>>
      %dma_start3A_42 = arith.constant 0 : i32
      %dma_start3A_43 = arith.constant 0 : i32
      %dma_start3A_44 = tpu.memref_slice %arg2[%dma_start3A_42, %dma_start3A_43] : memref<10240x8xf32, #tpu.memory_space<hbm>> -> memref<10240x8xf32, #tpu.memory_space<hbm>>
      tpu.enqueue_indirect_dma source(%dma_start3A_44 : memref<10240x8xf32, #tpu.memory_space<hbm>>) target(%dma_start3A_38 : memref<128x8xf32, #tpu.memory_space<vmem>>) offsets(%dma_start3A_41 : memref<128xi32, #tpu.memory_space<vmem>>) semaphore(%arg12 : memref<!tpu.dma_semaphore, #tpu.memory_space<semaphore_mem>>)
      %scan3A = arith.constant 0 : i32
      %scan3A_45 = arith.constant 20 : i32
      %scan3A_46 = arith.addi %scan3A, %scan3A_45 : i32
      %scan3A_47 = arith.constant 1 : i32
      scf.for %scan3A_132 = %scan3A to %scan3A_46 step %scan3A_47  : i32 {
        %mul3A_133 = arith.constant 2 : i32
        %mul3A_134 = arith.muli %scan3A_132, %mul3A_133 : i32
        %add3A_135 = arith.constant 0 : i32
        %add3A_136 = arith.addi %add3A_135, %mul3A_134 : i32
        %dma_wait3A_137 = arith.constant 0 : i32
        %dma_wait3A_138 = arith.constant 0 : i32
        %dma_wait3A_139 = arith.constant 0 : i32
        %dma_wait3A_140 = tpu.memref_slice %arg9[%dma_wait3A_137, %dma_wait3A_138, %dma_wait3A_139] : memref<2x128x8xf32, #tpu.memory_space<vmem>> -> memref<1x128x8xf32, #tpu.memory_space<vmem>>
        %dma_wait3A_141 = tpu.memref_squeeze %dma_wait3A_140 : memref<1x128x8xf32, #tpu.memory_space<vmem>> -> memref<128x8xf32, #tpu.memory_space<vmem>>
        %dma_wait3A_142 = arith.constant 0 : i32
        %dma_wait3A_143 = tpu.memref_slice %arg7[%add3A_136, %dma_wait3A_142] : memref<40x128xi32, #tpu.memory_space<vmem>> -> memref<1x128xi32, #tpu.memory_space<vmem>>
        %dma_wait3A_144 = tpu.memref_squeeze %dma_wait3A_143 : memref<1x128xi32, #tpu.memory_space<vmem>> -> memref<128xi32, #tpu.memory_space<vmem>>
        %dma_wait3A_145 = arith.constant 0 : i32
        %dma_wait3A_146 = arith.constant 0 : i32
        %dma_wait3A_147 = tpu.memref_slice %arg2[%dma_wait3A_145, %dma_wait3A_146] : memref<10240x8xf32, #tpu.memory_space<hbm>> -> memref<10240x8xf32, #tpu.memory_space<hbm>>
        tpu.wait_indirect_dma semaphore(%arg12 : memref<!tpu.dma_semaphore, #tpu.memory_space<semaphore_mem>>) src(%dma_wait3A_147 : memref<10240x8xf32, #tpu.memory_space<hbm>>) dst(%dma_wait3A_141 : memref<128x8xf32, #tpu.memory_space<vmem>>)
        %dma_start3A_148 = arith.constant 0 : i32
        %dma_start3A_149 = arith.constant 0 : i32
        %dma_start3A_150 = arith.constant 0 : i32
        %dma_start3A_151 = tpu.memref_slice %arg9[%dma_start3A_148, %dma_start3A_149, %dma_start3A_150] : memref<2x128x8xf32, #tpu.memory_space<vmem>> -> memref<1x128x8xf32, #tpu.memory_space<vmem>>
        %dma_start3A_152 = tpu.memref_squeeze %dma_start3A_151 : memref<1x128x8xf32, #tpu.memory_space<vmem>> -> memref<128x8xf32, #tpu.memory_space<vmem>>
        %dma_start3A_153 = arith.constant 0 : i32
        %dma_start3A_154 = tpu.memref_slice %arg8[%add3A_136, %dma_start3A_153] : memref<40x128xi32, #tpu.memory_space<vmem>> -> memref<1x128xi32, #tpu.memory_space<vmem>>
        %dma_start3A_155 = tpu.memref_squeeze %dma_start3A_154 : memref<1x128xi32, #tpu.memory_space<vmem>> -> memref<128xi32, #tpu.memory_space<vmem>>
        %dma_start3A_156 = arith.constant 0 : i32
        %dma_start3A_157 = arith.constant 0 : i32
        %dma_start3A_158 = tpu.memref_slice %arg10[%dma_start3A_156, %dma_start3A_157] : memref<10240x8xf32, #tpu.memory_space<vmem_shared>> -> memref<10240x8xf32, #tpu.memory_space<vmem_shared>>
        tpu.enqueue_indirect_dma source(%dma_start3A_152 : memref<128x8xf32, #tpu.memory_space<vmem>>) target(%dma_start3A_158 : memref<10240x8xf32, #tpu.memory_space<vmem_shared>>) offsets(%dma_start3A_155 : memref<128xi32, #tpu.memory_space<vmem>>) semaphore(%arg14 : memref<!tpu.dma_semaphore, #tpu.memory_space<semaphore_mem>>) {add = true}
        %gt3A = arith.constant 0 : i32
        %gt3A_159 = arith.cmpi sgt, %add3A_136, %gt3A : i32
        %convert_element_type3A_160 = arith.extui %gt3A_159 : i1 to i32
        %cond3A_161 = arith.constant 0 : i32
        %cond3A_162 = arith.cmpi ne, %convert_element_type3A_160, %cond3A_161 : i32
        scf.if %cond3A_162 {
          %dma_wait3A_206 = arith.constant 1 : i32
          %dma_wait3A_207 = arith.constant 0 : i32
          %dma_wait3A_208 = arith.constant 0 : i32
          %dma_wait3A_209 = tpu.memref_slice %arg9[%dma_wait3A_206, %dma_wait3A_207, %dma_wait3A_208] : memref<2x128x8xf32, #tpu.memory_space<vmem>> -> memref<1x128x8xf32, #tpu.memory_space<vmem>>
          %dma_wait3A_210 = tpu.memref_squeeze %dma_wait3A_209 : memref<1x128x8xf32, #tpu.memory_space<vmem>> -> memref<128x8xf32, #tpu.memory_space<vmem>>
          %dma_wait3A_211 = arith.constant 0 : i32
          %dma_wait3A_212 = tpu.memref_slice %arg8[%add3A_136, %dma_wait3A_211] : memref<40x128xi32, #tpu.memory_space<vmem>> -> memref<1x128xi32, #tpu.memory_space<vmem>>
          %dma_wait3A_213 = tpu.memref_squeeze %dma_wait3A_212 : memref<1x128xi32, #tpu.memory_space<vmem>> -> memref<128xi32, #tpu.memory_space<vmem>>
          %dma_wait3A_214 = arith.constant 0 : i32
          %dma_wait3A_215 = arith.constant 0 : i32
          %dma_wait3A_216 = tpu.memref_slice %arg10[%dma_wait3A_214, %dma_wait3A_215] : memref<10240x8xf32, #tpu.memory_space<vmem_shared>> -> memref<10240x8xf32, #tpu.memory_space<vmem_shared>>
          tpu.wait_indirect_dma semaphore(%arg15 : memref<!tpu.dma_semaphore, #tpu.memory_space<semaphore_mem>>) src(%dma_wait3A_210 : memref<128x8xf32, #tpu.memory_space<vmem>>) dst(%dma_wait3A_216 : memref<10240x8xf32, #tpu.memory_space<vmem_shared>>)
        } else {
        }
        %add3A_163 = arith.constant 1 : i32
        %add3A_164 = arith.addi %add3A_136, %add3A_163 : i32
        %dma_start3A_165 = arith.constant 1 : i32
        %dma_start3A_166 = arith.constant 0 : i32
        %dma_start3A_167 = arith.constant 0 : i32
        %dma_start3A_168 = tpu.memref_slice %arg9[%dma_start3A_165, %dma_start3A_166, %dma_start3A_167] : memref<2x128x8xf32, #tpu.memory_space<vmem>> -> memref<1x128x8xf32, #tpu.memory_space<vmem>>
        %dma_start3A_169 = tpu.memref_squeeze %dma_start3A_168 : memref<1x128x8xf32, #tpu.memory_space<vmem>> -> memref<128x8xf32, #tpu.memory_space<vmem>>
        %dma_start3A_170 = arith.constant 0 : i32
        %dma_start3A_171 = tpu.memref_slice %arg7[%add3A_164, %dma_start3A_170] : memref<40x128xi32, #tpu.memory_space<vmem>> -> memref<1x128xi32, #tpu.memory_space<vmem>>
        %dma_start3A_172 = tpu.memref_squeeze %dma_start3A_171 : memref<1x128xi32, #tpu.memory_space<vmem>> -> memref<128xi32, #tpu.memory_space<vmem>>
        %dma_start3A_173 = arith.constant 0 : i32
        %dma_start3A_174 = arith.constant 0 : i32
        %dma_start3A_175 = tpu.memref_slice %arg2[%dma_start3A_173, %dma_start3A_174] : memref<10240x8xf32, #tpu.memory_space<hbm>> -> memref<10240x8xf32, #tpu.memory_space<hbm>>
        tpu.enqueue_indirect_dma source(%dma_start3A_175 : memref<10240x8xf32, #tpu.memory_space<hbm>>) target(%dma_start3A_169 : memref<128x8xf32, #tpu.memory_space<vmem>>) offsets(%dma_start3A_172 : memref<128xi32, #tpu.memory_space<vmem>>) semaphore(%arg13 : memref<!tpu.dma_semaphore, #tpu.memory_space<semaphore_mem>>)
        %dma_wait3A_176 = arith.constant 1 : i32
        %dma_wait3A_177 = arith.constant 0 : i32
        %dma_wait3A_178 = arith.constant 0 : i32
        %dma_wait3A_179 = tpu.memref_slice %arg9[%dma_wait3A_176, %dma_wait3A_177, %dma_wait3A_178] : memref<2x128x8xf32, #tpu.memory_space<vmem>> -> memref<1x128x8xf32, #tpu.memory_space<vmem>>
        %dma_wait3A_180 = tpu.memref_squeeze %dma_wait3A_179 : memref<1x128x8xf32, #tpu.memory_space<vmem>> -> memref<128x8xf32, #tpu.memory_space<vmem>>
        %dma_wait3A_181 = arith.constant 0 : i32
        %dma_wait3A_182 = tpu.memref_slice %arg7[%add3A_136, %dma_wait3A_181] : memref<40x128xi32, #tpu.memory_space<vmem>> -> memref<1x128xi32, #tpu.memory_space<vmem>>
        %dma_wait3A_183 = tpu.memref_squeeze %dma_wait3A_182 : memref<1x128xi32, #tpu.memory_space<vmem>> -> memref<128xi32, #tpu.memory_space<vmem>>
        %dma_wait3A_184 = arith.constant 0 : i32
        %dma_wait3A_185 = arith.constant 0 : i32
        %dma_wait3A_186 = tpu.memref_slice %arg2[%dma_wait3A_184, %dma_wait3A_185] : memref<10240x8xf32, #tpu.memory_space<hbm>> -> memref<10240x8xf32, #tpu.memory_space<hbm>>
        tpu.wait_indirect_dma semaphore(%arg13 : memref<!tpu.dma_semaphore, #tpu.memory_space<semaphore_mem>>) src(%dma_wait3A_186 : memref<10240x8xf32, #tpu.memory_space<hbm>>) dst(%dma_wait3A_180 : memref<128x8xf32, #tpu.memory_space<vmem>>)
        %add3A_187 = arith.constant 1 : i32
        %add3A_188 = arith.addi %add3A_136, %add3A_187 : i32
        %dma_start3A_189 = arith.constant 1 : i32
        %dma_start3A_190 = arith.constant 0 : i32
        %dma_start3A_191 = arith.constant 0 : i32
        %dma_start3A_192 = tpu.memref_slice %arg9[%dma_start3A_189, %dma_start3A_190, %dma_start3A_191] : memref<2x128x8xf32, #tpu.memory_space<vmem>> -> memref<1x128x8xf32, #tpu.memory_space<vmem>>
        %dma_start3A_193 = tpu.memref_squeeze %dma_start3A_192 : memref<1x128x8xf32, #tpu.memory_space<vmem>> -> memref<128x8xf32, #tpu.memory_space<vmem>>
        %dma_start3A_194 = arith.constant 0 : i32
        %dma_start3A_195 = tpu.memref_slice %arg8[%add3A_188, %dma_start3A_194] : memref<40x128xi32, #tpu.memory_space<vmem>> -> memref<1x128xi32, #tpu.memory_space<vmem>>
        %dma_start3A_196 = tpu.memref_squeeze %dma_start3A_195 : memref<1x128xi32, #tpu.memory_space<vmem>> -> memref<128xi32, #tpu.memory_space<vmem>>
        %dma_start3A_197 = arith.constant 0 : i32
        %dma_start3A_198 = arith.constant 0 : i32
        %dma_start3A_199 = tpu.memref_slice %arg10[%dma_start3A_197, %dma_start3A_198] : memref<10240x8xf32, #tpu.memory_space<vmem_shared>> -> memref<10240x8xf32, #tpu.memory_space<vmem_shared>>
        tpu.enqueue_indirect_dma source(%dma_start3A_193 : memref<128x8xf32, #tpu.memory_space<vmem>>) target(%dma_start3A_199 : memref<10240x8xf32, #tpu.memory_space<vmem_shared>>) offsets(%dma_start3A_196 : memref<128xi32, #tpu.memory_space<vmem>>) semaphore(%arg15 : memref<!tpu.dma_semaphore, #tpu.memory_space<semaphore_mem>>) {add = true}
        %add3A_200 = arith.constant 2 : i32
        %add3A_201 = arith.addi %add3A_136, %add3A_200 : i32
        %lt3A = arith.constant 40 : i32
        %lt3A_202 = arith.cmpi slt, %add3A_201, %lt3A : i32
        %convert_element_type3A_203 = arith.extui %lt3A_202 : i1 to i32
        %cond3A_204 = arith.constant 0 : i32
        %cond3A_205 = arith.cmpi ne, %convert_element_type3A_203, %cond3A_204 : i32
        scf.if %cond3A_205 {
          %dma_wait3A_206 = arith.constant 0 : i32
          %dma_wait3A_207 = arith.constant 0 : i32
          %dma_wait3A_208 = arith.constant 0 : i32
          %dma_wait3A_209 = tpu.memref_slice %arg9[%dma_wait3A_206, %dma_wait3A_207, %dma_wait3A_208] : memref<2x128x8xf32, #tpu.memory_space<vmem>> -> memref<1x128x8xf32, #tpu.memory_space<vmem>>
          %dma_wait3A_210 = tpu.memref_squeeze %dma_wait3A_209 : memref<1x128x8xf32, #tpu.memory_space<vmem>> -> memref<128x8xf32, #tpu.memory_space<vmem>>
          %dma_wait3A_211 = arith.constant 0 : i32
          %dma_wait3A_212 = tpu.memref_slice %arg8[%add3A_136, %dma_wait3A_211] : memref<40x128xi32, #tpu.memory_space<vmem>> -> memref<1x128xi32, #tpu.memory_space<vmem>>
          %dma_wait3A_213 = tpu.memref_squeeze %dma_wait3A_212 : memref<1x128xi32, #tpu.memory_space<vmem>> -> memref<128xi32, #tpu.memory_space<vmem>>
          %dma_wait3A_214 = arith.constant 0 : i32
          %dma_wait3A_215 = arith.constant 0 : i32
          %dma_wait3A_216 = tpu.memref_slice %arg10[%dma_wait3A_214, %dma_wait3A_215] : memref<10240x8xf32, #tpu.memory_space<vmem_shared>> -> memref<10240x8xf32, #tpu.memory_space<vmem_shared>>
          tpu.wait_indirect_dma semaphore(%arg14 : memref<!tpu.dma_semaphore, #tpu.memory_space<semaphore_mem>>) src(%dma_wait3A_210 : memref<128x8xf32, #tpu.memory_space<vmem>>) dst(%dma_wait3A_216 : memref<10240x8xf32, #tpu.memory_space<vmem_shared>>)
          %add3A_217 = arith.constant 2 : i32
          %add3A_218 = arith.addi %add3A_136, %add3A_217 : i32
          %dma_start3A_219 = arith.constant 0 : i32
          %dma_start3A_220 = arith.constant 0 : i32
          %dma_start3A_221 = arith.constant 0 : i32
          %dma_start3A_222 = tpu.memref_slice %arg9[%dma_start3A_219, %dma_start3A_220, %dma_start3A_221] : memref<2x128x8xf32, #tpu.memory_space<vmem>> -> memref<1x128x8xf32, #tpu.memory_space<vmem>>
          %dma_start3A_223 = tpu.memref_squeeze %dma_start3A_222 : memref<1x128x8xf32, #tpu.memory_space<vmem>> -> memref<128x8xf32, #tpu.memory_space<vmem>>
          %dma_start3A_224 = arith.constant 0 : i32
          %dma_start3A_225 = tpu.memref_slice %arg7[%add3A_218, %dma_start3A_224] : memref<40x128xi32, #tpu.memory_space<vmem>> -> memref<1x128xi32, #tpu.memory_space<vmem>>
          %dma_start3A_226 = tpu.memref_squeeze %dma_start3A_225 : memref<1x128xi32, #tpu.memory_space<vmem>> -> memref<128xi32, #tpu.memory_space<vmem>>
          %dma_start3A_227 = arith.constant 0 : i32
          %dma_start3A_228 = arith.constant 0 : i32
          %dma_start3A_229 = tpu.memref_slice %arg2[%dma_start3A_227, %dma_start3A_228] : memref<10240x8xf32, #tpu.memory_space<hbm>> -> memref<10240x8xf32, #tpu.memory_space<hbm>>
          tpu.enqueue_indirect_dma source(%dma_start3A_229 : memref<10240x8xf32, #tpu.memory_space<hbm>>) target(%dma_start3A_223 : memref<128x8xf32, #tpu.memory_space<vmem>>) offsets(%dma_start3A_226 : memref<128xi32, #tpu.memory_space<vmem>>) semaphore(%arg12 : memref<!tpu.dma_semaphore, #tpu.memory_space<semaphore_mem>>)
        } else {
        }
      }
      %scan3A_48 = arith.constant 20 : i32
      %dma_wait3A_49 = arith.constant 0 : i32
      %dma_wait3A_50 = arith.constant 0 : i32
      %dma_wait3A_51 = arith.constant 0 : i32
      %dma_wait3A_52 = arith.constant 0 : i32
      %dma_wait3A_53 = tpu.memref_slice %arg9[%dma_wait3A_49, %dma_wait3A_51, %dma_wait3A_52] : memref<2x128x8xf32, #tpu.memory_space<vmem>> -> memref<1x128x8xf32, #tpu.memory_space<vmem>>
      %dma_wait3A_54 = tpu.memref_squeeze %dma_wait3A_53 : memref<1x128x8xf32, #tpu.memory_space<vmem>> -> memref<128x8xf32, #tpu.memory_space<vmem>>
      %dma_wait3A_55 = arith.constant 0 : i32
      %dma_wait3A_56 = tpu.memref_slice %arg8[%dma_wait3A_50, %dma_wait3A_55] : memref<40x128xi32, #tpu.memory_space<vmem>> -> memref<1x128xi32, #tpu.memory_space<vmem>>
      %dma_wait3A_57 = tpu.memref_squeeze %dma_wait3A_56 : memref<1x128xi32, #tpu.memory_space<vmem>> -> memref<128xi32, #tpu.memory_space<vmem>>
      %dma_wait3A_58 = arith.constant 0 : i32
      %dma_wait3A_59 = arith.constant 0 : i32
      %dma_wait3A_60 = tpu.memref_slice %arg10[%dma_wait3A_58, %dma_wait3A_59] : memref<10240x8xf32, #tpu.memory_space<vmem_shared>> -> memref<10240x8xf32, #tpu.memory_space<vmem_shared>>
      tpu.wait_indirect_dma semaphore(%arg14 : memref<!tpu.dma_semaphore, #tpu.memory_space<semaphore_mem>>) src(%dma_wait3A_54 : memref<128x8xf32, #tpu.memory_space<vmem>>) dst(%dma_wait3A_60 : memref<10240x8xf32, #tpu.memory_space<vmem_shared>>)
      %dma_wait3A_61 = arith.constant 1 : i32
      %dma_wait3A_62 = arith.constant 0 : i32
      %dma_wait3A_63 = arith.constant 0 : i32
      %dma_wait3A_64 = arith.constant 0 : i32
      %dma_wait3A_65 = tpu.memref_slice %arg9[%dma_wait3A_61, %dma_wait3A_63, %dma_wait3A_64] : memref<2x128x8xf32, #tpu.memory_space<vmem>> -> memref<1x128x8xf32, #tpu.memory_space<vmem>>
      %dma_wait3A_66 = tpu.memref_squeeze %dma_wait3A_65 : memref<1x128x8xf32, #tpu.memory_space<vmem>> -> memref<128x8xf32, #tpu.memory_space<vmem>>
      %dma_wait3A_67 = arith.constant 0 : i32
      %dma_wait3A_68 = tpu.memref_slice %arg8[%dma_wait3A_62, %dma_wait3A_67] : memref<40x128xi32, #tpu.memory_space<vmem>> -> memref<1x128xi32, #tpu.memory_space<vmem>>
      %dma_wait3A_69 = tpu.memref_squeeze %dma_wait3A_68 : memref<1x128xi32, #tpu.memory_space<vmem>> -> memref<128xi32, #tpu.memory_space<vmem>>
      %dma_wait3A_70 = arith.constant 0 : i32
      %dma_wait3A_71 = arith.constant 0 : i32
      %dma_wait3A_72 = tpu.memref_slice %arg10[%dma_wait3A_70, %dma_wait3A_71] : memref<10240x8xf32, #tpu.memory_space<vmem_shared>> -> memref<10240x8xf32, #tpu.memory_space<vmem_shared>>
      tpu.wait_indirect_dma semaphore(%arg15 : memref<!tpu.dma_semaphore, #tpu.memory_space<semaphore_mem>>) src(%dma_wait3A_66 : memref<128x8xf32, #tpu.memory_space<vmem>>) dst(%dma_wait3A_72 : memref<10240x8xf32, #tpu.memory_space<vmem_shared>>)
      %add3A_73 = arith.constant 40 : i32
      %add3A_74 = arith.addi %add3A_16, %add3A_73 : i32
      %dma_start3A_75 = arith.constant 0 : i32
      %dma_start3A_76 = tpu.memref_slice %arg3[%add3A_74, %dma_start3A_75] : memref<2560x128xi32, #tpu.memory_space<hbm>> -> memref<40x128xi32, #tpu.memory_space<hbm>>
      %dma_start3A_77 = arith.constant 0 : i32
      %dma_start3A_78 = tpu.memref_slice %arg3[%add3A_74, %dma_start3A_77] : memref<2560x128xi32, #tpu.memory_space<hbm>> -> memref<40x128xi32, #tpu.memory_space<hbm>>
      tpu.enqueue_dma source(%dma_start3A_78 : memref<40x128xi32, #tpu.memory_space<hbm>>) target(%arg7 : memref<40x128xi32, #tpu.memory_space<vmem>>) target_semaphore(%arg11 : memref<!tpu.dma_semaphore, #tpu.memory_space<semaphore_mem>>)
      %dma_wait3A_79 = arith.constant 0 : i32
      %dma_wait3A_80 = tpu.memref_slice %arg3[%add3A_74, %dma_wait3A_79] : memref<2560x128xi32, #tpu.memory_space<hbm>> -> memref<40x128xi32, #tpu.memory_space<hbm>>
      %dma_wait3A_81 = arith.constant 0 : i32
      %dma_wait3A_82 = tpu.memref_slice %arg3[%add3A_74, %dma_wait3A_81] : memref<2560x128xi32, #tpu.memory_space<hbm>> -> memref<40x128xi32, #tpu.memory_space<hbm>>
      tpu.wait_dma2 semaphore(%arg11 : memref<!tpu.dma_semaphore, #tpu.memory_space<semaphore_mem>>) src(%dma_wait3A_82 : memref<40x128xi32, #tpu.memory_space<hbm>>) dst(%arg7 : memref<40x128xi32, #tpu.memory_space<vmem>>)
      %dma_start3A_83 = arith.constant 0 : i32
      %dma_start3A_84 = tpu.memref_slice %arg4[%add3A_74, %dma_start3A_83] : memref<2560x128xi32, #tpu.memory_space<hbm>> -> memref<40x128xi32, #tpu.memory_space<hbm>>
      %dma_start3A_85 = arith.constant 0 : i32
      %dma_start3A_86 = tpu.memref_slice %arg4[%add3A_74, %dma_start3A_85] : memref<2560x128xi32, #tpu.memory_space<hbm>> -> memref<40x128xi32, #tpu.memory_space<hbm>>
      tpu.enqueue_dma source(%dma_start3A_86 : memref<40x128xi32, #tpu.memory_space<hbm>>) target(%arg8 : memref<40x128xi32, #tpu.memory_space<vmem>>) target_semaphore(%arg11 : memref<!tpu.dma_semaphore, #tpu.memory_space<semaphore_mem>>)
      %dma_wait3A_87 = arith.constant 0 : i32
      %dma_wait3A_88 = tpu.memref_slice %arg4[%add3A_74, %dma_wait3A_87] : memref<2560x128xi32, #tpu.memory_space<hbm>> -> memref<40x128xi32, #tpu.memory_space<hbm>>
      %dma_wait3A_89 = arith.constant 0 : i32
      %dma_wait3A_90 = tpu.memref_slice %arg4[%add3A_74, %dma_wait3A_89] : memref<2560x128xi32, #tpu.memory_space<hbm>> -> memref<40x128xi32, #tpu.memory_space<hbm>>
      tpu.wait_dma2 semaphore(%arg11 : memref<!tpu.dma_semaphore, #tpu.memory_space<semaphore_mem>>) src(%dma_wait3A_90 : memref<40x128xi32, #tpu.memory_space<hbm>>) dst(%arg8 : memref<40x128xi32, #tpu.memory_space<vmem>>)
      %dma_start3A_91 = arith.constant 0 : i32
      %dma_start3A_92 = arith.constant 0 : i32
      %dma_start3A_93 = arith.constant 0 : i32
      %dma_start3A_94 = arith.constant 0 : i32
      %dma_start3A_95 = tpu.memref_slice %arg9[%dma_start3A_92, %dma_start3A_93, %dma_start3A_94] : memref<2x128x8xf32, #tpu.memory_space<vmem>> -> memref<1x128x8xf32, #tpu.memory_space<vmem>>
      %dma_start3A_96 = tpu.memref_squeeze %dma_start3A_95 : memref<1x128x8xf32, #tpu.memory_space<vmem>> -> memref<128x8xf32, #tpu.memory_space<vmem>>
      %dma_start3A_97 = arith.constant 0 : i32
      %dma_start3A_98 = tpu.memref_slice %arg7[%dma_start3A_91, %dma_start3A_97] : memref<40x128xi32, #tpu.memory_space<vmem>> -> memref<1x128xi32, #tpu.memory_space<vmem>>
      %dma_start3A_99 = tpu.memref_squeeze %dma_start3A_98 : memref<1x128xi32, #tpu.memory_space<vmem>> -> memref<128xi32, #tpu.memory_space<vmem>>
      %dma_start3A_100 = arith.constant 0 : i32
      %dma_start3A_101 = arith.constant 0 : i32
      %dma_start3A_102 = tpu.memref_slice %arg2[%dma_start3A_100, %dma_start3A_101] : memref<10240x8xf32, #tpu.memory_space<hbm>> -> memref<10240x8xf32, #tpu.memory_space<hbm>>
      tpu.enqueue_indirect_dma source(%dma_start3A_102 : memref<10240x8xf32, #tpu.memory_space<hbm>>) target(%dma_start3A_96 : memref<128x8xf32, #tpu.memory_space<vmem>>) offsets(%dma_start3A_99 : memref<128xi32, #tpu.memory_space<vmem>>) semaphore(%arg12 : memref<!tpu.dma_semaphore, #tpu.memory_space<semaphore_mem>>)
      %scan3A_103 = arith.constant 0 : i32
      %scan3A_104 = arith.constant 20 : i32
      %scan3A_105 = arith.addi %scan3A_103, %scan3A_104 : i32
      %scan3A_106 = arith.constant 1 : i32
      scf.for %scan3A_132 = %scan3A_103 to %scan3A_105 step %scan3A_106  : i32 {
        %mul3A_133 = arith.constant 2 : i32
        %mul3A_134 = arith.muli %scan3A_132, %mul3A_133 : i32
        %add3A_135 = arith.constant 0 : i32
        %add3A_136 = arith.addi %add3A_135, %mul3A_134 : i32
        %dma_wait3A_137 = arith.constant 0 : i32
        %dma_wait3A_138 = arith.constant 0 : i32
        %dma_wait3A_139 = arith.constant 0 : i32
        %dma_wait3A_140 = tpu.memref_slice %arg9[%dma_wait3A_137, %dma_wait3A_138, %dma_wait3A_139] : memref<2x128x8xf32, #tpu.memory_space<vmem>> -> memref<1x128x8xf32, #tpu.memory_space<vmem>>
        %dma_wait3A_141 = tpu.memref_squeeze %dma_wait3A_140 : memref<1x128x8xf32, #tpu.memory_space<vmem>> -> memref<128x8xf32, #tpu.memory_space<vmem>>
        %dma_wait3A_142 = arith.constant 0 : i32
        %dma_wait3A_143 = tpu.memref_slice %arg7[%add3A_136, %dma_wait3A_142] : memref<40x128xi32, #tpu.memory_space<vmem>> -> memref<1x128xi32, #tpu.memory_space<vmem>>
        %dma_wait3A_144 = tpu.memref_squeeze %dma_wait3A_143 : memref<1x128xi32, #tpu.memory_space<vmem>> -> memref<128xi32, #tpu.memory_space<vmem>>
        %dma_wait3A_145 = arith.constant 0 : i32
        %dma_wait3A_146 = arith.constant 0 : i32
        %dma_wait3A_147 = tpu.memref_slice %arg2[%dma_wait3A_145, %dma_wait3A_146] : memref<10240x8xf32, #tpu.memory_space<hbm>> -> memref<10240x8xf32, #tpu.memory_space<hbm>>
        tpu.wait_indirect_dma semaphore(%arg12 : memref<!tpu.dma_semaphore, #tpu.memory_space<semaphore_mem>>) src(%dma_wait3A_147 : memref<10240x8xf32, #tpu.memory_space<hbm>>) dst(%dma_wait3A_141 : memref<128x8xf32, #tpu.memory_space<vmem>>)
        %dma_start3A_148 = arith.constant 0 : i32
        %dma_start3A_149 = arith.constant 0 : i32
        %dma_start3A_150 = arith.constant 0 : i32
        %dma_start3A_151 = tpu.memref_slice %arg9[%dma_start3A_148, %dma_start3A_149, %dma_start3A_150] : memref<2x128x8xf32, #tpu.memory_space<vmem>> -> memref<1x128x8xf32, #tpu.memory_space<vmem>>
        %dma_start3A_152 = tpu.memref_squeeze %dma_start3A_151 : memref<1x128x8xf32, #tpu.memory_space<vmem>> -> memref<128x8xf32, #tpu.memory_space<vmem>>
        %dma_start3A_153 = arith.constant 0 : i32
        %dma_start3A_154 = tpu.memref_slice %arg8[%add3A_136, %dma_start3A_153] : memref<40x128xi32, #tpu.memory_space<vmem>> -> memref<1x128xi32, #tpu.memory_space<vmem>>
        %dma_start3A_155 = tpu.memref_squeeze %dma_start3A_154 : memref<1x128xi32, #tpu.memory_space<vmem>> -> memref<128xi32, #tpu.memory_space<vmem>>
        %dma_start3A_156 = arith.constant 0 : i32
        %dma_start3A_157 = arith.constant 0 : i32
        %dma_start3A_158 = tpu.memref_slice %arg10[%dma_start3A_156, %dma_start3A_157] : memref<10240x8xf32, #tpu.memory_space<vmem_shared>> -> memref<10240x8xf32, #tpu.memory_space<vmem_shared>>
        tpu.enqueue_indirect_dma source(%dma_start3A_152 : memref<128x8xf32, #tpu.memory_space<vmem>>) target(%dma_start3A_158 : memref<10240x8xf32, #tpu.memory_space<vmem_shared>>) offsets(%dma_start3A_155 : memref<128xi32, #tpu.memory_space<vmem>>) semaphore(%arg14 : memref<!tpu.dma_semaphore, #tpu.memory_space<semaphore_mem>>) {add = true}
        %gt3A = arith.constant 0 : i32
        %gt3A_159 = arith.cmpi sgt, %add3A_136, %gt3A : i32
        %convert_element_type3A_160 = arith.extui %gt3A_159 : i1 to i32
        %cond3A_161 = arith.constant 0 : i32
        %cond3A_162 = arith.cmpi ne, %convert_element_type3A_160, %cond3A_161 : i32
        scf.if %cond3A_162 {
          %dma_wait3A_206 = arith.constant 1 : i32
          %dma_wait3A_207 = arith.constant 0 : i32
          %dma_wait3A_208 = arith.constant 0 : i32
          %dma_wait3A_209 = tpu.memref_slice %arg9[%dma_wait3A_206, %dma_wait3A_207, %dma_wait3A_208] : memref<2x128x8xf32, #tpu.memory_space<vmem>> -> memref<1x128x8xf32, #tpu.memory_space<vmem>>
          %dma_wait3A_210 = tpu.memref_squeeze %dma_wait3A_209 : memref<1x128x8xf32, #tpu.memory_space<vmem>> -> memref<128x8xf32, #tpu.memory_space<vmem>>
          %dma_wait3A_211 = arith.constant 0 : i32
          %dma_wait3A_212 = tpu.memref_slice %arg8[%add3A_136, %dma_wait3A_211] : memref<40x128xi32, #tpu.memory_space<vmem>> -> memref<1x128xi32, #tpu.memory_space<vmem>>
          %dma_wait3A_213 = tpu.memref_squeeze %dma_wait3A_212 : memref<1x128xi32, #tpu.memory_space<vmem>> -> memref<128xi32, #tpu.memory_space<vmem>>
          %dma_wait3A_214 = arith.constant 0 : i32
          %dma_wait3A_215 = arith.constant 0 : i32
          %dma_wait3A_216 = tpu.memref_slice %arg10[%dma_wait3A_214, %dma_wait3A_215] : memref<10240x8xf32, #tpu.memory_space<vmem_shared>> -> memref<10240x8xf32, #tpu.memory_space<vmem_shared>>
          tpu.wait_indirect_dma semaphore(%arg15 : memref<!tpu.dma_semaphore, #tpu.memory_space<semaphore_mem>>) src(%dma_wait3A_210 : memref<128x8xf32, #tpu.memory_space<vmem>>) dst(%dma_wait3A_216 : memref<10240x8xf32, #tpu.memory_space<vmem_shared>>)
        } else {
        }
        %add3A_163 = arith.constant 1 : i32
        %add3A_164 = arith.addi %add3A_136, %add3A_163 : i32
        %dma_start3A_165 = arith.constant 1 : i32
        %dma_start3A_166 = arith.constant 0 : i32
        %dma_start3A_167 = arith.constant 0 : i32
        %dma_start3A_168 = tpu.memref_slice %arg9[%dma_start3A_165, %dma_start3A_166, %dma_start3A_167] : memref<2x128x8xf32, #tpu.memory_space<vmem>> -> memref<1x128x8xf32, #tpu.memory_space<vmem>>
        %dma_start3A_169 = tpu.memref_squeeze %dma_start3A_168 : memref<1x128x8xf32, #tpu.memory_space<vmem>> -> memref<128x8xf32, #tpu.memory_space<vmem>>
        %dma_start3A_170 = arith.constant 0 : i32
        %dma_start3A_171 = tpu.memref_slice %arg7[%add3A_164, %dma_start3A_170] : memref<40x128xi32, #tpu.memory_space<vmem>> -> memref<1x128xi32, #tpu.memory_space<vmem>>
        %dma_start3A_172 = tpu.memref_squeeze %dma_start3A_171 : memref<1x128xi32, #tpu.memory_space<vmem>> -> memref<128xi32, #tpu.memory_space<vmem>>
        %dma_start3A_173 = arith.constant 0 : i32
        %dma_start3A_174 = arith.constant 0 : i32
        %dma_start3A_175 = tpu.memref_slice %arg2[%dma_start3A_173, %dma_start3A_174] : memref<10240x8xf32, #tpu.memory_space<hbm>> -> memref<10240x8xf32, #tpu.memory_space<hbm>>
        tpu.enqueue_indirect_dma source(%dma_start3A_175 : memref<10240x8xf32, #tpu.memory_space<hbm>>) target(%dma_start3A_169 : memref<128x8xf32, #tpu.memory_space<vmem>>) offsets(%dma_start3A_172 : memref<128xi32, #tpu.memory_space<vmem>>) semaphore(%arg13 : memref<!tpu.dma_semaphore, #tpu.memory_space<semaphore_mem>>)
        %dma_wait3A_176 = arith.constant 1 : i32
        %dma_wait3A_177 = arith.constant 0 : i32
        %dma_wait3A_178 = arith.constant 0 : i32
        %dma_wait3A_179 = tpu.memref_slice %arg9[%dma_wait3A_176, %dma_wait3A_177, %dma_wait3A_178] : memref<2x128x8xf32, #tpu.memory_space<vmem>> -> memref<1x128x8xf32, #tpu.memory_space<vmem>>
        %dma_wait3A_180 = tpu.memref_squeeze %dma_wait3A_179 : memref<1x128x8xf32, #tpu.memory_space<vmem>> -> memref<128x8xf32, #tpu.memory_space<vmem>>
        %dma_wait3A_181 = arith.constant 0 : i32
        %dma_wait3A_182 = tpu.memref_slice %arg7[%add3A_136, %dma_wait3A_181] : memref<40x128xi32, #tpu.memory_space<vmem>> -> memref<1x128xi32, #tpu.memory_space<vmem>>
        %dma_wait3A_183 = tpu.memref_squeeze %dma_wait3A_182 : memref<1x128xi32, #tpu.memory_space<vmem>> -> memref<128xi32, #tpu.memory_space<vmem>>
        %dma_wait3A_184 = arith.constant 0 : i32
        %dma_wait3A_185 = arith.constant 0 : i32
        %dma_wait3A_186 = tpu.memref_slice %arg2[%dma_wait3A_184, %dma_wait3A_185] : memref<10240x8xf32, #tpu.memory_space<hbm>> -> memref<10240x8xf32, #tpu.memory_space<hbm>>
        tpu.wait_indirect_dma semaphore(%arg13 : memref<!tpu.dma_semaphore, #tpu.memory_space<semaphore_mem>>) src(%dma_wait3A_186 : memref<10240x8xf32, #tpu.memory_space<hbm>>) dst(%dma_wait3A_180 : memref<128x8xf32, #tpu.memory_space<vmem>>)
        %add3A_187 = arith.constant 1 : i32
        %add3A_188 = arith.addi %add3A_136, %add3A_187 : i32
        %dma_start3A_189 = arith.constant 1 : i32
        %dma_start3A_190 = arith.constant 0 : i32
        %dma_start3A_191 = arith.constant 0 : i32
        %dma_start3A_192 = tpu.memref_slice %arg9[%dma_start3A_189, %dma_start3A_190, %dma_start3A_191] : memref<2x128x8xf32, #tpu.memory_space<vmem>> -> memref<1x128x8xf32, #tpu.memory_space<vmem>>
        %dma_start3A_193 = tpu.memref_squeeze %dma_start3A_192 : memref<1x128x8xf32, #tpu.memory_space<vmem>> -> memref<128x8xf32, #tpu.memory_space<vmem>>
        %dma_start3A_194 = arith.constant 0 : i32
        %dma_start3A_195 = tpu.memref_slice %arg8[%add3A_188, %dma_start3A_194] : memref<40x128xi32, #tpu.memory_space<vmem>> -> memref<1x128xi32, #tpu.memory_space<vmem>>
        %dma_start3A_196 = tpu.memref_squeeze %dma_start3A_195 : memref<1x128xi32, #tpu.memory_space<vmem>> -> memref<128xi32, #tpu.memory_space<vmem>>
        %dma_start3A_197 = arith.constant 0 : i32
        %dma_start3A_198 = arith.constant 0 : i32
        %dma_start3A_199 = tpu.memref_slice %arg10[%dma_start3A_197, %dma_start3A_198] : memref<10240x8xf32, #tpu.memory_space<vmem_shared>> -> memref<10240x8xf32, #tpu.memory_space<vmem_shared>>
        tpu.enqueue_indirect_dma source(%dma_start3A_193 : memref<128x8xf32, #tpu.memory_space<vmem>>) target(%dma_start3A_199 : memref<10240x8xf32, #tpu.memory_space<vmem_shared>>) offsets(%dma_start3A_196 : memref<128xi32, #tpu.memory_space<vmem>>) semaphore(%arg15 : memref<!tpu.dma_semaphore, #tpu.memory_space<semaphore_mem>>) {add = true}
        %add3A_200 = arith.constant 2 : i32
        %add3A_201 = arith.addi %add3A_136, %add3A_200 : i32
        %lt3A = arith.constant 40 : i32
        %lt3A_202 = arith.cmpi slt, %add3A_201, %lt3A : i32
        %convert_element_type3A_203 = arith.extui %lt3A_202 : i1 to i32
        %cond3A_204 = arith.constant 0 : i32
        %cond3A_205 = arith.cmpi ne, %convert_element_type3A_203, %cond3A_204 : i32
        scf.if %cond3A_205 {
          %dma_wait3A_206 = arith.constant 0 : i32
          %dma_wait3A_207 = arith.constant 0 : i32
          %dma_wait3A_208 = arith.constant 0 : i32
          %dma_wait3A_209 = tpu.memref_slice %arg9[%dma_wait3A_206, %dma_wait3A_207, %dma_wait3A_208] : memref<2x128x8xf32, #tpu.memory_space<vmem>> -> memref<1x128x8xf32, #tpu.memory_space<vmem>>
          %dma_wait3A_210 = tpu.memref_squeeze %dma_wait3A_209 : memref<1x128x8xf32, #tpu.memory_space<vmem>> -> memref<128x8xf32, #tpu.memory_space<vmem>>
          %dma_wait3A_211 = arith.constant 0 : i32
          %dma_wait3A_212 = tpu.memref_slice %arg8[%add3A_136, %dma_wait3A_211] : memref<40x128xi32, #tpu.memory_space<vmem>> -> memref<1x128xi32, #tpu.memory_space<vmem>>
          %dma_wait3A_213 = tpu.memref_squeeze %dma_wait3A_212 : memref<1x128xi32, #tpu.memory_space<vmem>> -> memref<128xi32, #tpu.memory_space<vmem>>
          %dma_wait3A_214 = arith.constant 0 : i32
          %dma_wait3A_215 = arith.constant 0 : i32
          %dma_wait3A_216 = tpu.memref_slice %arg10[%dma_wait3A_214, %dma_wait3A_215] : memref<10240x8xf32, #tpu.memory_space<vmem_shared>> -> memref<10240x8xf32, #tpu.memory_space<vmem_shared>>
          tpu.wait_indirect_dma semaphore(%arg14 : memref<!tpu.dma_semaphore, #tpu.memory_space<semaphore_mem>>) src(%dma_wait3A_210 : memref<128x8xf32, #tpu.memory_space<vmem>>) dst(%dma_wait3A_216 : memref<10240x8xf32, #tpu.memory_space<vmem_shared>>)
          %add3A_217 = arith.constant 2 : i32
          %add3A_218 = arith.addi %add3A_136, %add3A_217 : i32
          %dma_start3A_219 = arith.constant 0 : i32
          %dma_start3A_220 = arith.constant 0 : i32
          %dma_start3A_221 = arith.constant 0 : i32
          %dma_start3A_222 = tpu.memref_slice %arg9[%dma_start3A_219, %dma_start3A_220, %dma_start3A_221] : memref<2x128x8xf32, #tpu.memory_space<vmem>> -> memref<1x128x8xf32, #tpu.memory_space<vmem>>
          %dma_start3A_223 = tpu.memref_squeeze %dma_start3A_222 : memref<1x128x8xf32, #tpu.memory_space<vmem>> -> memref<128x8xf32, #tpu.memory_space<vmem>>
          %dma_start3A_224 = arith.constant 0 : i32
          %dma_start3A_225 = tpu.memref_slice %arg7[%add3A_218, %dma_start3A_224] : memref<40x128xi32, #tpu.memory_space<vmem>> -> memref<1x128xi32, #tpu.memory_space<vmem>>
          %dma_start3A_226 = tpu.memref_squeeze %dma_start3A_225 : memref<1x128xi32, #tpu.memory_space<vmem>> -> memref<128xi32, #tpu.memory_space<vmem>>
          %dma_start3A_227 = arith.constant 0 : i32
          %dma_start3A_228 = arith.constant 0 : i32
          %dma_start3A_229 = tpu.memref_slice %arg2[%dma_start3A_227, %dma_start3A_228] : memref<10240x8xf32, #tpu.memory_space<hbm>> -> memref<10240x8xf32, #tpu.memory_space<hbm>>
          tpu.enqueue_indirect_dma source(%dma_start3A_229 : memref<10240x8xf32, #tpu.memory_space<hbm>>) target(%dma_start3A_223 : memref<128x8xf32, #tpu.memory_space<vmem>>) offsets(%dma_start3A_226 : memref<128xi32, #tpu.memory_space<vmem>>) semaphore(%arg12 : memref<!tpu.dma_semaphore, #tpu.memory_space<semaphore_mem>>)
        } else {
        }
      }
      %scan3A_107 = arith.constant 20 : i32
      %dma_wait3A_108 = arith.constant 0 : i32
      %dma_wait3A_109 = arith.constant 0 : i32
      %dma_wait3A_110 = arith.constant 0 : i32
      %dma_wait3A_111 = arith.constant 0 : i32
      %dma_wait3A_112 = tpu.memref_slice %arg9[%dma_wait3A_108, %dma_wait3A_110, %dma_wait3A_111] : memref<2x128x8xf32, #tpu.memory_space<vmem>> -> memref<1x128x8xf32, #tpu.memory_space<vmem>>
      %dma_wait3A_113 = tpu.memref_squeeze %dma_wait3A_112 : memref<1x128x8xf32, #tpu.memory_space<vmem>> -> memref<128x8xf32, #tpu.memory_space<vmem>>
      %dma_wait3A_114 = arith.constant 0 : i32
      %dma_wait3A_115 = tpu.memref_slice %arg8[%dma_wait3A_109, %dma_wait3A_114] : memref<40x128xi32, #tpu.memory_space<vmem>> -> memref<1x128xi32, #tpu.memory_space<vmem>>
      %dma_wait3A_116 = tpu.memref_squeeze %dma_wait3A_115 : memref<1x128xi32, #tpu.memory_space<vmem>> -> memref<128xi32, #tpu.memory_space<vmem>>
      %dma_wait3A_117 = arith.constant 0 : i32
      %dma_wait3A_118 = arith.constant 0 : i32
      %dma_wait3A_119 = tpu.memref_slice %arg10[%dma_wait3A_117, %dma_wait3A_118] : memref<10240x8xf32, #tpu.memory_space<vmem_shared>> -> memref<10240x8xf32, #tpu.memory_space<vmem_shared>>
      tpu.wait_indirect_dma semaphore(%arg14 : memref<!tpu.dma_semaphore, #tpu.memory_space<semaphore_mem>>) src(%dma_wait3A_113 : memref<128x8xf32, #tpu.memory_space<vmem>>) dst(%dma_wait3A_119 : memref<10240x8xf32, #tpu.memory_space<vmem_shared>>)
      %dma_wait3A_120 = arith.constant 1 : i32
      %dma_wait3A_121 = arith.constant 0 : i32
      %dma_wait3A_122 = arith.constant 0 : i32
      %dma_wait3A_123 = arith.constant 0 : i32
      %dma_wait3A_124 = tpu.memref_slice %arg9[%dma_wait3A_120, %dma_wait3A_122, %dma_wait3A_123] : memref<2x128x8xf32, #tpu.memory_space<vmem>> -> memref<1x128x8xf32, #tpu.memory_space<vmem>>
      %dma_wait3A_125 = tpu.memref_squeeze %dma_wait3A_124 : memref<1x128x8xf32, #tpu.memory_space<vmem>> -> memref<128x8xf32, #tpu.memory_space<vmem>>
      %dma_wait3A_126 = arith.constant 0 : i32
      %dma_wait3A_127 = tpu.memref_slice %arg8[%dma_wait3A_121, %dma_wait3A_126] : memref<40x128xi32, #tpu.memory_space<vmem>> -> memref<1x128xi32, #tpu.memory_space<vmem>>
      %dma_wait3A_128 = tpu.memref_squeeze %dma_wait3A_127 : memref<1x128xi32, #tpu.memory_space<vmem>> -> memref<128xi32, #tpu.memory_space<vmem>>
      %dma_wait3A_129 = arith.constant 0 : i32
      %dma_wait3A_130 = arith.constant 0 : i32
      %dma_wait3A_131 = tpu.memref_slice %arg10[%dma_wait3A_129, %dma_wait3A_130] : memref<10240x8xf32, #tpu.memory_space<vmem_shared>> -> memref<10240x8xf32, #tpu.memory_space<vmem_shared>>
      tpu.wait_indirect_dma semaphore(%arg15 : memref<!tpu.dma_semaphore, #tpu.memory_space<semaphore_mem>>) src(%dma_wait3A_125 : memref<128x8xf32, #tpu.memory_space<vmem>>) dst(%dma_wait3A_131 : memref<10240x8xf32, #tpu.memory_space<vmem_shared>>)
    } else {
    }
    %barrier3A_11 = arith.constant 0 : index
    tpu.barrier barrier_id(%barrier3A_11)
    %convert_element_type3A_12 = arith.extui %ge3A_0 : i1 to i32
    %cond3A_13 = arith.constant 0 : i32
    %cond3A_14 = arith.cmpi ne, %convert_element_type3A_12, %cond3A_13 : i32
    scf.if %cond3A_14 {
      %scan3A = arith.constant 0 : i32
      %scan3A_15 = arith.constant 5 : i32
      %scan3A_16 = arith.addi %scan3A, %scan3A_15 : i32
      %scan3A_17 = arith.constant 1 : i32
      scf.for %scan3A_19 = %scan3A to %scan3A_16 step %scan3A_17  : i32 {
        %mul3A = arith.constant 128 : i32
        %mul3A_20 = arith.muli %scan3A_19, %mul3A : i32
        %add3A = arith.constant 0 : i32
        %add3A_21 = arith.addi %add3A, %mul3A_20 : i32
        %mul3A_22 = arith.constant 640 : i32
        %mul3A_23 = arith.muli %arg1, %mul3A_22 : i32
        %add3A_24 = arith.addi %mul3A_23, %add3A_21 : i32
        "tpu.region"() ({
          %run_scoped3A = tpu.sem_alloc : memref<!tpu.dma_semaphore, #tpu.memory_space<semaphore_mem>>
          %dma_start3A = arith.constant 0 : i32
          %dma_start3A_25 = tpu.memref_slice %arg6[%arg0, %add3A_24, %dma_start3A] : memref<2x10240x8xf32, #tpu.memory_space<hbm>> -> memref<1x128x8xf32, #tpu.memory_space<hbm>>
          %dma_start3A_26 = tpu.memref_squeeze %dma_start3A_25 : memref<1x128x8xf32, #tpu.memory_space<hbm>> -> memref<128x8xf32, #tpu.memory_space<hbm>>
          %dma_start3A_27 = arith.constant 0 : i32
          %dma_start3A_28 = tpu.memref_slice %arg10[%add3A_24, %dma_start3A_27] : memref<10240x8xf32, #tpu.memory_space<vmem_shared>> -> memref<128x8xf32, #tpu.memory_space<vmem_shared>>
          tpu.enqueue_dma source(%dma_start3A_28 : memref<128x8xf32, #tpu.memory_space<vmem_shared>>) target(%dma_start3A_26 : memref<128x8xf32, #tpu.memory_space<hbm>>) target_semaphore(%run_scoped3A : memref<!tpu.dma_semaphore, #tpu.memory_space<semaphore_mem>>)
          %dma_wait3A = arith.constant 0 : i32
          %dma_wait3A_29 = tpu.memref_slice %arg6[%arg0, %add3A_24, %dma_wait3A] : memref<2x10240x8xf32, #tpu.memory_space<hbm>> -> memref<1x128x8xf32, #tpu.memory_space<hbm>>
          %dma_wait3A_30 = tpu.memref_squeeze %dma_wait3A_29 : memref<1x128x8xf32, #tpu.memory_space<hbm>> -> memref<128x8xf32, #tpu.memory_space<hbm>>
          %dma_wait3A_31 = arith.constant 0 : i32
          %dma_wait3A_32 = tpu.memref_slice %arg10[%add3A_24, %dma_wait3A_31] : memref<10240x8xf32, #tpu.memory_space<vmem_shared>> -> memref<128x8xf32, #tpu.memory_space<vmem_shared>>
          tpu.wait_dma2 semaphore(%run_scoped3A : memref<!tpu.dma_semaphore, #tpu.memory_space<semaphore_mem>>) src(%dma_wait3A_32 : memref<128x8xf32, #tpu.memory_space<vmem_shared>>) dst(%dma_wait3A_30 : memref<128x8xf32, #tpu.memory_space<hbm>>)
          tpu.yield
        }) : () -> ()
      }
      %scan3A_18 = arith.constant 5 : i32
    } else {
    }
    return
  }
}

module attributes {stable_mosaic.version = 14 : i64} {
  func.func @_tc1a_body(%arg0: i32, %arg1: memref<256x128xf32, #tpu.memory_space<vmem>>, %arg2: memref<128x128xf32, #tpu.memory_space<vmem>>, %arg3: memref<256x128xf32, #tpu.memory_space<vmem>>) attributes {dimension_semantics = [#tpu.dimension_semantics<arbitrary>], iteration_bounds = array<i64: 40>, scalar_prefetch = 0 : i64, scratch_operands = 0 : i64, tpu.core_type = #tpu.core_type<tc>, window_params = [{transform_indices = @transform_0, window_bounds = array<i64: 256, 128>}, {pipeline_mode = #tpu.pipeline_mode<synchronous>, transform_indices = @transform_1, window_bounds = array<i64: 128, 128>}, {transform_indices = @transform_2, window_bounds = array<i64: 256, 128>}]} {
    %get3A = arith.constant 0 : index
    %get3A_0 = arith.constant 0 : index
    %get3A_1 = vector.load %arg1[%get3A, %get3A_0] : memref<256x128xf32, #tpu.memory_space<vmem>>, vector<256x128xf32>
    %get3A_2 = arith.constant 0 : index
    %get3A_3 = arith.constant 0 : index
    %get3A_4 = vector.load %arg2[%get3A_2, %get3A_3] : memref<128x128xf32, #tpu.memory_space<vmem>>, vector<128x128xf32>
    %dot_general3A = arith.constant dense<0.000000e+00> : vector<256x128xf32>
    %dot_general3A_5 = tpu.matmul %get3A_1, %get3A_4, %dot_general3A {dimension_numbers = #tpu.dot_dimension_numbers<[1], [0], [0], [1], [0, 0, 1, 1], [], []>, transpose_lhs_hint = false} : vector<256x128xf32>, vector<128x128xf32>, vector<256x128xf32> -> vector<256x128xf32>
    %swap3A = arith.constant 0 : index
    %swap3A_6 = arith.constant 0 : index
    %swap3A_7 = vector.load %arg3[%swap3A, %swap3A_6] : memref<256x128xf32, #tpu.memory_space<vmem>>, vector<256x128xf32>
    tpu.vector_store %arg3[%swap3A, %swap3A_6], %dot_general3A_5 {strides = array<i32>} : memref<256x128xf32, #tpu.memory_space<vmem>>, vector<256x128xf32>,
    return
  }
  func.func @transform_0(%arg0: i32) -> (i32, i32) {
    %c0_i32 = arith.constant 0 : i32
    %c0_i32_0 = arith.constant 0 : i32
    return %arg0, %c0_i32 : i32, i32
  }
  func.func @transform_1(%arg0: i32) -> (i32, i32) {
    %c0_i32 = arith.constant 0 : i32
    %c0_i32_0 = arith.constant 0 : i32
    %c0_i32_1 = arith.constant 0 : i32
    return %c0_i32, %c0_i32_0 : i32, i32
  }
  func.func @transform_2(%arg0: i32) -> (i32, i32) {
    %c0_i32 = arith.constant 0 : i32
    %c0_i32_0 = arith.constant 0 : i32
    return %arg0, %c0_i32 : i32, i32
  }
}

module attributes {stable_mosaic.version = 14 : i64} {
  func.func @_tc1b_body(%arg0: i32, %arg1: memref<256x128xf32, #tpu.memory_space<vmem>>, %arg2: memref<32x256xf32, #tpu.memory_space<vmem>>, %arg3: memref<256x128xf32, #tpu.memory_space<vmem>>, %arg4: memref<256x1xf32, #tpu.memory_space<vmem>>) attributes {dimension_semantics = [#tpu.dimension_semantics<arbitrary>], iteration_bounds = array<i64: 40>, scalar_prefetch = 0 : i64, scratch_operands = 0 : i64, tpu.core_type = #tpu.core_type<tc>, window_params = [{transform_indices = @transform_0, window_bounds = array<i64: 256, 128>}, {transform_indices = @transform_1, window_bounds = array<i64: 32, 256>}, {transform_indices = @transform_2, window_bounds = array<i64: 256, 128>}, {transform_indices = @transform_3, window_bounds = array<i64: 256, 1>}]} {
    %get3A = arith.constant 0 : index
    %get3A_0 = arith.constant 0 : index
    %get3A_1 = vector.load %arg2[%get3A, %get3A_0] : memref<32x256xf32, #tpu.memory_space<vmem>>, vector<32x256xf32>
    %reduce_sum3A = arith.constant dense<0.000000e+00> : vector<256xf32>
    %reduce_sum3A_2 = vector.multi_reduction <add>, %get3A_1, %reduce_sum3A [0] : vector<32x256xf32> to vector<256xf32>
    %add3A = arith.constant 1.000000e+00 : f32
    %add3A_3 = vector.broadcast %add3A : f32 to vector<256xf32>
    %add3A_4 = arith.addf %reduce_sum3A_2, %add3A_3 : vector<256xf32>
    %rsqrt3A = math.rsqrt %add3A_4 : vector<256xf32>
    %get3A_5 = arith.constant 0 : index
    %get3A_6 = arith.constant 0 : index
    %get3A_7 = vector.load %arg1[%get3A_5, %get3A_6] : memref<256x128xf32, #tpu.memory_space<vmem>>, vector<256x128xf32>
    %broadcast_in_dim3A = vector.shape_cast %rsqrt3A : vector<256xf32> to vector<256x1xf32>
    %mul3A = vector.broadcast %broadcast_in_dim3A : vector<256x1xf32> to vector<256x128xf32>
    %mul3A_8 = arith.mulf %get3A_7, %mul3A : vector<256x128xf32>
    %swap3A = arith.constant 0 : index
    %swap3A_9 = arith.constant 0 : index
    %swap3A_10 = vector.load %arg3[%swap3A, %swap3A_9] : memref<256x128xf32, #tpu.memory_space<vmem>>, vector<256x128xf32>
    tpu.vector_store %arg3[%swap3A, %swap3A_9], %mul3A_8 {strides = array<i32>} : memref<256x128xf32, #tpu.memory_space<vmem>>, vector<256x128xf32>,
    %broadcast_in_dim3A_11 = vector.shape_cast %rsqrt3A : vector<256xf32> to vector<256x1xf32>
    %swap3A_12 = arith.constant 0 : index
    %swap3A_13 = arith.constant 0 : index
    %swap3A_14 = vector.load %arg4[%swap3A_12, %swap3A_13] : memref<256x1xf32, #tpu.memory_space<vmem>>, vector<256x1xf32>
    tpu.vector_store %arg4[%swap3A_12, %swap3A_13], %broadcast_in_dim3A_11 {strides = array<i32>} : memref<256x1xf32, #tpu.memory_space<vmem>>, vector<256x1xf32>,
    return
  }
  func.func @transform_0(%arg0: i32) -> (i32, i32) {
    %c0_i32 = arith.constant 0 : i32
    %c0_i32_0 = arith.constant 0 : i32
    return %arg0, %c0_i32 : i32, i32
  }
  func.func @transform_1(%arg0: i32) -> (i32, i32) {
    %c0_i32 = arith.constant 0 : i32
    %c0_i32_0 = arith.constant 0 : i32
    return %c0_i32, %arg0 : i32, i32
  }
  func.func @transform_2(%arg0: i32) -> (i32, i32) {
    %c0_i32 = arith.constant 0 : i32
    %c0_i32_0 = arith.constant 0 : i32
    return %arg0, %c0_i32 : i32, i32
  }
  func.func @transform_3(%arg0: i32) -> (i32, i32) {
    %c0_i32 = arith.constant 0 : i32
    %c0_i32_0 = arith.constant 0 : i32
    return %arg0, %c0_i32 : i32, i32
  }
}

module attributes {stable_mosaic.version = 14 : i64} {
  func.func @_tc2_body(%arg0: i32, %arg1: memref<2x256x128xf32, #tpu.memory_space<vmem>>, %arg2: memref<256x128xf32, #tpu.memory_space<vmem>>, %arg3: memref<256x1xf32, #tpu.memory_space<vmem>>, %arg4: memref<1x128xf32, #tpu.memory_space<vmem>>, %arg5: memref<128x8xf32, #tpu.memory_space<vmem>>, %arg6: memref<256x8xf32, #tpu.memory_space<vmem>>) attributes {dimension_semantics = [#tpu.dimension_semantics<arbitrary>], iteration_bounds = array<i64: 40>, scalar_prefetch = 0 : i64, scratch_operands = 0 : i64, tpu.core_type = #tpu.core_type<tc>, window_params = [{transform_indices = @transform_0, window_bounds = array<i64: 2, 256, 128>}, {transform_indices = @transform_1, window_bounds = array<i64: 256, 128>}, {transform_indices = @transform_2, window_bounds = array<i64: 256, 1>}, {pipeline_mode = #tpu.pipeline_mode<synchronous>, transform_indices = @transform_3, window_bounds = array<i64: 1, 128>}, {pipeline_mode = #tpu.pipeline_mode<synchronous>, transform_indices = @transform_4, window_bounds = array<i64: 128, 8>}, {transform_indices = @transform_5, window_bounds = array<i64: 256, 8>}]} {
    %get3A = arith.constant 0 : index
    %get3A_0 = arith.constant 0 : index
    %get3A_1 = arith.constant 0 : index
    %get3A_2 = vector.load %arg1[%get3A, %get3A_0, %get3A_1] : memref<2x256x128xf32, #tpu.memory_space<vmem>>, vector<2x256x128xf32>
    %reduce_sum3A = arith.constant dense<0.000000e+00> : vector<256x128xf32>
    %reduce_sum3A_3 = vector.multi_reduction <add>, %get3A_2, %reduce_sum3A [0] : vector<2x256x128xf32> to vector<256x128xf32>
    %get3A_4 = arith.constant 0 : index
    %get3A_5 = arith.constant 0 : index
    %get3A_6 = vector.load %arg3[%get3A_4, %get3A_5] : memref<256x1xf32, #tpu.memory_space<vmem>>, vector<256x1xf32>
    %get3A_7 = arith.constant 0 : index
    %get3A_8 = arith.constant 0 : index
    %get3A_9 = vector.load %arg2[%get3A_7, %get3A_8] : memref<256x128xf32, #tpu.memory_space<vmem>>, vector<256x128xf32>
    %add3A = arith.addf %reduce_sum3A_3, %get3A_9 : vector<256x128xf32>
    %mul3A = vector.broadcast %get3A_6 : vector<256x1xf32> to vector<256x128xf32>
    %mul3A_10 = arith.mulf %add3A, %mul3A : vector<256x128xf32>
    %get3A_11 = arith.constant 0 : index
    %get3A_12 = arith.constant 0 : index
    %get3A_13 = vector.load %arg4[%get3A_11, %get3A_12] : memref<1x128xf32, #tpu.memory_space<vmem>>, vector<1x128xf32>
    %add3A_14 = vector.broadcast %get3A_13 : vector<1x128xf32> to vector<256x128xf32>
    %add3A_15 = arith.addf %mul3A_10, %add3A_14 : vector<256x128xf32>
    %max3A = arith.constant 0.000000e+00 : f32
    %max3A_16 = vector.broadcast %max3A : f32 to vector<256x128xf32>
    %max3A_17 = arith.maximumf %add3A_15, %max3A_16 : vector<256x128xf32>
    %get3A_18 = arith.constant 0 : index
    %get3A_19 = arith.constant 0 : index
    %get3A_20 = vector.load %arg5[%get3A_18, %get3A_19] : memref<128x8xf32, #tpu.memory_space<vmem>>, vector<128x8xf32>
    %dot_general3A = arith.constant dense<0.000000e+00> : vector<256x8xf32>
    %dot_general3A_21 = tpu.matmul %max3A_17, %get3A_20, %dot_general3A {dimension_numbers = #tpu.dot_dimension_numbers<[1], [0], [0], [1], [0, 0, 1, 1], [], []>, transpose_lhs_hint = false} : vector<256x128xf32>, vector<128x8xf32>, vector<256x8xf32> -> vector<256x8xf32>
    %mul3A_22 = vector.broadcast %get3A_6 : vector<256x1xf32> to vector<256x8xf32>
    %mul3A_23 = arith.mulf %dot_general3A_21, %mul3A_22 : vector<256x8xf32>
    %swap3A = arith.constant 0 : index
    %swap3A_24 = arith.constant 0 : index
    %swap3A_25 = vector.load %arg6[%swap3A, %swap3A_24] : memref<256x8xf32, #tpu.memory_space<vmem>>, vector<256x8xf32>
    tpu.vector_store %arg6[%swap3A, %swap3A_24], %mul3A_23 {strides = array<i32>} : memref<256x8xf32, #tpu.memory_space<vmem>>, vector<256x8xf32>,
    return
  }
  func.func @transform_0(%arg0: i32) -> (i32, i32, i32) {
    %c0_i32 = arith.constant 0 : i32
    %c0_i32_0 = arith.constant 0 : i32
    %c0_i32_1 = arith.constant 0 : i32
    return %c0_i32, %arg0, %c0_i32_0 : i32, i32, i32
  }
  func.func @transform_1(%arg0: i32) -> (i32, i32) {
    %c0_i32 = arith.constant 0 : i32
    %c0_i32_0 = arith.constant 0 : i32
    return %arg0, %c0_i32 : i32, i32
  }
  func.func @transform_2(%arg0: i32) -> (i32, i32) {
    %c0_i32 = arith.constant 0 : i32
    %c0_i32_0 = arith.constant 0 : i32
    return %arg0, %c0_i32 : i32, i32
  }
  func.func @transform_3(%arg0: i32) -> (i32, i32) {
    %c0_i32 = arith.constant 0 : i32
    %c0_i32_0 = arith.constant 0 : i32
    %c0_i32_1 = arith.constant 0 : i32
    return %c0_i32, %c0_i32_0 : i32, i32
  }
  func.func @transform_4(%arg0: i32) -> (i32, i32) {
    %c0_i32 = arith.constant 0 : i32
    %c0_i32_0 = arith.constant 0 : i32
    %c0_i32_1 = arith.constant 0 : i32
    return %c0_i32, %c0_i32_0 : i32, i32
  }
  func.func @transform_5(%arg0: i32) -> (i32, i32) {
    %c0_i32 = arith.constant 0 : i32
    %c0_i32_0 = arith.constant 0 : i32
    return %arg0, %c0_i32 : i32, i32
  }
}

module attributes {stable_mosaic.version = 14 : i64} {
  func.func @_tc3_body(%arg0: i32, %arg1: memref<2x256x8xf32, #tpu.memory_space<vmem>>, %arg2: memref<256x8xf32, #tpu.memory_space<vmem>>, %arg3: memref<256x1xf32, #tpu.memory_space<vmem>>, %arg4: memref<1x8xf32, #tpu.memory_space<vmem>>, %arg5: memref<256x8xf32, #tpu.memory_space<vmem>>) attributes {dimension_semantics = [#tpu.dimension_semantics<arbitrary>], iteration_bounds = array<i64: 40>, scalar_prefetch = 0 : i64, scratch_operands = 0 : i64, tpu.core_type = #tpu.core_type<tc>, window_params = [{transform_indices = @transform_0, window_bounds = array<i64: 2, 256, 8>}, {transform_indices = @transform_1, window_bounds = array<i64: 256, 8>}, {transform_indices = @transform_2, window_bounds = array<i64: 256, 1>}, {pipeline_mode = #tpu.pipeline_mode<synchronous>, transform_indices = @transform_3, window_bounds = array<i64: 1, 8>}, {transform_indices = @transform_4, window_bounds = array<i64: 256, 8>}]} {
    %get3A = arith.constant 0 : index
    %get3A_0 = arith.constant 0 : index
    %get3A_1 = arith.constant 0 : index
    %get3A_2 = vector.load %arg1[%get3A, %get3A_0, %get3A_1] : memref<2x256x8xf32, #tpu.memory_space<vmem>>, vector<2x256x8xf32>
    %reduce_sum3A = arith.constant dense<0.000000e+00> : vector<256x8xf32>
    %reduce_sum3A_3 = vector.multi_reduction <add>, %get3A_2, %reduce_sum3A [0] : vector<2x256x8xf32> to vector<256x8xf32>
    %get3A_4 = arith.constant 0 : index
    %get3A_5 = arith.constant 0 : index
    %get3A_6 = vector.load %arg2[%get3A_4, %get3A_5] : memref<256x8xf32, #tpu.memory_space<vmem>>, vector<256x8xf32>
    %add3A = arith.addf %reduce_sum3A_3, %get3A_6 : vector<256x8xf32>
    %get3A_7 = arith.constant 0 : index
    %get3A_8 = arith.constant 0 : index
    %get3A_9 = vector.load %arg3[%get3A_7, %get3A_8] : memref<256x1xf32, #tpu.memory_space<vmem>>, vector<256x1xf32>
    %mul3A = vector.broadcast %get3A_9 : vector<256x1xf32> to vector<256x8xf32>
    %mul3A_10 = arith.mulf %add3A, %mul3A : vector<256x8xf32>
    %get3A_11 = arith.constant 0 : index
    %get3A_12 = arith.constant 0 : index
    %get3A_13 = vector.load %arg4[%get3A_11, %get3A_12] : memref<1x8xf32, #tpu.memory_space<vmem>>, vector<1x8xf32>
    %add3A_14 = vector.broadcast %get3A_13 : vector<1x8xf32> to vector<256x8xf32>
    %add3A_15 = arith.addf %mul3A_10, %add3A_14 : vector<256x8xf32>
    %swap3A = arith.constant 0 : index
    %swap3A_16 = arith.constant 0 : index
    %swap3A_17 = vector.load %arg5[%swap3A, %swap3A_16] : memref<256x8xf32, #tpu.memory_space<vmem>>, vector<256x8xf32>
    tpu.vector_store %arg5[%swap3A, %swap3A_16], %add3A_15 {strides = array<i32>} : memref<256x8xf32, #tpu.memory_space<vmem>>, vector<256x8xf32>,
    return
  }
  func.func @transform_0(%arg0: i32) -> (i32, i32, i32) {
    %c0_i32 = arith.constant 0 : i32
    %c0_i32_0 = arith.constant 0 : i32
    %c0_i32_1 = arith.constant 0 : i32
    return %c0_i32, %arg0, %c0_i32_0 : i32, i32, i32
  }
  func.func @transform_1(%arg0: i32) -> (i32, i32) {
    %c0_i32 = arith.constant 0 : i32
    %c0_i32_0 = arith.constant 0 : i32
    return %arg0, %c0_i32 : i32, i32
  }
  func.func @transform_2(%arg0: i32) -> (i32, i32) {
    %c0_i32 = arith.constant 0 : i32
    %c0_i32_0 = arith.constant 0 : i32
    return %arg0, %c0_i32 : i32, i32
  }
  func.func @transform_3(%arg0: i32) -> (i32, i32) {
    %c0_i32 = arith.constant 0 : i32
    %c0_i32_0 = arith.constant 0 : i32
    %c0_i32_1 = arith.constant 0 : i32
    return %c0_i32, %c0_i32_0 : i32, i32
  }
  func.func @transform_4(%arg0: i32) -> (i32, i32) {
    %c0_i32 = arith.constant 0 : i32
    %c0_i32_0 = arith.constant 0 : i32
    return %arg0, %c0_i32 : i32, i32
  }
}

</mosaic_0001>

<sc_bundles>
// kernel: kernel.12.cloned.1.call-start
scs
__scs_entry_jumppad:
0x0: {  	(pc) =	sbr.rel $0x88, $3  }
0x1: {  	(tag) =	ssettag $0x0;
	lr =	simm.s32 $0x1  }
0x2: {  	[smem:$0x3F9B] =	sst lr;
	_ =	strace $0xD0000000  }
0x3: {  	_ = 	snop  }
0x4: {  	_ = 	snop  }
0x5: {  	_ = 	snop  }
0x6: {  	_ = 	snop  }
0x7: {  	_ = 	snop  }
__scs_overlays_trampoline_lowered:
0x8: {  	[smem:$0x3FAA] =	sst s0  }
0x9: {  	[smem:$0x3FAB] =	sst s1  }
0xa: {  	[smem:$0x3FAC] =	sst s2  }
0xb: {  	[smem:$0x3FAD] =	sst s3  }
0xc: {  	[smem:$0x3FAE] =	sst s4  }
0xd: {  	[smem:$0x3FAF] =	sst s5  }
0xe: {  	[smem:$0x3FB0] =	sst s6  }
0xf: {  	[smem:$0x3FB1] =	sst s7  }
0x10: {  	[smem:$0x3FB2] =	sst s8  }
0x11: {  	[smem:$0x3FB3] =	sst s9;
	s0 =	simm.s32 @!p0 $0x0  }
0x12: {  	s1 =	sld [smem:$0x3F99];
	s0 =	simm.s32 @p0 $0x1  }
0x13: {  	[smem:$0x3FB4] =	sst s0;
	s0 =	simm.s32 @!p1 $0x0  }
0x14: {  	s2 =	sld [smem:$0x3F98];
	s0 =	simm.s32 @p1 $0x1  }
0x15: {  	[smem:$0x3FB5] =	sst s0;
	s0 =	simm.s32 @!p2 $0x0  }
0x16: {  	s3 =	sld [smem:$0x3FDB];
	s0 =	simm.s32 @p2 $0x1  }
0x17: {  	s4 =	simm.s32 $0x1BF5;
	[smem:$0x3FB7] =	sst s0  }
0x18: {  	s0 =	sld [smem:$0x3F9A];
	_ =	swait.ge [sflag:s4], $0x0  }
0x19: {  	s7 =	sld [smem:$0x3F9B]  }
0x1a: {  	s8 =	sadd.s32 $0xFFFFE003, lr  }
0x1b: {  	s9 =	sadd.s32 $0xFFFFFEF7, lr;
	s5 =	simm.s32 $0xFFFFFFFF;
	p2 =	slt.u32 s8, $0xFFFFF086  }
0x1c: {  	p1 =	slt.u32 s9, $0xF7A;
	s5 =	simm.s32 @!p2 $0x0  }
0x1d: {  	s5 =	simm.s32 @p1 $0x1;
	p0 =	seq.s32 s7, s2  }
0x1e: {  	s7 =	smul.u32 @!p0 $0xF7A, s2;
	p2 =	seq.s32 @!p0 s5, $0x0  }
0x1f: {  	s9 =	smul.u32 $0xF7A, s1;
	s8 =	simm.s32 @!p0 $0x1BF5;
	p2 =	por !p2, p0  }
0x20: {  	[sflag:s8] =	ssyncset.s32 @!p0 $0xFFFFF086;
	s6 =	sadd.s32 @!p0 s3, s7;
	s7 =	simm.s32 @!p0 $0x108  }
0x21: {  	s3 =	sadd.s32 s3, s9;
	s6 =	sadd.s32 @!p0 $0x88, s6;
	s7 =	simm.s32 @p2 $0x1082  }
0x22: {  	[simem:s7], [sflag:s8] =	dma.local @!p0 [hbm:s6], $0xF7A  }
0x23: {  	s9 =	sor.u32 $0xD0000000, s2;
	s6 =	simm.s32 $0x108;
	_ =	swait.ge @!p0 [sflag:s8], $0x0  }
0x24: {  	s3 =	sadd.s32 $0x88, s3;
	s6 =	simm.s32 @!p1 $0x1082;
	[sflag:s4] =	ssyncset.s32 $0xFFFFF086  }
0x25: {  	[simem:s6], [sflag:s4] =	dma.local [hbm:s3], $0xF7A  }
0x26: {  	[smem:$0x3F9B] =	sst s1;
	(tag) =	ssettag s2;
	_ =	strace s9  }
0x27: {  	s1 =	sld [smem:$0x3FAB]  }
0x28: {  	s2 =	sld [smem:$0x3FAC]  }
0x29: {  	s4 =	sld [smem:$0x3FAE]  }
0x2a: {  	p0 =	seq.s32 s5, $0x0;
	s5 =	sld [smem:$0x3FAF]  }
0x2b: {  	s6 =	sld [smem:$0x3FB0]  }
0x2c: {  	s7 =	sld [smem:$0x3FB1]  }
0x2d: {  	s3 =	simm.s32 $0x108;
	s8 =	sld [smem:$0x3FB2]  }
0x2e: {  	s3 =	simm.s32 @!p0 $0x1082;
	s9 =	sld [smem:$0x3FB3]  }
0x2f: {  	lr =	sadd.s32 s0, s3;
	s0 =	sld [smem:$0x3FAA]  }
0x30: {  	s3 =	sld [smem:$0x3FAD]  }
0x31: {  	[smem:$0x3FB6] =	sst s10  }
0x32: {  	s10 =	sld [smem:$0x3FB4];
	_ =	sdelay $0x3  }
0x33: {  	p0 =	seq.s32 s10, $0x1;
	s10 =	sld [smem:$0x3FB6];
	_ =	sdelay $0x3  }
0x34: {  	[smem:$0x3FB6] =	sst s10  }
0x35: {  	s10 =	sld [smem:$0x3FB5];
	_ =	sdelay $0x3  }
0x36: {  	p1 =	seq.s32 s10, $0x1;
	s10 =	sld [smem:$0x3FB6];
	_ =	sdelay $0x3  }
0x37: {  	[smem:$0x3FB6] =	sst s10  }
0x38: {  	s10 =	sld [smem:$0x3FB7]  }
0x39: {  	_ = 	snop;
	(pc) =	sbr.ind lr, $3  }
0x3a: {  	_ = 	snop  }
0x3b: {  	_ = 	snop  }
0x3c: {  	p2 =	seq.s32 s10, $0x1;
	s10 =	sld [smem:$0x3FB6]  }
0x3d: {  	_ =	shalt  }
0x3e: {  	_ =	shalt  }
0x3f: {  	_ =	shalt  }
0x40: {  	_ =	shalt  }
0x41: {  	_ =	shalt  }
0x42: {  	_ =	shalt  }
0x43: {  	_ =	shalt  }
0x44: {  	_ =	shalt  }
0x45: {  	_ =	shalt  }
0x46: {  	_ =	shalt  }
0x47: {  	_ =	shalt  }
0x48: {  	_ =	shalt  }
0x49: {  	_ =	shalt  }
0x4a: {  	_ =	shalt  }
0x4b: {  	_ =	shalt  }
0x4c: {  	_ =	shalt  }
0x4d: {  	_ =	shalt  }
0x4e: {  	_ =	shalt  }
0x4f: {  	_ =	shalt  }
0x50: {  	_ =	shalt  }
0x51: {  	_ =	shalt  }
0x52: {  	_ =	shalt  }
0x53: {  	_ =	shalt  }
0x54: {  	_ =	shalt  }
0x55: {  	_ =	shalt  }
0x56: {  	_ =	shalt  }
0x57: {  	_ =	shalt  }
0x58: {  	_ =	shalt  }
0x59: {  	_ =	shalt  }
0x5a: {  	_ =	shalt  }
0x5b: {  	_ =	shalt  }
0x5c: {  	_ =	shalt  }
0x5d: {  	_ =	shalt  }
0x5e: {  	_ =	shalt  }
0x5f: {  	_ =	shalt  }
0x60: {  	_ =	shalt  }
0x61: {  	_ =	shalt  }
0x62: {  	_ =	shalt  }
0x63: {  	_ =	shalt  }
0x64: {  	_ =	shalt  }
0x65: {  	_ =	shalt  }
0x66: {  	_ =	shalt  }
0x67: {  	_ =	shalt  }
0x68: {  	_ =	shalt  }
0x69: {  	_ =	shalt  }
0x6a: {  	_ =	shalt  }
0x6b: {  	_ =	shalt  }
0x6c: {  	_ =	shalt  }
0x6d: {  	_ =	shalt  }
0x6e: {  	_ =	shalt  }
0x6f: {  	_ =	shalt  }
0x70: {  	_ =	shalt  }
0x71: {  	_ =	shalt  }
0x72: {  	_ =	shalt  }
0x73: {  	_ =	shalt  }
0x74: {  	_ =	shalt  }
0x75: {  	_ =	shalt  }
0x76: {  	_ =	shalt  }
0x77: {  	_ =	shalt  }
0x78: {  	_ =	shalt  }
0x79: {  	_ =	shalt  }
0x7a: {  	_ =	shalt  }
0x7b: {  	_ =	shalt  }
0x7c: {  	_ =	shalt  }
0x7d: {  	_ =	shalt  }
0x7e: {  	_ =	shalt  }
0x7f: {  	_ =	shalt  }
0x80: {  	_ =	shalt  }
0x81: {  	_ =	shalt  }
0x82: {  	_ =	shalt  }
0x83: {  	_ =	shalt  }
0x84: {  	_ =	shalt  }
0x85: {  	_ =	shalt  }
0x86: {  	_ =	shalt  }
0x87: {  	_ =	shalt  }
.Lfunc_end0:
.L_simem_size_0:
called_computation.1_lowered:
.L_overlay_start_0:
0x88: {  	s2 =	sld [smem:$0x3FD9]  }
0x89: {  	s3 =	sld [smem:$0x3FFE];
	_ =	sdelay $0x1  }
0x8a: {  	s1 =	srdreg.scid  }
0x8b: {  	s0 =	sand.u32 $0x1, s1  }
0x8c: {  	s16 =	sshll.u32 s0, $0xA;
	s2 =	sadd.s32 s3, s2  }
0x8d: {  	s2 =	sadd.s32 s2, s16  }
0x8e: {  	[smem:$0x3FC2] =	sst s2  }
0x8f: {  	_ = 	snop  }
0x90: {  	(tm) =	ssettm $0x1  }
0x91: {  	s17 =	sld [smem:$0x3FFB];
	_ =	sdelay $0x3  }
0x92: {  	_ =	strace s17  }
0x93: {  	s2 =	sld [smem:$0x3FFC];
	_ =	sdelay $0x3  }
0x94: {  	_ =	strace s2  }
0x95: {  	s2 =	sld [smem:$0x3FFD];
	_ =	sdelay $0x3  }
0x96: {  	_ =	strace s2  }
0x97: {  	_ =	strace $0x8FFFFFFF  }
0x98: {  	s18 =	sld [smem:$0x3FDB];
	_ =	sdelay $0x1  }
0x99: {  	s19 =	simm.s32 $_scs_section_size  }
0x9a: {  	s4 =	simm.s32 $_size__tile_overlayer_lowered;
	s5 =	simm.s32 $_tile_overlayer_lowered  }
0x9b: {  	s22 =	simm.s32 $0x1BFF;
	s21 =	sshll.u32 s5, $0x1;
	s2 =	sadd.s32 s19, s18  }
0x9c: {  	s6 =	simm.s32 $0x0;
	s20 =	sshll.u32 s4, $0x1;
	s4 =	sadd.s32 s21, s2  }
0x9d: {  	[timem:s6], [sflag:s22] =	dma.local [hbm:s4], s20  }
0x9e: {  	_ =	swait.ge [sflag:s22], s20  }
0x9f: {  	s3 =	ssub.s32 $0x0, s20;
	[sflag:s22] =	ssyncset.done $0x0  }
0xa0: {  	[sflag:s22] =	ssyncadd.s32 s3;
	_ =	sdelay $0x1  }
0xa1: {  	s23 =	simm.s32 $0x1B8B  }
0xa2: {  	_ =	swait.ge [sflag:s23], $0x1  }
0xa3: {  	[sflag:s23] =	ssyncset.done $0x0  }
0xa4: {  	s25 =	simm.s32 $0x1B8E;
	s24 =	sld [smem:$0x3FFE];
	[sflag:s23] =	ssyncadd.s32 $0xFFFFFFFF  }
0xa5: {  	s26 =	simm.s32 $execute0_lowered;
	[smem:$0x3FD2] =	sst s25  }
0xa6: {  	s4 =	sshll.u32 s26, $0x1;
	_ =	strace $0x80000049;
	[dreg:$0x1] =	wrdreg $0xFFFFFFFF  }
0xa7: {  	s28 =	simm.s32 $_size_execute0_lowered;
	s2 =	sadd.s32 s2, s4;
	[dreg:$0x0] =	wrdreg $0x0  }
0xa8: {  	s4 =	sshll.u32 s28, $0x1;
	[dreg:$0x2] =	wrdreg s2  }
0xa9: {  	[dreg:$0x3] =	wrdreg s4  }
0xaa: {  	[dreg:$0x4] =	wrdreg $0xC0  }
0xab: {  	_ =	task [dreg:s6], $0x5FFFF  }
0xac: {  	[dreg:$0x1] =	wrdreg $0xFFFFFFFF  }
0xad: {  	[dreg:$0x0] =	wrdreg $0x60  }
0xae: {  	[dreg:$0x2] =	wrdreg s24  }
0xaf: {  	[dreg:$0x3] =	wrdreg $0xA8000  }
0xb0: {  	[dreg:$0x4] =	wrdreg $0x9  }
0xb1: {  	_ =	task.clear_ibuf [dreg:s6], $0x5FFFF;
	_ =	strace $0x90000049  }
0xb2: {  	s29 =	simm.s32 $0x9;
	_ =	strace $0x8000004B  }
0xb3: {  	_ =	swait.ge [sflag:s29], $0x1  }
0xb4: {  	[sflag:s29] =	ssyncadd.s32 $0xFFFFFFFF  }
0xb5: {  	_ =	strace $0x9000004B  }
0xb6: {  	_ =	sfence  }
0xb7: {  	s30 =	sld [smem:$0x0];
	_ =	sdelay $0x2  }
0xb8: {  	s31 =	sshll.u32 s1, $0xD;
	s1 =	sshrl.u32 s1, $0x2  }
0xb9: {  	s3 =	sand.u32 $0x4000, s31;
	s1 =	sadd.s32 s1, s30  }
0xba: {  	s0 =	sor.u32 s3, s0;
	s1 =	sshll.u32 s1, $0x11  }
0xbb: {  	s0 =	sor.u32 s1, s0  }
0xbc: {  	s0 =	sadd.s32 $0x8F2B, s0  }
0xbd: {  	[sflag:s0] =	ssyncadd.remote.s32 $0x1  }
0xbe: {  	_ =	sfence.sel $0xFFFF  }
0xbf: {  	[dreg:$0x0] =	wrdreg $0xFFFFFFFF;
	(pc) =	sbr.abs _section_cstart, $3  }
0xc0: {  	[dreg:$0x1] =	wrdreg $0xFFFFFFFF  }
0xc1: {  	_ =	task.clear_ibuf [dreg:s6], $0x2FFFF;
	_ =	strace $0x9FFFFFFF  }
0xc2: {  	(tm) =	ssettm $0x7FFFFFFF  }
0xc3: {  	_ =	shalt  }
tec
execute0_lowered:
.L_overlay_start_1:
0x0: {  	(tag) =	ssettag $0x1  }
0x1: {  	s0 =	rddreg [dreg:$0x0]  }
0x2: {  	s1 =	rddreg [dreg:$0x1];
	s2 =	simm.s32 $0x0;
	s13 =	stileid.u32  }
0x3: {  	s3 =	srdreg.scid;
	s29 =	simm.s32 $0x2800;
	s8 =	smul.u32 $0x50000, s13  }
0x4: {  	s30 =	simm.s32 $0x6;
	s31 =	simm.s32 $0x1;
	s10 =	smul.u32 $0x3C00, s13  }
0x5: {  	[smem:$0x7FF] =	sst s2;
	s4 =	sadd.s32 $0x2A200, s0;
	s15 =	smul.u32 $0x780, s13  }
0x6: {  	s6 =	sadd.s32 $0xC200, s0;
	s3 =	sand.u32 $0x1, s3;
	s12 =	smul.u32 $0x1400, s13  }
0x7: {  	s7 =	sadd.s32 $0x2200, s0;
	s0 =	sadd.s32 $0x52200, s0;
	s20 =	smul.u32 $0x14000, s13  }
0x8: {  	_ =	strace $0x8000004A;
	s5 =	ssub.s32 $0x2, s3;
	p0 =	seq.s32 s3, $0x1  }
0x9: {  	s3 =	smul.u32 $0x140000, s3;
	s9 =	sshrl.u32 s5, $0x1;
	s14 =	sshrl.u32 s8, $0x2  }
0xa: {  	s10 =	sshrl.u32 s10, $0x3;
	s11 =	sadd.s32 s6, s15;
	s8 =	sadd.s32 s7, s15  }
0xb: {  	s22 =	sshrl.u32 s12, $0x3;
	s24 =	sadd.s32 $0x4000, s20;
	s15 =	sadd.s32 $0xC000, s20  }
0xc: {  	s12 =	simm.s32 $0x100;
	s9 =	ssub.s32 s5, s9;
	[dreg:$0x3] =	wrdreg s11  }
0xd: {  	s5 =	sadd.s32 s14, s1;
	s16 =	sadd.s32 $0x280, s10;
	[dreg:$0x4] =	wrdreg s8  }
0xe: {  	s19 =	sadd.s32 $0x500, s10;
	s23 =	sadd.s32 s3, s20;
	s26 =	sadd.s32 s3, s24  }
0xf: {  	s14 =	sadd.s32 $0x8000, s20;
	s17 =	sadd.s32 s6, s16;
	s18 =	sadd.s32 s7, s16  }
0x10: {  	s21 =	sadd.s32 s6, s19;
	s8 =	sadd.s32 s7, s19;
	[dreg:$0x5] =	wrdreg s17  }
0x11: {  	s25 =	sshrl.u32 s23, $0x3;
	s11 =	smax.u32 s9, $0x1;
	[dreg:$0x6] =	wrdreg s18  }
0x12: {  	s13 =	sadd.s32 $0x4000, s5;
	s16 =	sadd.s32 $0x10000, s20;
	[dreg:$0x7] =	wrdreg s21  }
0x13: {  	s23 =	sadd.s32 s24, s1;
	s24 =	sadd.s32 s14, s1;
	[dreg:$0x8] =	wrdreg s8  }
0x14: {  	s28 =	sadd.s32 $0x10000, s5;
	s8 =	sadd.s32 $0x7800, s22;
	[dreg:$0xc] =	wrdreg s11  }
0x15: {  	[dreg:$0xd] =	wrdreg s13;
	s21 =	sadd.s32 s3, s14;
	s22 =	sadd.s32 s3, s15  }
0x16: {  	s3 =	sadd.s32 s3, s16;
	s11 =	simm.s32 $0x4;
	s13 =	simm.s32 $0x5  }
0x17: {  	s6 =	sadd.s32 s6, s8;
	s7 =	sadd.s32 s7, s8;
	s8 =	sshrl.u32 s26, $0x3  }
0x18: {  	s9 =	sshrl.u32 s21, $0x3;
	s10 =	sshrl.u32 s22, $0x3;
	s3 =	sshrl.u32 s3, $0x3  }
0x19: {  	s21 =	sadd.s32 $0x8000, s5;
	s26 =	sadd.s32 s16, s1;
	[dreg:$0x9] =	wrdreg s6  }
0x1a: {  	s22 =	sshrl.u32 s23, $0x3;
	s23 =	sshrl.u32 s24, $0x3;
	[dreg:$0xa] =	wrdreg s7  }
0x1b: {  	s6 =	sadd.s32 s0, s25;
	s17 =	sadd.s32 s0, s8;
	s18 =	sadd.s32 s0, s9  }
.Ltmp0:
0x1c: {  	s19 =	sadd.s32 s0, s10;
	s20 =	sadd.s32 s0, s3;
	(pc) =	sbr.rel .LBB2_1-.Ltmp0, $4  }
0x1d: {  	s25 =	sadd.s32 s15, s1;
	s0 =	simm.s32 $0x1400;
	s7 =	simm.s32 $0x2  }
0x1e: {  	s8 =	simm.s32 $0x6800;
	s9 =	simm.s32 $0x3;
	s10 =	simm.s32 $0x1480  }
0x1f: {  	s3 =	simm.s32 $0x0;
	[dreg:$0xb] =	wrdreg s6;
	s24 =	sshrl.u32 s25, $0x3  }
0x20: {  	v0 =	vimm.f32 $0.0e+00;
	s25 =	sshrl.u32 s26, $0x3;
	s26 =	sadd.s32 $0xC000, s5;
	s6 =	simm.s32 $0x80  }
.LBB2_16:
0x21: {  	_ =	swait.ge [sflag:s13], $0x4000  }
0x22: {  	[sflag:s13] =	ssyncset.done $0x0  }
0x23: {  	s14 =	stileid.u32;
	[sflag:s13] =	ssyncadd.s32 $0xFFFFC000  }
0x24: {  	s14 =	sshll.u32 s14, $0x6;
	[bflag:$0x0] =	sbarrier.arrive $0xFFFF  }
0x25: {  	s15 =	sshrl.u32 s5, $0x3;
	s14 =	sor.u32 $0x1C06, s14;
	s16 =	rddreg [dreg:$0xb]  }
0x26: {  	[hbm:s16], [sflag:s14] =	dma.local [spmem:s15], $0x800  }
0x27: {  	_ =	swait.ge [sflag:s30], $0x800  }
0x28: {  	[sflag:s30] =	ssyncset.done $0x0  }
0x29: {  	[sflag:s30] =	ssyncadd.s32 $0xFFFFF800  }
0x2a: {  	[hbm:s17], [sflag:s14] =	dma.local [spmem:s22], $0x800  }
0x2b: {  	_ =	swait.ge [sflag:s30], $0x800  }
0x2c: {  	[sflag:s30] =	ssyncset.done $0x0  }
0x2d: {  	[sflag:s30] =	ssyncadd.s32 $0xFFFFF800  }
0x2e: {  	[hbm:s18], [sflag:s14] =	dma.local [spmem:s23], $0x800  }
0x2f: {  	_ =	swait.ge [sflag:s30], $0x800  }
0x30: {  	[sflag:s30] =	ssyncset.done $0x0  }
0x31: {  	[sflag:s30] =	ssyncadd.s32 $0xFFFFF800  }
0x32: {  	[hbm:s19], [sflag:s14] =	dma.local [spmem:s24], $0x800  }
0x33: {  	_ =	swait.ge [sflag:s30], $0x800  }
0x34: {  	[sflag:s30] =	ssyncset.done $0x0  }
0x35: {  	[sflag:s30] =	ssyncadd.s32 $0xFFFFF800  }
0x36: {  	[hbm:s20], [sflag:s14] =	dma.local [spmem:s25], $0x800  }
0x37: {  	_ =	swait.ge [sflag:s30], $0x800  }
0x38: {  	s3 =	sadd.s32 $0x1, s3;
	s16 =	rddreg [dreg:$0xc]  }
0x39: {  	p1 =	sne.s32 s3, s16  }
.Ltmp1:
0x3a: {  	_ = 	snop;
	(pc) =	sbr.rel @!p1 .LBB2_17-.Ltmp1, $3  }
0x3b: {  	_ =	sdelay $0x1  }
0x3c: {  	[sflag:s30] =	ssyncset.done $0x0  }
0x3d: {  	[sflag:s30] =	ssyncadd.s32 $0xFFFFF800  }
.LBB2_1:
0x3e: {  	s14 =	simm.s32 $0x0;
	s15 =	simm.s32 $0x200  }
.LBB2_2:
0x3f: {  	p1 =	sne.s32 s15, $0xFE00;
	[tilespmem:s14+$0x2870] =	vst v0  }
0x40: {  	[tilespmem:s14+$0x2800] =	vst v0  }
0x41: {  	[tilespmem:s14+$0x2810] =	vst v0  }
.Ltmp2:
0x42: {  	[tilespmem:s14+$0x2820] =	vst v0;
	(pc) =	sbr.rel @p1 .LBB2_2-.Ltmp2, $4  }
0x43: {  	[tilespmem:s14+$0x2830] =	vst v0  }
0x44: {  	[tilespmem:s14+$0x2840] =	vst v0  }
0x45: {  	[tilespmem:s14+$0x2850] =	vst v0  }
0x46: {  	[tilespmem:s14+$0x2860] =	vst v0;
	s14 =	sshra.s32 s15, $0x2;
	s15 =	sadd.s32 $0x200, s15  }
0x47: {  	[tilespmem:s14+$0x2870] =	vst v0  }
0x48: {  	[tilespmem:s14+$0x2800] =	vst v0  }
0x49: {  	[tilespmem:s14+$0x2810] =	vst v0  }
0x4a: {  	[tilespmem:s14+$0x2820] =	vst v0  }
0x4b: {  	[tilespmem:s14+$0x2830] =	vst v0  }
0x4c: {  	[tilespmem:s14+$0x2840] =	vst v0  }
0x4d: {  	[tilespmem:s14+$0x2850] =	vst v0  }
0x4e: {  	[tilespmem:s14+$0x2860] =	vst v0  }
0x4f: {  	[spmem:s5] =	stream.linear.scatter [tilespmem:s29], [sflag:$0x6], $0x4000, $0x38;
	[tilespmem:$0x1E800] =	vst v63  }
0x50: {  	_ =	swait.ge [sflag:s30], $0x4000  }
0x51: {  	[sflag:s30] =	ssyncset.done $0x0  }
0x52: {  	s16 =	rddreg [dreg:$0xd];
	[sflag:s30] =	ssyncadd.s32 $0xFFFFC000  }
0x53: {  	[spmem:s16] =	stream.linear.scatter [tilespmem:s29], [sflag:$0x6], $0x4000, $0x38;
	[tilespmem:$0x1E800] =	vst v63  }
0x54: {  	_ =	swait.ge [sflag:s30], $0x4000  }
0x55: {  	[sflag:s30] =	ssyncset.done $0x0  }
0x56: {  	[sflag:s30] =	ssyncadd.s32 $0xFFFFC000  }
0x57: {  	[spmem:s21] =	stream.linear.scatter [tilespmem:s29], [sflag:$0x6], $0x4000, $0x38;
	[tilespmem:$0x1E800] =	vst v63  }
0x58: {  	_ =	swait.ge [sflag:s30], $0x4000  }
0x59: {  	[sflag:s30] =	ssyncset.done $0x0  }
0x5a: {  	[sflag:s30] =	ssyncadd.s32 $0xFFFFC000  }
0x5b: {  	[spmem:s26] =	stream.linear.scatter [tilespmem:s29], [sflag:$0x6], $0x4000, $0x38;
	[tilespmem:$0x1E800] =	vst v63  }
0x5c: {  	_ =	swait.ge [sflag:s30], $0x4000  }
0x5d: {  	[sflag:s30] =	ssyncset.done $0x0  }
0x5e: {  	[sflag:s30] =	ssyncadd.s32 $0xFFFFC000  }
0x5f: {  	[spmem:s28] =	stream.linear.scatter [tilespmem:s29], [sflag:$0x6], $0x4000, $0x38;
	[tilespmem:$0x1E800] =	vst v63  }
.Ltmp3:
0x60: {  	_ =	swait.ge [sflag:s30], $0x4000;
	(pc) =	sbr.rel @!p0 .LBB2_4-.Ltmp3, $3  }
0x61: {  	[sflag:s30] =	ssyncset.done $0x0  }
0x62: {  	[sflag:s30] =	ssyncadd.s32 $0xFFFFC000  }
0x63: {  	[bflag:$0x0] =	sbarrier.arrive $0xFFFF;
	_ =	sdelay $0x1  }
0x64: {  	s14 =	rddreg [dreg:$0x9]  }
0x65: {  	[tilespmem:s2], [sflag:$0x1] =	stream.linear.gather [hbm4b:s14+s2], $0x1400, $0x38;
	[tilespmem:$0x1E800] =	vst v63  }
0x66: {  	_ =	swait.ge [sflag:s31], $0x1400  }
0x67: {  	[sflag:s31] =	ssyncset.done $0x0  }
0x68: {  	s16 =	rddreg [dreg:$0xa];
	[sflag:s31] =	ssyncadd.s32 $0xFFFFEC00  }
0x69: {  	[tilespmem:s0], [sflag:$0x1] =	stream.linear.gather [hbm4b:s16+s2], $0x1400, $0x38;
	[tilespmem:$0x1E800] =	vst v63  }
0x6a: {  	_ =	swait.ge [sflag:s31], $0x1400  }
0x6b: {  	[sflag:s31] =	ssyncset.done $0x0  }
0x6c: {  	[sflag:s31] =	ssyncadd.s32 $0xFFFFEC00  }
0x6d: {  	[tilespmem:s29], [sflag:$0x2] =	stream.indirect.gather [hbm4b:s4+s6], $0x80, s2, s6, $0xb8;
	[tilespmem:$0x1E800] =	vst v63  }
0x6e: {  	_ =	swait.ge [sflag:s7], $0x4000  }
0x6f: {  	[sflag:s7] =	ssyncset.done $0x0  }
0x70: {  	[sflag:s7] =	ssyncadd.s32 $0xFFFFC000  }
0x71: {  	[spmem:s1] =	stream.indirect.scatter.add.f32 [tilespmem:s29], [sflag:$0x4], $0x80, s0, s6, $0xb8;
	[tilespmem:$0x1E800] =	vst v63  }
0x72: {  	_ = 	snop  }
0x73: {  	[tilespmem:s8], [sflag:$0x3] =	stream.indirect.gather [hbm4b:s4+s6], $0x80, s6, s6, $0xb8;
	[tilespmem:$0x1E800] =	vst v63  }
0x74: {  	_ =	swait.ge [sflag:s9], $0x4000  }
0x75: {  	[sflag:s9] =	ssyncset.done $0x0  }
0x76: {  	[sflag:s9] =	ssyncadd.s32 $0xFFFFC000  }
0x77: {  	[spmem:s1] =	stream.indirect.scatter.add.f32 [tilespmem:s8], [sflag:$0x5], $0x80, s10, s6, $0xb8;
	[tilespmem:$0x1E800] =	vst v63  }
0x78: {  	_ =	swait.ge [sflag:s11], $0x4000  }
0x79: {  	[sflag:s11] =	ssyncset.done $0x0  }
0x7a: {  	s14 =	simm.s32 $0xFFFFB800;
	[sflag:s11] =	ssyncadd.s32 $0xFFFFC000  }
0x7b: {  	[tilespmem:s29], [sflag:$0x2] =	stream.indirect.gather [hbm4b:s4+s6], $0x80, s12, s6, $0xb8;
	[tilespmem:$0x1E800] =	vst v63  }
.LBB2_14:
0x7c: {  	_ =	swait.ge [sflag:s7], $0x4000  }
0x7d: {  	s15 =	sshra.s32 s14, $0x2;
	[sflag:s7] =	ssyncset.done $0x0  }
0x7e: {  	s16 =	sadd.s32 $0x2700, s15;
	[sflag:s7] =	ssyncadd.s32 $0xFFFFC000  }
0x7f: {  	[spmem:s1] =	stream.indirect.scatter.add.f32 [tilespmem:s29], [sflag:$0x4], $0x80, s16, s6, $0xb8;
	[tilespmem:$0x1E800] =	vst v63  }
0x80: {  	_ =	swait.ge [sflag:s13], $0x4000  }
0x81: {  	[sflag:s13] =	ssyncset.done $0x0  }
0x82: {  	s16 =	sadd.s32 $0x1380, s15;
	[sflag:s13] =	ssyncadd.s32 $0xFFFFC000  }
0x83: {  	[tilespmem:s8], [sflag:$0x3] =	stream.indirect.gather [hbm4b:s4+s6], $0x80, s16, s6, $0xb8;
	[tilespmem:$0x1E800] =	vst v63  }
0x84: {  	_ =	swait.ge [sflag:s9], $0x4000  }
0x85: {  	p1 =	seq.s32 s14, $0x0;
	[sflag:s9] =	ssyncset.done $0x0  }
.Ltmp4:
0x86: {  	s16 =	sadd.s32 $0x2780, s15;
	[sflag:s9] =	ssyncadd.s32 $0xFFFFC000;
	(pc) =	sbr.rel @p1 .LBB2_16-.Ltmp4, $4  }
0x87: {  	[spmem:s1] =	stream.indirect.scatter.add.f32 [tilespmem:s8], [sflag:$0x5], $0x80, s16, s6, $0xb8;
	[tilespmem:$0x1E800] =	vst v63  }
0x88: {  	_ =	swait.ge [sflag:s11], $0x4000  }
0x89: {  	[sflag:s11] =	ssyncset.done $0x0  }
0x8a: {  	[sflag:s11] =	ssyncadd.s32 $0xFFFFC000  }
.Ltmp5:
0x8b: {  	(pc) =	sbr.rel .LBB2_14-.Ltmp5, $3  }
0x8c: {  	_ =	sdelay $0x1  }
0x8d: {  	s15 =	sadd.s32 $0x1400, s15;
	s14 =	sadd.s32 $0x400, s14  }
0x8e: {  	[tilespmem:s29], [sflag:$0x2] =	stream.indirect.gather [hbm4b:s4+s6], $0x80, s15, s6, $0xb8;
	[tilespmem:$0x1E800] =	vst v63  }
.LBB2_4:
0x8f: {  	s14 =	rddreg [dreg:$0x3]  }
0x90: {  	[tilespmem:s2], [sflag:$0x1] =	stream.linear.gather [hbm4b:s14+s2], $0x1400, $0x38;
	[tilespmem:$0x1E800] =	vst v63  }
0x91: {  	_ =	swait.ge [sflag:s31], $0x1400  }
0x92: {  	[sflag:s31] =	ssyncset.done $0x0  }
0x93: {  	s16 =	rddreg [dreg:$0x4];
	[sflag:s31] =	ssyncadd.s32 $0xFFFFEC00  }
0x94: {  	[tilespmem:s0], [sflag:$0x1] =	stream.linear.gather [hbm4b:s16+s2], $0x1400, $0x38;
	[tilespmem:$0x1E800] =	vst v63  }
0x95: {  	_ =	swait.ge [sflag:s31], $0x1400  }
0x96: {  	[sflag:s31] =	ssyncset.done $0x0  }
0x97: {  	[sflag:s31] =	ssyncadd.s32 $0xFFFFEC00  }
0x98: {  	[tilespmem:s29], [sflag:$0x2] =	stream.indirect.gather [hbm4b:s4+s6], $0x80, s2, s6, $0xb8;
	[tilespmem:$0x1E800] =	vst v63  }
0x99: {  	_ =	swait.ge [sflag:s7], $0x4000  }
0x9a: {  	[sflag:s7] =	ssyncset.done $0x0  }
0x9b: {  	[sflag:s7] =	ssyncadd.s32 $0xFFFFC000  }
0x9c: {  	[spmem:s1] =	stream.indirect.scatter.add.f32 [tilespmem:s29], [sflag:$0x4], $0x80, s0, s6, $0xb8;
	[tilespmem:$0x1E800] =	vst v63  }
0x9d: {  	_ = 	snop  }
0x9e: {  	[tilespmem:s8], [sflag:$0x3] =	stream.indirect.gather [hbm4b:s4+s6], $0x80, s6, s6, $0xb8;
	[tilespmem:$0x1E800] =	vst v63  }
0x9f: {  	_ =	swait.ge [sflag:s9], $0x4000  }
0xa0: {  	[sflag:s9] =	ssyncset.done $0x0  }
0xa1: {  	[sflag:s9] =	ssyncadd.s32 $0xFFFFC000  }
0xa2: {  	[spmem:s1] =	stream.indirect.scatter.add.f32 [tilespmem:s8], [sflag:$0x5], $0x80, s10, s6, $0xb8;
	[tilespmem:$0x1E800] =	vst v63  }
0xa3: {  	_ =	swait.ge [sflag:s11], $0x4000  }
0xa4: {  	[sflag:s11] =	ssyncset.done $0x0  }
0xa5: {  	s14 =	simm.s32 $0xFFFFB800;
	[sflag:s11] =	ssyncadd.s32 $0xFFFFC000  }
0xa6: {  	[tilespmem:s29], [sflag:$0x2] =	stream.indirect.gather [hbm4b:s4+s6], $0x80, s12, s6, $0xb8;
	[tilespmem:$0x1E800] =	vst v63  }
.LBB2_5:
0xa7: {  	_ =	swait.ge [sflag:s7], $0x4000  }
0xa8: {  	s15 =	sshra.s32 s14, $0x2;
	[sflag:s7] =	ssyncset.done $0x0  }
0xa9: {  	s16 =	sadd.s32 $0x2700, s15;
	[sflag:s7] =	ssyncadd.s32 $0xFFFFC000  }
0xaa: {  	[spmem:s1] =	stream.indirect.scatter.add.f32 [tilespmem:s29], [sflag:$0x4], $0x80, s16, s6, $0xb8;
	[tilespmem:$0x1E800] =	vst v63  }
0xab: {  	_ =	swait.ge [sflag:s13], $0x4000  }
0xac: {  	[sflag:s13] =	ssyncset.done $0x0  }
0xad: {  	s16 =	sadd.s32 $0x1380, s15;
	[sflag:s13] =	ssyncadd.s32 $0xFFFFC000  }
0xae: {  	[tilespmem:s8], [sflag:$0x3] =	stream.indirect.gather [hbm4b:s4+s6], $0x80, s16, s6, $0xb8;
	[tilespmem:$0x1E800] =	vst v63  }
0xaf: {  	_ =	swait.ge [sflag:s9], $0x4000  }
0xb0: {  	p1 =	seq.s32 s14, $0x0;
	[sflag:s9] =	ssyncset.done $0x0  }
.Ltmp6:
0xb1: {  	s16 =	sadd.s32 $0x2780, s15;
	[sflag:s9] =	ssyncadd.s32 $0xFFFFC000;
	(pc) =	sbr.rel @p1 .LBB2_7-.Ltmp6, $4  }
0xb2: {  	[spmem:s1] =	stream.indirect.scatter.add.f32 [tilespmem:s8], [sflag:$0x5], $0x80, s16, s6, $0xb8;
	[tilespmem:$0x1E800] =	vst v63  }
0xb3: {  	_ =	swait.ge [sflag:s11], $0x4000  }
0xb4: {  	[sflag:s11] =	ssyncset.done $0x0  }
0xb5: {  	[sflag:s11] =	ssyncadd.s32 $0xFFFFC000  }
.Ltmp7:
0xb6: {  	(pc) =	sbr.rel .LBB2_5-.Ltmp7, $3  }
0xb7: {  	_ =	sdelay $0x1  }
0xb8: {  	s15 =	sadd.s32 $0x1400, s15;
	s14 =	sadd.s32 $0x400, s14  }
0xb9: {  	[tilespmem:s29], [sflag:$0x2] =	stream.indirect.gather [hbm4b:s4+s6], $0x80, s15, s6, $0xb8;
	[tilespmem:$0x1E800] =	vst v63  }
.LBB2_7:
0xba: {  	_ =	swait.ge [sflag:s13], $0x4000  }
0xbb: {  	[sflag:s13] =	ssyncset.done $0x0  }
0xbc: {  	s14 =	rddreg [dreg:$0x5];
	[sflag:s13] =	ssyncadd.s32 $0xFFFFC000  }
0xbd: {  	[tilespmem:s2], [sflag:$0x1] =	stream.linear.gather [hbm4b:s14+s2], $0x1400, $0x38;
	[tilespmem:$0x1E800] =	vst v63  }
0xbe: {  	_ =	swait.ge [sflag:s31], $0x1400  }
0xbf: {  	[sflag:s31] =	ssyncset.done $0x0  }
0xc0: {  	s16 =	rddreg [dreg:$0x6];
	[sflag:s31] =	ssyncadd.s32 $0xFFFFEC00  }
0xc1: {  	[tilespmem:s0], [sflag:$0x1] =	stream.linear.gather [hbm4b:s16+s2], $0x1400, $0x38;
	[tilespmem:$0x1E800] =	vst v63  }
0xc2: {  	_ =	swait.ge [sflag:s31], $0x1400  }
0xc3: {  	[sflag:s31] =	ssyncset.done $0x0  }
0xc4: {  	[sflag:s31] =	ssyncadd.s32 $0xFFFFEC00  }
0xc5: {  	[tilespmem:s29], [sflag:$0x2] =	stream.indirect.gather [hbm4b:s4+s6], $0x80, s2, s6, $0xb8;
	[tilespmem:$0x1E800] =	vst v63  }
0xc6: {  	_ =	swait.ge [sflag:s7], $0x4000  }
0xc7: {  	[sflag:s7] =	ssyncset.done $0x0  }
0xc8: {  	[sflag:s7] =	ssyncadd.s32 $0xFFFFC000  }
0xc9: {  	[spmem:s1] =	stream.indirect.scatter.add.f32 [tilespmem:s29], [sflag:$0x4], $0x80, s0, s6, $0xb8;
	[tilespmem:$0x1E800] =	vst v63  }
0xca: {  	_ = 	snop  }
0xcb: {  	[tilespmem:s8], [sflag:$0x3] =	stream.indirect.gather [hbm4b:s4+s6], $0x80, s6, s6, $0xb8;
	[tilespmem:$0x1E800] =	vst v63  }
0xcc: {  	_ =	swait.ge [sflag:s9], $0x4000  }
0xcd: {  	[sflag:s9] =	ssyncset.done $0x0  }
0xce: {  	[sflag:s9] =	ssyncadd.s32 $0xFFFFC000  }
0xcf: {  	[spmem:s1] =	stream.indirect.scatter.add.f32 [tilespmem:s8], [sflag:$0x5], $0x80, s10, s6, $0xb8;
	[tilespmem:$0x1E800] =	vst v63  }
0xd0: {  	_ =	swait.ge [sflag:s11], $0x4000  }
0xd1: {  	[sflag:s11] =	ssyncset.done $0x0  }
0xd2: {  	s14 =	simm.s32 $0xFFFFB800;
	[sflag:s11] =	ssyncadd.s32 $0xFFFFC000  }
0xd3: {  	[tilespmem:s29], [sflag:$0x2] =	stream.indirect.gather [hbm4b:s4+s6], $0x80, s12, s6, $0xb8;
	[tilespmem:$0x1E800] =	vst v63  }
.LBB2_8:
0xd4: {  	_ =	swait.ge [sflag:s7], $0x4000  }
0xd5: {  	s15 =	sshra.s32 s14, $0x2;
	[sflag:s7] =	ssyncset.done $0x0  }
0xd6: {  	s16 =	sadd.s32 $0x2700, s15;
	[sflag:s7] =	ssyncadd.s32 $0xFFFFC000  }
0xd7: {  	[spmem:s1] =	stream.indirect.scatter.add.f32 [tilespmem:s29], [sflag:$0x4], $0x80, s16, s6, $0xb8;
	[tilespmem:$0x1E800] =	vst v63  }
0xd8: {  	_ =	swait.ge [sflag:s13], $0x4000  }
0xd9: {  	[sflag:s13] =	ssyncset.done $0x0  }
0xda: {  	s16 =	sadd.s32 $0x1380, s15;
	[sflag:s13] =	ssyncadd.s32 $0xFFFFC000  }
0xdb: {  	[tilespmem:s8], [sflag:$0x3] =	stream.indirect.gather [hbm4b:s4+s6], $0x80, s16, s6, $0xb8;
	[tilespmem:$0x1E800] =	vst v63  }
0xdc: {  	_ =	swait.ge [sflag:s9], $0x4000  }
0xdd: {  	p1 =	seq.s32 s14, $0x0;
	[sflag:s9] =	ssyncset.done $0x0  }
.Ltmp8:
0xde: {  	s16 =	sadd.s32 $0x2780, s15;
	[sflag:s9] =	ssyncadd.s32 $0xFFFFC000;
	(pc) =	sbr.rel @p1 .LBB2_10-.Ltmp8, $4  }
0xdf: {  	[spmem:s1] =	stream.indirect.scatter.add.f32 [tilespmem:s8], [sflag:$0x5], $0x80, s16, s6, $0xb8;
	[tilespmem:$0x1E800] =	vst v63  }
0xe0: {  	_ =	swait.ge [sflag:s11], $0x4000  }
0xe1: {  	[sflag:s11] =	ssyncset.done $0x0  }
0xe2: {  	[sflag:s11] =	ssyncadd.s32 $0xFFFFC000  }
.Ltmp9:
0xe3: {  	(pc) =	sbr.rel .LBB2_8-.Ltmp9, $3  }
0xe4: {  	_ =	sdelay $0x1  }
0xe5: {  	s15 =	sadd.s32 $0x1400, s15;
	s14 =	sadd.s32 $0x400, s14  }
0xe6: {  	[tilespmem:s29], [sflag:$0x2] =	stream.indirect.gather [hbm4b:s4+s6], $0x80, s15, s6, $0xb8;
	[tilespmem:$0x1E800] =	vst v63  }
.LBB2_10:
0xe7: {  	_ =	swait.ge [sflag:s13], $0x4000  }
0xe8: {  	[sflag:s13] =	ssyncset.done $0x0  }
0xe9: {  	s14 =	rddreg [dreg:$0x7];
	[sflag:s13] =	ssyncadd.s32 $0xFFFFC000  }
0xea: {  	[tilespmem:s2], [sflag:$0x1] =	stream.linear.gather [hbm4b:s14+s2], $0x1400, $0x38;
	[tilespmem:$0x1E800] =	vst v63  }
0xeb: {  	_ =	swait.ge [sflag:s31], $0x1400  }
0xec: {  	[sflag:s31] =	ssyncset.done $0x0  }
0xed: {  	s16 =	rddreg [dreg:$0x8];
	[sflag:s31] =	ssyncadd.s32 $0xFFFFEC00  }
0xee: {  	[tilespmem:s0], [sflag:$0x1] =	stream.linear.gather [hbm4b:s16+s2], $0x1400, $0x38;
	[tilespmem:$0x1E800] =	vst v63  }
0xef: {  	_ =	swait.ge [sflag:s31], $0x1400  }
0xf0: {  	[sflag:s31] =	ssyncset.done $0x0  }
0xf1: {  	[sflag:s31] =	ssyncadd.s32 $0xFFFFEC00  }
0xf2: {  	[tilespmem:s29], [sflag:$0x2] =	stream.indirect.gather [hbm4b:s4+s6], $0x80, s2, s6, $0xb8;
	[tilespmem:$0x1E800] =	vst v63  }
0xf3: {  	_ =	swait.ge [sflag:s7], $0x4000  }
0xf4: {  	[sflag:s7] =	ssyncset.done $0x0  }
0xf5: {  	[sflag:s7] =	ssyncadd.s32 $0xFFFFC000  }
0xf6: {  	[spmem:s1] =	stream.indirect.scatter.add.f32 [tilespmem:s29], [sflag:$0x4], $0x80, s0, s6, $0xb8;
	[tilespmem:$0x1E800] =	vst v63  }
0xf7: {  	_ = 	snop  }
0xf8: {  	[tilespmem:s8], [sflag:$0x3] =	stream.indirect.gather [hbm4b:s4+s6], $0x80, s6, s6, $0xb8;
	[tilespmem:$0x1E800] =	vst v63  }
0xf9: {  	_ =	swait.ge [sflag:s9], $0x4000  }
0xfa: {  	[sflag:s9] =	ssyncset.done $0x0  }
0xfb: {  	[sflag:s9] =	ssyncadd.s32 $0xFFFFC000  }
0xfc: {  	[spmem:s1] =	stream.indirect.scatter.add.f32 [tilespmem:s8], [sflag:$0x5], $0x80, s10, s6, $0xb8;
	[tilespmem:$0x1E800] =	vst v63  }
0xfd: {  	_ =	swait.ge [sflag:s11], $0x4000  }
0xfe: {  	[sflag:s11] =	ssyncset.done $0x0  }
0xff: {  	s14 =	simm.s32 $0xFFFFB800;
	[sflag:s11] =	ssyncadd.s32 $0xFFFFC000  }
0x100: {  	[tilespmem:s29], [sflag:$0x2] =	stream.indirect.gather [hbm4b:s4+s6], $0x80, s12, s6, $0xb8;
	[tilespmem:$0x1E800] =	vst v63  }
.LBB2_11:
0x101: {  	_ =	swait.ge [sflag:s7], $0x4000  }
0x102: {  	s15 =	sshra.s32 s14, $0x2;
	[sflag:s7] =	ssyncset.done $0x0  }
0x103: {  	s16 =	sadd.s32 $0x2700, s15;
	[sflag:s7] =	ssyncadd.s32 $0xFFFFC000  }
0x104: {  	[spmem:s1] =	stream.indirect.scatter.add.f32 [tilespmem:s29], [sflag:$0x4], $0x80, s16, s6, $0xb8;
	[tilespmem:$0x1E800] =	vst v63  }
0x105: {  	_ =	swait.ge [sflag:s13], $0x4000  }
0x106: {  	[sflag:s13] =	ssyncset.done $0x0  }
0x107: {  	s16 =	sadd.s32 $0x1380, s15;
	[sflag:s13] =	ssyncadd.s32 $0xFFFFC000  }
0x108: {  	[tilespmem:s8], [sflag:$0x3] =	stream.indirect.gather [hbm4b:s4+s6], $0x80, s16, s6, $0xb8;
	[tilespmem:$0x1E800] =	vst v63  }
0x109: {  	_ =	swait.ge [sflag:s9], $0x4000  }
0x10a: {  	p1 =	seq.s32 s14, $0x0;
	[sflag:s9] =	ssyncset.done $0x0  }
.Ltmp10:
0x10b: {  	s16 =	sadd.s32 $0x2780, s15;
	[sflag:s9] =	ssyncadd.s32 $0xFFFFC000;
	(pc) =	sbr.rel @p1 .LBB2_16-.Ltmp10, $4  }
0x10c: {  	[spmem:s1] =	stream.indirect.scatter.add.f32 [tilespmem:s8], [sflag:$0x5], $0x80, s16, s6, $0xb8;
	[tilespmem:$0x1E800] =	vst v63  }
0x10d: {  	_ =	swait.ge [sflag:s11], $0x4000  }
0x10e: {  	[sflag:s11] =	ssyncset.done $0x0  }
0x10f: {  	[sflag:s11] =	ssyncadd.s32 $0xFFFFC000  }
.Ltmp11:
0x110: {  	(pc) =	sbr.rel .LBB2_11-.Ltmp11, $3  }
0x111: {  	_ =	sdelay $0x1  }
0x112: {  	s15 =	sadd.s32 $0x1400, s15;
	s14 =	sadd.s32 $0x400, s14  }
0x113: {  	[tilespmem:s29], [sflag:$0x2] =	stream.indirect.gather [hbm4b:s4+s6], $0x80, s15, s6, $0xb8;
	[tilespmem:$0x1E800] =	vst v63  }
.LBB2_17:
0x114: {  	_ =	sfence.sel $0x180000  }
0x115: {  	[bflag:$0x0] =	sbarrier.arrive $0xFFFF  }
0x116: {  	_ =	strace $0x9000004A  }
0x117: {  	s0 =	stileid.u32;
	[bflag:$0x2] =	sbarrier.arrive $0xFFFF  }
0x118: {  	p0 =	sne.s32 s0, $0x0;
	s0 =	rddreg [dreg:$0x2]  }
0x119: {  	s0 =	sadd.s32 @!p0 $0x100000, s0  }
0x11a: {  	[sflag:s0] =	ssyncadd.tile.s32 @!p0 $0x1;
	_ =	shalt  }
.Lfunc_end2:
_tile_overlayer_lowered:
.L_overlay_start_2:
0x11b: {  	(tag) =	ssettag $0x2  }
0x11c: {  	s0 =	rddreg [dreg:$0x0];
	s2 =	stileid.u32  }
0x11d: {  	s1 =	rddreg [dreg:$0x1];
	p0 =	sne.s32 s2, $0x0  }
0x11e: {  	s3 =	rddreg [dreg:$0x2];
	[bflag:$0x3] =	sbarrier.arrive $0xFFFF;
	s2 =	simm.s32 @!p0 $0x1C06  }
0x11f: {  	[timem:s3], [sflag:s2] =	dma.local @!p0 [hbm:s0], s1  }
0x120: {  	s0 =	simm.s32 @!p0 $0x6  }
0x121: {  	_ =	swait.ge @!p0 [sflag:s0], s1  }
0x122: {  	s1 =	ssub.s32 @!p0 $0x0, s1;
	[sflag:s0] =	ssyncset.done @!p0 $0x0  }
0x123: {  	[sflag:s0] =	ssyncadd.s32 @!p0 s1  }
0x124: {  	[bflag:$0x3] =	sbarrier.arrive $0xFFFF  }
0x125: {  	_ =	shalt  }

// kernel: kernel.15.cloned.1.call-start
scs
__scs_entry_jumppad:
0x0: {  	(pc) =	sbr.rel $0x88, $3  }
0x1: {  	(tag) =	ssettag $0x0;
	lr =	simm.s32 $0x1  }
0x2: {  	[smem:$0x3F9B] =	sst lr;
	_ =	strace $0xD0000000  }
0x3: {  	_ = 	snop  }
0x4: {  	_ = 	snop  }
0x5: {  	_ = 	snop  }
0x6: {  	_ = 	snop  }
0x7: {  	_ = 	snop  }
__scs_overlays_trampoline_lowered:
0x8: {  	[smem:$0x3FAA] =	sst s0  }
0x9: {  	[smem:$0x3FAB] =	sst s1  }
0xa: {  	[smem:$0x3FAC] =	sst s2  }
0xb: {  	[smem:$0x3FAD] =	sst s3  }
0xc: {  	[smem:$0x3FAE] =	sst s4  }
0xd: {  	[smem:$0x3FAF] =	sst s5  }
0xe: {  	[smem:$0x3FB0] =	sst s6  }
0xf: {  	[smem:$0x3FB1] =	sst s7  }
0x10: {  	[smem:$0x3FB2] =	sst s8  }
0x11: {  	[smem:$0x3FB3] =	sst s9;
	s0 =	simm.s32 @!p0 $0x0  }
0x12: {  	s1 =	sld [smem:$0x3F99];
	s0 =	simm.s32 @p0 $0x1  }
0x13: {  	[smem:$0x3FB4] =	sst s0;
	s0 =	simm.s32 @!p1 $0x0  }
0x14: {  	s2 =	sld [smem:$0x3F98];
	s0 =	simm.s32 @p1 $0x1  }
0x15: {  	[smem:$0x3FB5] =	sst s0;
	s0 =	simm.s32 @!p2 $0x0  }
0x16: {  	s3 =	sld [smem:$0x3FDB];
	s0 =	simm.s32 @p2 $0x1  }
0x17: {  	s4 =	simm.s32 $0x1BF5;
	[smem:$0x3FB7] =	sst s0  }
0x18: {  	s0 =	sld [smem:$0x3F9A];
	_ =	swait.ge [sflag:s4], $0x0  }
0x19: {  	s7 =	sld [smem:$0x3F9B]  }
0x1a: {  	s8 =	sadd.s32 $0xFFFFE003, lr  }
0x1b: {  	s9 =	sadd.s32 $0xFFFFFEF7, lr;
	s5 =	simm.s32 $0xFFFFFFFF;
	p2 =	slt.u32 s8, $0xFFFFF086  }
0x1c: {  	p1 =	slt.u32 s9, $0xF7A;
	s5 =	simm.s32 @!p2 $0x0  }
0x1d: {  	s5 =	simm.s32 @p1 $0x1;
	p0 =	seq.s32 s7, s2  }
0x1e: {  	s7 =	smul.u32 @!p0 $0xF7A, s2;
	p2 =	seq.s32 @!p0 s5, $0x0  }
0x1f: {  	s9 =	smul.u32 $0xF7A, s1;
	s8 =	simm.s32 @!p0 $0x1BF5;
	p2 =	por !p2, p0  }
0x20: {  	[sflag:s8] =	ssyncset.s32 @!p0 $0xFFFFF086;
	s6 =	sadd.s32 @!p0 s3, s7;
	s7 =	simm.s32 @!p0 $0x108  }
0x21: {  	s3 =	sadd.s32 s3, s9;
	s6 =	sadd.s32 @!p0 $0x88, s6;
	s7 =	simm.s32 @p2 $0x1082  }
0x22: {  	[simem:s7], [sflag:s8] =	dma.local @!p0 [hbm:s6], $0xF7A  }
0x23: {  	s9 =	sor.u32 $0xD0000000, s2;
	s6 =	simm.s32 $0x108;
	_ =	swait.ge @!p0 [sflag:s8], $0x0  }
0x24: {  	s3 =	sadd.s32 $0x88, s3;
	s6 =	simm.s32 @!p1 $0x1082;
	[sflag:s4] =	ssyncset.s32 $0xFFFFF086  }
0x25: {  	[simem:s6], [sflag:s4] =	dma.local [hbm:s3], $0xF7A  }
0x26: {  	[smem:$0x3F9B] =	sst s1;
	(tag) =	ssettag s2;
	_ =	strace s9  }
0x27: {  	s1 =	sld [smem:$0x3FAB]  }
0x28: {  	s2 =	sld [smem:$0x3FAC]  }
0x29: {  	s4 =	sld [smem:$0x3FAE]  }
0x2a: {  	p0 =	seq.s32 s5, $0x0;
	s5 =	sld [smem:$0x3FAF]  }
0x2b: {  	s6 =	sld [smem:$0x3FB0]  }
0x2c: {  	s7 =	sld [smem:$0x3FB1]  }
0x2d: {  	s3 =	simm.s32 $0x108;
	s8 =	sld [smem:$0x3FB2]  }
0x2e: {  	s3 =	simm.s32 @!p0 $0x1082;
	s9 =	sld [smem:$0x3FB3]  }
0x2f: {  	lr =	sadd.s32 s0, s3;
	s0 =	sld [smem:$0x3FAA]  }
0x30: {  	s3 =	sld [smem:$0x3FAD]  }
0x31: {  	[smem:$0x3FB6] =	sst s10  }
0x32: {  	s10 =	sld [smem:$0x3FB4];
	_ =	sdelay $0x3  }
0x33: {  	p0 =	seq.s32 s10, $0x1;
	s10 =	sld [smem:$0x3FB6];
	_ =	sdelay $0x3  }
0x34: {  	[smem:$0x3FB6] =	sst s10  }
0x35: {  	s10 =	sld [smem:$0x3FB5];
	_ =	sdelay $0x3  }
0x36: {  	p1 =	seq.s32 s10, $0x1;
	s10 =	sld [smem:$0x3FB6];
	_ =	sdelay $0x3  }
0x37: {  	[smem:$0x3FB6] =	sst s10  }
0x38: {  	s10 =	sld [smem:$0x3FB7]  }
0x39: {  	_ = 	snop;
	(pc) =	sbr.ind lr, $3  }
0x3a: {  	_ = 	snop  }
0x3b: {  	_ = 	snop  }
0x3c: {  	p2 =	seq.s32 s10, $0x1;
	s10 =	sld [smem:$0x3FB6]  }
0x3d: {  	_ =	shalt  }
0x3e: {  	_ =	shalt  }
0x3f: {  	_ =	shalt  }
0x40: {  	_ =	shalt  }
0x41: {  	_ =	shalt  }
0x42: {  	_ =	shalt  }
0x43: {  	_ =	shalt  }
0x44: {  	_ =	shalt  }
0x45: {  	_ =	shalt  }
0x46: {  	_ =	shalt  }
0x47: {  	_ =	shalt  }
0x48: {  	_ =	shalt  }
0x49: {  	_ =	shalt  }
0x4a: {  	_ =	shalt  }
0x4b: {  	_ =	shalt  }
0x4c: {  	_ =	shalt  }
0x4d: {  	_ =	shalt  }
0x4e: {  	_ =	shalt  }
0x4f: {  	_ =	shalt  }
0x50: {  	_ =	shalt  }
0x51: {  	_ =	shalt  }
0x52: {  	_ =	shalt  }
0x53: {  	_ =	shalt  }
0x54: {  	_ =	shalt  }
0x55: {  	_ =	shalt  }
0x56: {  	_ =	shalt  }
0x57: {  	_ =	shalt  }
0x58: {  	_ =	shalt  }
0x59: {  	_ =	shalt  }
0x5a: {  	_ =	shalt  }
0x5b: {  	_ =	shalt  }
0x5c: {  	_ =	shalt  }
0x5d: {  	_ =	shalt  }
0x5e: {  	_ =	shalt  }
0x5f: {  	_ =	shalt  }
0x60: {  	_ =	shalt  }
0x61: {  	_ =	shalt  }
0x62: {  	_ =	shalt  }
0x63: {  	_ =	shalt  }
0x64: {  	_ =	shalt  }
0x65: {  	_ =	shalt  }
0x66: {  	_ =	shalt  }
0x67: {  	_ =	shalt  }
0x68: {  	_ =	shalt  }
0x69: {  	_ =	shalt  }
0x6a: {  	_ =	shalt  }
0x6b: {  	_ =	shalt  }
0x6c: {  	_ =	shalt  }
0x6d: {  	_ =	shalt  }
0x6e: {  	_ =	shalt  }
0x6f: {  	_ =	shalt  }
0x70: {  	_ =	shalt  }
0x71: {  	_ =	shalt  }
0x72: {  	_ =	shalt  }
0x73: {  	_ =	shalt  }
0x74: {  	_ =	shalt  }
0x75: {  	_ =	shalt  }
0x76: {  	_ =	shalt  }
0x77: {  	_ =	shalt  }
0x78: {  	_ =	shalt  }
0x79: {  	_ =	shalt  }
0x7a: {  	_ =	shalt  }
0x7b: {  	_ =	shalt  }
0x7c: {  	_ =	shalt  }
0x7d: {  	_ =	shalt  }
0x7e: {  	_ =	shalt  }
0x7f: {  	_ =	shalt  }
0x80: {  	_ =	shalt  }
0x81: {  	_ =	shalt  }
0x82: {  	_ =	shalt  }
0x83: {  	_ =	shalt  }
0x84: {  	_ =	shalt  }
0x85: {  	_ =	shalt  }
0x86: {  	_ =	shalt  }
0x87: {  	_ =	shalt  }
.Lfunc_end0:
.L_simem_size_0:
called_computation.2_lowered:
.L_overlay_start_0:
0x88: {  	s2 =	sld [smem:$0x3FD9]  }
0x89: {  	s3 =	sld [smem:$0x3FFE];
	_ =	sdelay $0x1  }
0x8a: {  	s1 =	srdreg.scid  }
0x8b: {  	s0 =	sand.u32 $0x1, s1  }
0x8c: {  	s16 =	sshll.u32 s0, $0xA;
	s2 =	sadd.s32 s3, s2  }
0x8d: {  	s2 =	sadd.s32 s2, s16  }
0x8e: {  	[smem:$0x3FC2] =	sst s2  }
0x8f: {  	_ = 	snop  }
0x90: {  	(tm) =	ssettm $0x1  }
0x91: {  	s17 =	sld [smem:$0x3FFB];
	_ =	sdelay $0x3  }
0x92: {  	_ =	strace s17  }
0x93: {  	s2 =	sld [smem:$0x3FFC];
	_ =	sdelay $0x3  }
0x94: {  	_ =	strace s2  }
0x95: {  	s2 =	sld [smem:$0x3FFD];
	_ =	sdelay $0x3  }
0x96: {  	_ =	strace s2  }
0x97: {  	_ =	strace $0x8FFFFFFF  }
0x98: {  	s18 =	sld [smem:$0x3FDB];
	_ =	sdelay $0x1  }
0x99: {  	s19 =	simm.s32 $_scs_section_size  }
0x9a: {  	s4 =	simm.s32 $_size__tile_overlayer_lowered;
	s5 =	simm.s32 $_tile_overlayer_lowered  }
0x9b: {  	s22 =	simm.s32 $0x1BFF;
	s21 =	sshll.u32 s5, $0x1;
	s2 =	sadd.s32 s19, s18  }
0x9c: {  	s6 =	simm.s32 $0x0;
	s20 =	sshll.u32 s4, $0x1;
	s4 =	sadd.s32 s21, s2  }
0x9d: {  	[timem:s6], [sflag:s22] =	dma.local [hbm:s4], s20  }
0x9e: {  	_ =	swait.ge [sflag:s22], s20  }
0x9f: {  	s3 =	ssub.s32 $0x0, s20;
	[sflag:s22] =	ssyncset.done $0x0  }
0xa0: {  	[sflag:s22] =	ssyncadd.s32 s3;
	_ =	sdelay $0x1  }
0xa1: {  	s23 =	simm.s32 $0x1B8B  }
0xa2: {  	_ =	swait.ge [sflag:s23], $0x1  }
0xa3: {  	[sflag:s23] =	ssyncset.done $0x0  }
0xa4: {  	s25 =	simm.s32 $0x1B8E;
	s24 =	sld [smem:$0x3FFE];
	[sflag:s23] =	ssyncadd.s32 $0xFFFFFFFF  }
0xa5: {  	s26 =	simm.s32 $execute0_lowered;
	[smem:$0x3FD2] =	sst s25  }
0xa6: {  	s4 =	sshll.u32 s26, $0x1;
	_ =	strace $0x8000004C;
	[dreg:$0x1] =	wrdreg $0xFFFFFFFF  }
0xa7: {  	s28 =	simm.s32 $_size_execute0_lowered;
	s2 =	sadd.s32 s2, s4;
	[dreg:$0x0] =	wrdreg $0x0  }
0xa8: {  	s4 =	sshll.u32 s28, $0x1;
	[dreg:$0x2] =	wrdreg s2  }
0xa9: {  	[dreg:$0x3] =	wrdreg s4  }
0xaa: {  	[dreg:$0x4] =	wrdreg $0xC0  }
0xab: {  	_ =	task [dreg:s6], $0x5FFFF  }
0xac: {  	[dreg:$0x1] =	wrdreg $0xFFFFFFFF  }
0xad: {  	[dreg:$0x0] =	wrdreg $0x60  }
0xae: {  	[dreg:$0x2] =	wrdreg s24  }
0xaf: {  	[dreg:$0x3] =	wrdreg $0x30000  }
0xb0: {  	[dreg:$0x4] =	wrdreg $0x9  }
0xb1: {  	_ =	task.clear_ibuf [dreg:s6], $0x5FFFF;
	_ =	strace $0x9000004C  }
0xb2: {  	s29 =	simm.s32 $0x9;
	_ =	strace $0x8000004E  }
0xb3: {  	_ =	swait.ge [sflag:s29], $0x1  }
0xb4: {  	[sflag:s29] =	ssyncadd.s32 $0xFFFFFFFF  }
0xb5: {  	_ =	strace $0x9000004E  }
0xb6: {  	_ =	sfence  }
0xb7: {  	s30 =	sld [smem:$0x0];
	_ =	sdelay $0x2  }
0xb8: {  	s31 =	sshll.u32 s1, $0xD;
	s1 =	sshrl.u32 s1, $0x2  }
0xb9: {  	s3 =	sand.u32 $0x4000, s31;
	s1 =	sadd.s32 s1, s30  }
0xba: {  	s0 =	sor.u32 s3, s0;
	s1 =	sshll.u32 s1, $0x11  }
0xbb: {  	s0 =	sor.u32 s1, s0  }
0xbc: {  	s0 =	sadd.s32 $0x8F2B, s0  }
0xbd: {  	[sflag:s0] =	ssyncadd.remote.s32 $0x1  }
0xbe: {  	_ =	sfence.sel $0xFFFF  }
0xbf: {  	[dreg:$0x0] =	wrdreg $0xFFFFFFFF;
	(pc) =	sbr.abs _section_cstart, $3  }
0xc0: {  	[dreg:$0x1] =	wrdreg $0xFFFFFFFF  }
0xc1: {  	_ =	task.clear_ibuf [dreg:s6], $0x2FFFF;
	_ =	strace $0x9FFFFFFF  }
0xc2: {  	(tm) =	ssettm $0x7FFFFFFF  }
0xc3: {  	_ =	shalt  }
tec
execute0_lowered:
.L_overlay_start_1:
0x0: {  	(tag) =	ssettag $0x1  }
0x1: {  	s0 =	rddreg [dreg:$0x0]  }
0x2: {  	s2 =	rddreg [dreg:$0x1];
	s3 =	simm.s32 $0x0  }
0x3: {  	s13 =	stileid.u32;
	s6 =	srdreg.scid;
	s28 =	simm.s32 $0x1  }
0x4: {  	s29 =	simm.s32 $0x1400;
	s30 =	simm.s32 $0x80;
	s31 =	simm.s32 $0x2800  }
0x5: {  	[smem:$0x7FF] =	sst s3;
	s1 =	smul.u32 $0x1400, s13;
	s4 =	sadd.s32 $0x2200, s0  }
0x6: {  	s5 =	sadd.s32 $0x20200, s0;
	s7 =	sadd.s32 $0x16200, s0;
	s10 =	smul.u32 $0x2800, s13  }
0x7: {  	s6 =	sand.u32 $0x1, s6;
	s12 =	smul.u32 $0x500, s13;
	_ =	strace $0x8000004D  }
0x8: {  	s9 =	ssub.s32 $0x2, s6;
	p0 =	seq.s32 s6, $0x1;
	s6 =	smul.u32 $0x14000, s6  }
0x9: {  	s8 =	sshrl.u32 s1, $0x3;
	s11 =	sshrl.u32 s9, $0x1;
	s17 =	sadd.s32 s1, s2  }
0xa: {  	s10 =	sshrl.u32 s10, $0x3;
	s18 =	sadd.s32 s5, s12;
	s12 =	sadd.s32 s7, s12  }
0xb: {  	s14 =	sadd.s32 $0xC00, s1;
	s8 =	sadd.s32 s8, s0;
	[dreg:$0x3] =	wrdreg s17  }
0xc: {  	s0 =	sadd.s32 $0x7200, s0;
	s9 =	ssub.s32 s9, s11;
	[dreg:$0x4] =	wrdreg s18  }
0xd: {  	s19 =	sadd.s32 $0x280, s10;
	[dreg:$0x5] =	wrdreg s12;
	s21 =	sadd.s32 $0x5000, s10  }
0xe: {  	s10 =	sadd.s32 $0x5280, s10;
	s24 =	sadd.s32 s6, s1;
	s20 =	sadd.s32 s5, s19  }
0xf: {  	s11 =	sadd.s32 s7, s19;
	s22 =	sadd.s32 s5, s21;
	[dreg:$0x6] =	wrdreg s20  }
0x10: {  	s23 =	sadd.s32 s7, s21;
	s5 =	sadd.s32 s5, s10;
	[dreg:$0x7] =	wrdreg s11  }
0x11: {  	s7 =	sadd.s32 s7, s10;
	s10 =	sadd.s32 $0x800, s1;
	[dreg:$0x8] =	wrdreg s22  }
0x12: {  	s19 =	sadd.s32 $0x4A00, s8;
	s21 =	smax.u32 s9, $0x1;
	[dreg:$0x9] =	wrdreg s23  }
0x13: {  	s8 =	simm.s32 $0x4;
	s9 =	simm.s32 $0x100;
	[dreg:$0xa] =	wrdreg s5  }
0x14: {  	s11 =	sadd.s32 $0x400, s1;
	[dreg:$0xb] =	wrdreg s7;
	s5 =	sshrl.u32 s24, $0x3  }
0x15: {  	s12 =	sadd.s32 s6, s10;
	s1 =	sadd.s32 $0x1000, s1;
	s22 =	sadd.s32 s6, s14  }
0x16: {  	s24 =	sshll.u32 s13, $0x6;
	s25 =	sadd.s32 s6, s11;
	s5 =	sadd.s32 s0, s5  }
0x17: {  	s7 =	sshrl.u32 s12, $0x3;
	s6 =	sadd.s32 s6, s1;
	s23 =	sshrl.u32 s22, $0x3  }
0x18: {  	s20 =	sor.u32 $0x1C06, s24;
	s1 =	sadd.s32 s1, s2;
	s26 =	sshrl.u32 s25, $0x3  }
0x19: {  	[dreg:$0xc] =	wrdreg s5;
	s16 =	sadd.s32 s0, s7;
	s6 =	sshrl.u32 s6, $0x3  }
0x1a: {  	s17 =	sadd.s32 s0, s23;
	s25 =	sadd.s32 s11, s2;
	s5 =	sadd.s32 s10, s2  }
.Ltmp0:
0x1b: {  	s7 =	simm.s32 $0x1480;
	s10 =	simm.s32 $0x5;
	(pc) =	sbr.rel .LBB2_1-.Ltmp0, $4  }
0x1c: {  	s11 =	simm.s32 $0x0;
	s15 =	sadd.s32 s0, s26;
	s18 =	sadd.s32 s0, s6  }
0x1d: {  	s26 =	sadd.s32 s14, s2;
	s22 =	sshrl.u32 s25, $0x3;
	s23 =	sshrl.u32 s5, $0x3  }
0x1e: {  	s25 =	sshrl.u32 s1, $0x3;
	s0 =	simm.s32 $0x2;
	s1 =	simm.s32 $0x2C00  }
0x1f: {  	s6 =	simm.s32 $0x3;
	s24 =	sshrl.u32 s26, $0x3;
	s26 =	simm.s32 $0x6  }
.LBB2_14:
0x20: {  	_ =	swait.ge [sflag:s10], $0x400  }
0x21: {  	[sflag:s10] =	ssyncset.done $0x0  }
0x22: {  	[sflag:s10] =	ssyncadd.s32 $0xFFFFFC00  }
0x23: {  	[bflag:$0x0] =	sbarrier.arrive $0xFFFF  }
0x24: {  	s5 =	rddreg [dreg:$0xc]  }
0x25: {  	[hbm:s5], [sflag:s20] =	dma.local [spmem:s12], $0x80  }
0x26: {  	_ =	swait.ge [sflag:s26], $0x80  }
0x27: {  	[sflag:s26] =	ssyncset.done $0x0  }
0x28: {  	[sflag:s26] =	ssyncadd.s32 $0xFFFFFF80  }
0x29: {  	[hbm:s15], [sflag:s20] =	dma.local [spmem:s22], $0x80  }
0x2a: {  	_ =	swait.ge [sflag:s26], $0x80  }
0x2b: {  	[sflag:s26] =	ssyncset.done $0x0  }
0x2c: {  	[sflag:s26] =	ssyncadd.s32 $0xFFFFFF80  }
0x2d: {  	[hbm:s16], [sflag:s20] =	dma.local [spmem:s23], $0x80  }
0x2e: {  	_ =	swait.ge [sflag:s26], $0x80  }
0x2f: {  	[sflag:s26] =	ssyncset.done $0x0  }
0x30: {  	[sflag:s26] =	ssyncadd.s32 $0xFFFFFF80  }
0x31: {  	[hbm:s17], [sflag:s20] =	dma.local [spmem:s24], $0x80  }
0x32: {  	s11 =	sadd.s32 $0x1, s11;
	_ =	swait.ge [sflag:s26], $0x80  }
0x33: {  	p1 =	sne.s32 s11, s21;
	[sflag:s26] =	ssyncset.done $0x0  }
.Ltmp1:
0x34: {  	[sflag:s26] =	ssyncadd.s32 $0xFFFFFF80;
	(pc) =	sbr.rel @!p1 .LBB2_15-.Ltmp1, $4  }
0x35: {  	[hbm:s18], [sflag:s20] =	dma.local [spmem:s25], $0x80  }
0x36: {  	_ =	swait.ge [sflag:s26], $0x80  }
0x37: {  	[sflag:s26] =	ssyncset.done $0x0  }
0x38: {  	[sflag:s26] =	ssyncadd.s32 $0xFFFFFF80  }
.LBB2_1:
0x39: {  	s5 =	rddreg [dreg:$0x3]  }
0x3a: {  	s12 =	sshrl.u32 s5, $0x3  }
0x3b: {  	[spmem:s12], [sflag:s20] =	dma.local [hbm:s19], $0x280  }
.Ltmp2:
0x3c: {  	_ =	swait.ge [sflag:s26], $0x280;
	(pc) =	sbr.rel @!p0 .LBB2_2-.Ltmp2, $3  }
0x3d: {  	[sflag:s26] =	ssyncset.done $0x0  }
0x3e: {  	[sflag:s26] =	ssyncadd.s32 $0xFFFFFD80  }
0x3f: {  	[bflag:$0x0] =	sbarrier.arrive $0xFFFF;
	_ =	sdelay $0x1  }
0x40: {  	s5 =	rddreg [dreg:$0x8]  }
0x41: {  	[tilespmem:s3], [sflag:$0x1] =	stream.linear.gather [hbm4b:s5+s3], $0x1400, $0x38;
	[tilespmem:$0x4400] =	vst v63  }
0x42: {  	_ =	swait.ge [sflag:s28], $0x1400  }
0x43: {  	[sflag:s28] =	ssyncset.done $0x0  }
0x44: {  	s14 =	rddreg [dreg:$0x9];
	[sflag:s28] =	ssyncadd.s32 $0xFFFFEC00  }
0x45: {  	[tilespmem:s29], [sflag:$0x1] =	stream.linear.gather [hbm4b:s14+s3], $0x1400, $0x38;
	[tilespmem:$0x4400] =	vst v63  }
0x46: {  	_ =	swait.ge [sflag:s28], $0x1400  }
0x47: {  	[sflag:s28] =	ssyncset.done $0x0  }
0x48: {  	[sflag:s28] =	ssyncadd.s32 $0xFFFFEC00  }
0x49: {  	[tilespmem:s31], [sflag:$0x2] =	stream.indirect.gather [hbm4b:s4+s30], $0x8, s3, s30, $0xb8;
	[tilespmem:$0x4400] =	vst v63  }
0x4a: {  	_ =	swait.ge [sflag:s0], $0x400  }
0x4b: {  	[sflag:s0] =	ssyncset.done $0x0  }
0x4c: {  	[sflag:s0] =	ssyncadd.s32 $0xFFFFFC00  }
0x4d: {  	[spmem:s2] =	stream.indirect.scatter.add.f32 [tilespmem:s31], [sflag:$0x4], $0x8, s29, s30, $0xb8;
	[tilespmem:$0x4400] =	vst v63  }
0x4e: {  	_ = 	snop  }
0x4f: {  	[tilespmem:s1], [sflag:$0x3] =	stream.indirect.gather [hbm4b:s4+s30], $0x8, s30, s30, $0xb8;
	[tilespmem:$0x4400] =	vst v63  }
0x50: {  	_ =	swait.ge [sflag:s6], $0x400  }
0x51: {  	[sflag:s6] =	ssyncset.done $0x0  }
0x52: {  	[sflag:s6] =	ssyncadd.s32 $0xFFFFFC00  }
0x53: {  	[spmem:s2] =	stream.indirect.scatter.add.f32 [tilespmem:s1], [sflag:$0x5], $0x8, s7, s30, $0xb8;
	[tilespmem:$0x4400] =	vst v63  }
0x54: {  	_ =	swait.ge [sflag:s8], $0x400  }
0x55: {  	[sflag:s8] =	ssyncset.done $0x0  }
0x56: {  	s13 =	simm.s32 $0xFFFFB800;
	[sflag:s8] =	ssyncadd.s32 $0xFFFFFC00  }
0x57: {  	[tilespmem:s31], [sflag:$0x2] =	stream.indirect.gather [hbm4b:s4+s30], $0x8, s9, s30, $0xb8;
	[tilespmem:$0x4400] =	vst v63  }
.LBB2_9:
0x58: {  	_ =	swait.ge [sflag:s0], $0x400  }
0x59: {  	s5 =	sshra.s32 s13, $0x2;
	[sflag:s0] =	ssyncset.done $0x0  }
0x5a: {  	s14 =	sadd.s32 $0x2700, s5;
	[sflag:s0] =	ssyncadd.s32 $0xFFFFFC00  }
0x5b: {  	[spmem:s2] =	stream.indirect.scatter.add.f32 [tilespmem:s31], [sflag:$0x4], $0x8, s14, s30, $0xb8;
	[tilespmem:$0x4400] =	vst v63  }
0x5c: {  	_ =	swait.ge [sflag:s10], $0x400  }
0x5d: {  	[sflag:s10] =	ssyncset.done $0x0  }
0x5e: {  	s14 =	sadd.s32 $0x1380, s5;
	[sflag:s10] =	ssyncadd.s32 $0xFFFFFC00  }
0x5f: {  	[tilespmem:s1], [sflag:$0x3] =	stream.indirect.gather [hbm4b:s4+s30], $0x8, s14, s30, $0xb8;
	[tilespmem:$0x4400] =	vst v63  }
0x60: {  	_ =	swait.ge [sflag:s6], $0x400  }
0x61: {  	p1 =	seq.s32 s13, $0x0;
	[sflag:s6] =	ssyncset.done $0x0  }
.Ltmp3:
0x62: {  	s14 =	sadd.s32 $0x2780, s5;
	[sflag:s6] =	ssyncadd.s32 $0xFFFFFC00;
	(pc) =	sbr.rel @p1 .LBB2_11-.Ltmp3, $4  }
0x63: {  	[spmem:s2] =	stream.indirect.scatter.add.f32 [tilespmem:s1], [sflag:$0x5], $0x8, s14, s30, $0xb8;
	[tilespmem:$0x4400] =	vst v63  }
0x64: {  	_ =	swait.ge [sflag:s8], $0x400  }
0x65: {  	[sflag:s8] =	ssyncset.done $0x0  }
0x66: {  	[sflag:s8] =	ssyncadd.s32 $0xFFFFFC00  }
.Ltmp4:
0x67: {  	(pc) =	sbr.rel .LBB2_9-.Ltmp4, $3  }
0x68: {  	_ =	sdelay $0x1  }
0x69: {  	s5 =	sadd.s32 $0x1400, s5;
	s13 =	sadd.s32 $0x400, s13  }
0x6a: {  	[tilespmem:s31], [sflag:$0x2] =	stream.indirect.gather [hbm4b:s4+s30], $0x8, s5, s30, $0xb8;
	[tilespmem:$0x4400] =	vst v63  }
.LBB2_2:
0x6b: {  	s5 =	rddreg [dreg:$0x4]  }
0x6c: {  	[tilespmem:s3], [sflag:$0x1] =	stream.linear.gather [hbm4b:s5+s3], $0x1400, $0x38;
	[tilespmem:$0x4400] =	vst v63  }
0x6d: {  	_ =	swait.ge [sflag:s28], $0x1400  }
0x6e: {  	[sflag:s28] =	ssyncset.done $0x0  }
0x6f: {  	s14 =	rddreg [dreg:$0x5];
	[sflag:s28] =	ssyncadd.s32 $0xFFFFEC00  }
0x70: {  	[tilespmem:s29], [sflag:$0x1] =	stream.linear.gather [hbm4b:s14+s3], $0x1400, $0x38;
	[tilespmem:$0x4400] =	vst v63  }
0x71: {  	_ =	swait.ge [sflag:s28], $0x1400  }
0x72: {  	[sflag:s28] =	ssyncset.done $0x0  }
0x73: {  	[sflag:s28] =	ssyncadd.s32 $0xFFFFEC00  }
0x74: {  	[tilespmem:s31], [sflag:$0x2] =	stream.indirect.gather [hbm4b:s4+s30], $0x8, s3, s30, $0xb8;
	[tilespmem:$0x4400] =	vst v63  }
0x75: {  	_ =	swait.ge [sflag:s0], $0x400  }
0x76: {  	[sflag:s0] =	ssyncset.done $0x0  }
0x77: {  	[sflag:s0] =	ssyncadd.s32 $0xFFFFFC00  }
0x78: {  	[spmem:s2] =	stream.indirect.scatter.add.f32 [tilespmem:s31], [sflag:$0x4], $0x8, s29, s30, $0xb8;
	[tilespmem:$0x4400] =	vst v63  }
0x79: {  	_ = 	snop  }
0x7a: {  	[tilespmem:s1], [sflag:$0x3] =	stream.indirect.gather [hbm4b:s4+s30], $0x8, s30, s30, $0xb8;
	[tilespmem:$0x4400] =	vst v63  }
0x7b: {  	_ =	swait.ge [sflag:s6], $0x400  }
0x7c: {  	[sflag:s6] =	ssyncset.done $0x0  }
0x7d: {  	[sflag:s6] =	ssyncadd.s32 $0xFFFFFC00  }
0x7e: {  	[spmem:s2] =	stream.indirect.scatter.add.f32 [tilespmem:s1], [sflag:$0x5], $0x8, s7, s30, $0xb8;
	[tilespmem:$0x4400] =	vst v63  }
0x7f: {  	_ =	swait.ge [sflag:s8], $0x400  }
0x80: {  	[sflag:s8] =	ssyncset.done $0x0  }
0x81: {  	s13 =	simm.s32 $0xFFFFB800;
	[sflag:s8] =	ssyncadd.s32 $0xFFFFFC00  }
0x82: {  	[tilespmem:s31], [sflag:$0x2] =	stream.indirect.gather [hbm4b:s4+s30], $0x8, s9, s30, $0xb8;
	[tilespmem:$0x4400] =	vst v63  }
.LBB2_3:
0x83: {  	_ =	swait.ge [sflag:s0], $0x400  }
0x84: {  	s5 =	sshra.s32 s13, $0x2;
	[sflag:s0] =	ssyncset.done $0x0  }
0x85: {  	s14 =	sadd.s32 $0x2700, s5;
	[sflag:s0] =	ssyncadd.s32 $0xFFFFFC00  }
0x86: {  	[spmem:s2] =	stream.indirect.scatter.add.f32 [tilespmem:s31], [sflag:$0x4], $0x8, s14, s30, $0xb8;
	[tilespmem:$0x4400] =	vst v63  }
0x87: {  	_ =	swait.ge [sflag:s10], $0x400  }
0x88: {  	[sflag:s10] =	ssyncset.done $0x0  }
0x89: {  	s14 =	sadd.s32 $0x1380, s5;
	[sflag:s10] =	ssyncadd.s32 $0xFFFFFC00  }
0x8a: {  	[tilespmem:s1], [sflag:$0x3] =	stream.indirect.gather [hbm4b:s4+s30], $0x8, s14, s30, $0xb8;
	[tilespmem:$0x4400] =	vst v63  }
0x8b: {  	_ =	swait.ge [sflag:s6], $0x400  }
0x8c: {  	p1 =	seq.s32 s13, $0x0;
	[sflag:s6] =	ssyncset.done $0x0  }
.Ltmp5:
0x8d: {  	s14 =	sadd.s32 $0x2780, s5;
	[sflag:s6] =	ssyncadd.s32 $0xFFFFFC00;
	(pc) =	sbr.rel @p1 .LBB2_5-.Ltmp5, $4  }
0x8e: {  	[spmem:s2] =	stream.indirect.scatter.add.f32 [tilespmem:s1], [sflag:$0x5], $0x8, s14, s30, $0xb8;
	[tilespmem:$0x4400] =	vst v63  }
0x8f: {  	_ =	swait.ge [sflag:s8], $0x400  }
0x90: {  	[sflag:s8] =	ssyncset.done $0x0  }
0x91: {  	[sflag:s8] =	ssyncadd.s32 $0xFFFFFC00  }
.Ltmp6:
0x92: {  	(pc) =	sbr.rel .LBB2_3-.Ltmp6, $3  }
0x93: {  	_ =	sdelay $0x1  }
0x94: {  	s5 =	sadd.s32 $0x1400, s5;
	s13 =	sadd.s32 $0x400, s13  }
0x95: {  	[tilespmem:s31], [sflag:$0x2] =	stream.indirect.gather [hbm4b:s4+s30], $0x8, s5, s30, $0xb8;
	[tilespmem:$0x4400] =	vst v63  }
.LBB2_11:
0x96: {  	_ =	swait.ge [sflag:s10], $0x400  }
0x97: {  	[sflag:s10] =	ssyncset.done $0x0  }
0x98: {  	s5 =	rddreg [dreg:$0xa];
	[sflag:s10] =	ssyncadd.s32 $0xFFFFFC00  }
0x99: {  	[tilespmem:s3], [sflag:$0x1] =	stream.linear.gather [hbm4b:s5+s3], $0x1400, $0x38;
	[tilespmem:$0x4400] =	vst v63  }
0x9a: {  	_ =	swait.ge [sflag:s28], $0x1400  }
0x9b: {  	[sflag:s28] =	ssyncset.done $0x0  }
0x9c: {  	s14 =	rddreg [dreg:$0xb];
	[sflag:s28] =	ssyncadd.s32 $0xFFFFEC00  }
0x9d: {  	[tilespmem:s29], [sflag:$0x1] =	stream.linear.gather [hbm4b:s14+s3], $0x1400, $0x38;
	[tilespmem:$0x4400] =	vst v63  }
0x9e: {  	_ =	swait.ge [sflag:s28], $0x1400  }
0x9f: {  	[sflag:s28] =	ssyncset.done $0x0  }
0xa0: {  	[sflag:s28] =	ssyncadd.s32 $0xFFFFEC00  }
0xa1: {  	[tilespmem:s31], [sflag:$0x2] =	stream.indirect.gather [hbm4b:s4+s30], $0x8, s3, s30, $0xb8;
	[tilespmem:$0x4400] =	vst v63  }
0xa2: {  	_ =	swait.ge [sflag:s0], $0x400  }
0xa3: {  	[sflag:s0] =	ssyncset.done $0x0  }
0xa4: {  	[sflag:s0] =	ssyncadd.s32 $0xFFFFFC00  }
0xa5: {  	[spmem:s2] =	stream.indirect.scatter.add.f32 [tilespmem:s31], [sflag:$0x4], $0x8, s29, s30, $0xb8;
	[tilespmem:$0x4400] =	vst v63  }
0xa6: {  	_ = 	snop  }
0xa7: {  	[tilespmem:s1], [sflag:$0x3] =	stream.indirect.gather [hbm4b:s4+s30], $0x8, s30, s30, $0xb8;
	[tilespmem:$0x4400] =	vst v63  }
0xa8: {  	_ =	swait.ge [sflag:s6], $0x400  }
0xa9: {  	[sflag:s6] =	ssyncset.done $0x0  }
0xaa: {  	[sflag:s6] =	ssyncadd.s32 $0xFFFFFC00  }
0xab: {  	[spmem:s2] =	stream.indirect.scatter.add.f32 [tilespmem:s1], [sflag:$0x5], $0x8, s7, s30, $0xb8;
	[tilespmem:$0x4400] =	vst v63  }
0xac: {  	_ =	swait.ge [sflag:s8], $0x400  }
0xad: {  	[sflag:s8] =	ssyncset.done $0x0  }
0xae: {  	s13 =	simm.s32 $0xFFFFB800;
	[sflag:s8] =	ssyncadd.s32 $0xFFFFFC00  }
0xaf: {  	[tilespmem:s31], [sflag:$0x2] =	stream.indirect.gather [hbm4b:s4+s30], $0x8, s9, s30, $0xb8;
	[tilespmem:$0x4400] =	vst v63  }
.LBB2_12:
0xb0: {  	_ =	swait.ge [sflag:s0], $0x400  }
0xb1: {  	s5 =	sshra.s32 s13, $0x2;
	[sflag:s0] =	ssyncset.done $0x0  }
0xb2: {  	s14 =	sadd.s32 $0x2700, s5;
	[sflag:s0] =	ssyncadd.s32 $0xFFFFFC00  }
0xb3: {  	[spmem:s2] =	stream.indirect.scatter.add.f32 [tilespmem:s31], [sflag:$0x4], $0x8, s14, s30, $0xb8;
	[tilespmem:$0x4400] =	vst v63  }
0xb4: {  	_ =	swait.ge [sflag:s10], $0x400  }
0xb5: {  	[sflag:s10] =	ssyncset.done $0x0  }
0xb6: {  	s14 =	sadd.s32 $0x1380, s5;
	[sflag:s10] =	ssyncadd.s32 $0xFFFFFC00  }
0xb7: {  	[tilespmem:s1], [sflag:$0x3] =	stream.indirect.gather [hbm4b:s4+s30], $0x8, s14, s30, $0xb8;
	[tilespmem:$0x4400] =	vst v63  }
0xb8: {  	_ =	swait.ge [sflag:s6], $0x400  }
0xb9: {  	p1 =	seq.s32 s13, $0x0;
	[sflag:s6] =	ssyncset.done $0x0  }
.Ltmp7:
0xba: {  	s14 =	sadd.s32 $0x2780, s5;
	[sflag:s6] =	ssyncadd.s32 $0xFFFFFC00;
	(pc) =	sbr.rel @p1 .LBB2_14-.Ltmp7, $4  }
0xbb: {  	[spmem:s2] =	stream.indirect.scatter.add.f32 [tilespmem:s1], [sflag:$0x5], $0x8, s14, s30, $0xb8;
	[tilespmem:$0x4400] =	vst v63  }
0xbc: {  	_ =	swait.ge [sflag:s8], $0x400  }
0xbd: {  	[sflag:s8] =	ssyncset.done $0x0  }
0xbe: {  	[sflag:s8] =	ssyncadd.s32 $0xFFFFFC00  }
.Ltmp8:
0xbf: {  	(pc) =	sbr.rel .LBB2_12-.Ltmp8, $3  }
0xc0: {  	_ =	sdelay $0x1  }
0xc1: {  	s5 =	sadd.s32 $0x1400, s5;
	s13 =	sadd.s32 $0x400, s13  }
0xc2: {  	[tilespmem:s31], [sflag:$0x2] =	stream.indirect.gather [hbm4b:s4+s30], $0x8, s5, s30, $0xb8;
	[tilespmem:$0x4400] =	vst v63  }
.LBB2_5:
0xc3: {  	_ =	swait.ge [sflag:s10], $0x400  }
0xc4: {  	[sflag:s10] =	ssyncset.done $0x0  }
0xc5: {  	s5 =	rddreg [dreg:$0x6];
	[sflag:s10] =	ssyncadd.s32 $0xFFFFFC00  }
0xc6: {  	[tilespmem:s3], [sflag:$0x1] =	stream.linear.gather [hbm4b:s5+s3], $0x1400, $0x38;
	[tilespmem:$0x4400] =	vst v63  }
0xc7: {  	_ =	swait.ge [sflag:s28], $0x1400  }
0xc8: {  	[sflag:s28] =	ssyncset.done $0x0  }
0xc9: {  	s14 =	rddreg [dreg:$0x7];
	[sflag:s28] =	ssyncadd.s32 $0xFFFFEC00  }
0xca: {  	[tilespmem:s29], [sflag:$0x1] =	stream.linear.gather [hbm4b:s14+s3], $0x1400, $0x38;
	[tilespmem:$0x4400] =	vst v63  }
0xcb: {  	_ =	swait.ge [sflag:s28], $0x1400  }
0xcc: {  	[sflag:s28] =	ssyncset.done $0x0  }
0xcd: {  	[sflag:s28] =	ssyncadd.s32 $0xFFFFEC00  }
0xce: {  	[tilespmem:s31], [sflag:$0x2] =	stream.indirect.gather [hbm4b:s4+s30], $0x8, s3, s30, $0xb8;
	[tilespmem:$0x4400] =	vst v63  }
0xcf: {  	_ =	swait.ge [sflag:s0], $0x400  }
0xd0: {  	[sflag:s0] =	ssyncset.done $0x0  }
0xd1: {  	[sflag:s0] =	ssyncadd.s32 $0xFFFFFC00  }
0xd2: {  	[spmem:s2] =	stream.indirect.scatter.add.f32 [tilespmem:s31], [sflag:$0x4], $0x8, s29, s30, $0xb8;
	[tilespmem:$0x4400] =	vst v63  }
0xd3: {  	_ = 	snop  }
0xd4: {  	[tilespmem:s1], [sflag:$0x3] =	stream.indirect.gather [hbm4b:s4+s30], $0x8, s30, s30, $0xb8;
	[tilespmem:$0x4400] =	vst v63  }
0xd5: {  	_ =	swait.ge [sflag:s6], $0x400  }
0xd6: {  	[sflag:s6] =	ssyncset.done $0x0  }
0xd7: {  	[sflag:s6] =	ssyncadd.s32 $0xFFFFFC00  }
0xd8: {  	[spmem:s2] =	stream.indirect.scatter.add.f32 [tilespmem:s1], [sflag:$0x5], $0x8, s7, s30, $0xb8;
	[tilespmem:$0x4400] =	vst v63  }
0xd9: {  	_ =	swait.ge [sflag:s8], $0x400  }
0xda: {  	[sflag:s8] =	ssyncset.done $0x0  }
0xdb: {  	s13 =	simm.s32 $0xFFFFB800;
	[sflag:s8] =	ssyncadd.s32 $0xFFFFFC00  }
0xdc: {  	[tilespmem:s31], [sflag:$0x2] =	stream.indirect.gather [hbm4b:s4+s30], $0x8, s9, s30, $0xb8;
	[tilespmem:$0x4400] =	vst v63  }
.LBB2_6:
0xdd: {  	_ =	swait.ge [sflag:s0], $0x400  }
0xde: {  	s5 =	sshra.s32 s13, $0x2;
	[sflag:s0] =	ssyncset.done $0x0  }
0xdf: {  	s14 =	sadd.s32 $0x2700, s5;
	[sflag:s0] =	ssyncadd.s32 $0xFFFFFC00  }
0xe0: {  	[spmem:s2] =	stream.indirect.scatter.add.f32 [tilespmem:s31], [sflag:$0x4], $0x8, s14, s30, $0xb8;
	[tilespmem:$0x4400] =	vst v63  }
0xe1: {  	_ =	swait.ge [sflag:s10], $0x400  }
0xe2: {  	[sflag:s10] =	ssyncset.done $0x0  }
0xe3: {  	s14 =	sadd.s32 $0x1380, s5;
	[sflag:s10] =	ssyncadd.s32 $0xFFFFFC00  }
0xe4: {  	[tilespmem:s1], [sflag:$0x3] =	stream.indirect.gather [hbm4b:s4+s30], $0x8, s14, s30, $0xb8;
	[tilespmem:$0x4400] =	vst v63  }
0xe5: {  	_ =	swait.ge [sflag:s6], $0x400  }
0xe6: {  	p1 =	seq.s32 s13, $0x0;
	[sflag:s6] =	ssyncset.done $0x0  }
.Ltmp9:
0xe7: {  	s14 =	sadd.s32 $0x2780, s5;
	[sflag:s6] =	ssyncadd.s32 $0xFFFFFC00;
	(pc) =	sbr.rel @p1 .LBB2_14-.Ltmp9, $4  }
0xe8: {  	[spmem:s2] =	stream.indirect.scatter.add.f32 [tilespmem:s1], [sflag:$0x5], $0x8, s14, s30, $0xb8;
	[tilespmem:$0x4400] =	vst v63  }
0xe9: {  	_ =	swait.ge [sflag:s8], $0x400  }
0xea: {  	[sflag:s8] =	ssyncset.done $0x0  }
0xeb: {  	[sflag:s8] =	ssyncadd.s32 $0xFFFFFC00  }
.Ltmp10:
0xec: {  	(pc) =	sbr.rel .LBB2_6-.Ltmp10, $3  }
0xed: {  	_ =	sdelay $0x1  }
0xee: {  	s5 =	sadd.s32 $0x1400, s5;
	s13 =	sadd.s32 $0x400, s13  }
0xef: {  	[tilespmem:s31], [sflag:$0x2] =	stream.indirect.gather [hbm4b:s4+s30], $0x8, s5, s30, $0xb8;
	[tilespmem:$0x4400] =	vst v63  }
.LBB2_15:
0xf0: {  	_ =	sfence.sel $0x180000  }
0xf1: {  	[bflag:$0x0] =	sbarrier.arrive $0xFFFF  }
0xf2: {  	_ =	strace $0x9000004D  }
0xf3: {  	s0 =	stileid.u32;
	[bflag:$0x2] =	sbarrier.arrive $0xFFFF  }
0xf4: {  	p0 =	sne.s32 s0, $0x0;
	s0 =	rddreg [dreg:$0x2]  }
0xf5: {  	s0 =	sadd.s32 @!p0 $0x100000, s0  }
0xf6: {  	[sflag:s0] =	ssyncadd.tile.s32 @!p0 $0x1;
	_ =	shalt  }
.Lfunc_end2:
_tile_overlayer_lowered:
.L_overlay_start_2:
0xf7: {  	(tag) =	ssettag $0x2  }
0xf8: {  	s0 =	rddreg [dreg:$0x0];
	s2 =	stileid.u32  }
0xf9: {  	s1 =	rddreg [dreg:$0x1];
	p0 =	sne.s32 s2, $0x0  }
0xfa: {  	s3 =	rddreg [dreg:$0x2];
	[bflag:$0x3] =	sbarrier.arrive $0xFFFF;
	s2 =	simm.s32 @!p0 $0x1C06  }
0xfb: {  	[timem:s3], [sflag:s2] =	dma.local @!p0 [hbm:s0], s1  }
0xfc: {  	s0 =	simm.s32 @!p0 $0x6  }
0xfd: {  	_ =	swait.ge @!p0 [sflag:s0], s1  }
0xfe: {  	s1 =	ssub.s32 @!p0 $0x0, s1;
	[sflag:s0] =	ssyncset.done @!p0 $0x0  }
0xff: {  	[sflag:s0] =	ssyncadd.s32 @!p0 s1  }
0x100: {  	[bflag:$0x3] =	sbarrier.arrive $0xFFFF  }
0x101: {  	_ =	shalt  }

// kernel: kernel.9.cloned.1.call-start
scs
__scs_entry_jumppad:
0x0: {  	(pc) =	sbr.rel $0x88, $3  }
0x1: {  	(tag) =	ssettag $0x0;
	lr =	simm.s32 $0x1  }
0x2: {  	[smem:$0x3F9B] =	sst lr;
	_ =	strace $0xD0000000  }
0x3: {  	_ = 	snop  }
0x4: {  	_ = 	snop  }
0x5: {  	_ = 	snop  }
0x6: {  	_ = 	snop  }
0x7: {  	_ = 	snop  }
__scs_overlays_trampoline_lowered:
0x8: {  	[smem:$0x3FAA] =	sst s0  }
0x9: {  	[smem:$0x3FAB] =	sst s1  }
0xa: {  	[smem:$0x3FAC] =	sst s2  }
0xb: {  	[smem:$0x3FAD] =	sst s3  }
0xc: {  	[smem:$0x3FAE] =	sst s4  }
0xd: {  	[smem:$0x3FAF] =	sst s5  }
0xe: {  	[smem:$0x3FB0] =	sst s6  }
0xf: {  	[smem:$0x3FB1] =	sst s7  }
0x10: {  	[smem:$0x3FB2] =	sst s8  }
0x11: {  	[smem:$0x3FB3] =	sst s9;
	s0 =	simm.s32 @!p0 $0x0  }
0x12: {  	s1 =	sld [smem:$0x3F99];
	s0 =	simm.s32 @p0 $0x1  }
0x13: {  	[smem:$0x3FB4] =	sst s0;
	s0 =	simm.s32 @!p1 $0x0  }
0x14: {  	s2 =	sld [smem:$0x3F98];
	s0 =	simm.s32 @p1 $0x1  }
0x15: {  	[smem:$0x3FB5] =	sst s0;
	s0 =	simm.s32 @!p2 $0x0  }
0x16: {  	s3 =	sld [smem:$0x3FDB];
	s0 =	simm.s32 @p2 $0x1  }
0x17: {  	s4 =	simm.s32 $0x1BF5;
	[smem:$0x3FB7] =	sst s0  }
0x18: {  	s0 =	sld [smem:$0x3F9A];
	_ =	swait.ge [sflag:s4], $0x0  }
0x19: {  	s7 =	sld [smem:$0x3F9B]  }
0x1a: {  	s8 =	sadd.s32 $0xFFFFE003, lr  }
0x1b: {  	s9 =	sadd.s32 $0xFFFFFEF7, lr;
	s5 =	simm.s32 $0xFFFFFFFF;
	p2 =	slt.u32 s8, $0xFFFFF086  }
0x1c: {  	p1 =	slt.u32 s9, $0xF7A;
	s5 =	simm.s32 @!p2 $0x0  }
0x1d: {  	s5 =	simm.s32 @p1 $0x1;
	p0 =	seq.s32 s7, s2  }
0x1e: {  	s7 =	smul.u32 @!p0 $0xF7A, s2;
	p2 =	seq.s32 @!p0 s5, $0x0  }
0x1f: {  	s9 =	smul.u32 $0xF7A, s1;
	s8 =	simm.s32 @!p0 $0x1BF5;
	p2 =	por !p2, p0  }
0x20: {  	[sflag:s8] =	ssyncset.s32 @!p0 $0xFFFFF086;
	s6 =	sadd.s32 @!p0 s3, s7;
	s7 =	simm.s32 @!p0 $0x108  }
0x21: {  	s3 =	sadd.s32 s3, s9;
	s6 =	sadd.s32 @!p0 $0x88, s6;
	s7 =	simm.s32 @p2 $0x1082  }
0x22: {  	[simem:s7], [sflag:s8] =	dma.local @!p0 [hbm:s6], $0xF7A  }
0x23: {  	s9 =	sor.u32 $0xD0000000, s2;
	s6 =	simm.s32 $0x108;
	_ =	swait.ge @!p0 [sflag:s8], $0x0  }
0x24: {  	s3 =	sadd.s32 $0x88, s3;
	s6 =	simm.s32 @!p1 $0x1082;
	[sflag:s4] =	ssyncset.s32 $0xFFFFF086  }
0x25: {  	[simem:s6], [sflag:s4] =	dma.local [hbm:s3], $0xF7A  }
0x26: {  	[smem:$0x3F9B] =	sst s1;
	(tag) =	ssettag s2;
	_ =	strace s9  }
0x27: {  	s1 =	sld [smem:$0x3FAB]  }
0x28: {  	s2 =	sld [smem:$0x3FAC]  }
0x29: {  	s4 =	sld [smem:$0x3FAE]  }
0x2a: {  	p0 =	seq.s32 s5, $0x0;
	s5 =	sld [smem:$0x3FAF]  }
0x2b: {  	s6 =	sld [smem:$0x3FB0]  }
0x2c: {  	s7 =	sld [smem:$0x3FB1]  }
0x2d: {  	s3 =	simm.s32 $0x108;
	s8 =	sld [smem:$0x3FB2]  }
0x2e: {  	s3 =	simm.s32 @!p0 $0x1082;
	s9 =	sld [smem:$0x3FB3]  }
0x2f: {  	lr =	sadd.s32 s0, s3;
	s0 =	sld [smem:$0x3FAA]  }
0x30: {  	s3 =	sld [smem:$0x3FAD]  }
0x31: {  	[smem:$0x3FB6] =	sst s10  }
0x32: {  	s10 =	sld [smem:$0x3FB4];
	_ =	sdelay $0x3  }
0x33: {  	p0 =	seq.s32 s10, $0x1;
	s10 =	sld [smem:$0x3FB6];
	_ =	sdelay $0x3  }
0x34: {  	[smem:$0x3FB6] =	sst s10  }
0x35: {  	s10 =	sld [smem:$0x3FB5];
	_ =	sdelay $0x3  }
0x36: {  	p1 =	seq.s32 s10, $0x1;
	s10 =	sld [smem:$0x3FB6];
	_ =	sdelay $0x3  }
0x37: {  	[smem:$0x3FB6] =	sst s10  }
0x38: {  	s10 =	sld [smem:$0x3FB7]  }
0x39: {  	_ = 	snop;
	(pc) =	sbr.ind lr, $3  }
0x3a: {  	_ = 	snop  }
0x3b: {  	_ = 	snop  }
0x3c: {  	p2 =	seq.s32 s10, $0x1;
	s10 =	sld [smem:$0x3FB6]  }
0x3d: {  	_ =	shalt  }
0x3e: {  	_ =	shalt  }
0x3f: {  	_ =	shalt  }
0x40: {  	_ =	shalt  }
0x41: {  	_ =	shalt  }
0x42: {  	_ =	shalt  }
0x43: {  	_ =	shalt  }
0x44: {  	_ =	shalt  }
0x45: {  	_ =	shalt  }
0x46: {  	_ =	shalt  }
0x47: {  	_ =	shalt  }
0x48: {  	_ =	shalt  }
0x49: {  	_ =	shalt  }
0x4a: {  	_ =	shalt  }
0x4b: {  	_ =	shalt  }
0x4c: {  	_ =	shalt  }
0x4d: {  	_ =	shalt  }
0x4e: {  	_ =	shalt  }
0x4f: {  	_ =	shalt  }
0x50: {  	_ =	shalt  }
0x51: {  	_ =	shalt  }
0x52: {  	_ =	shalt  }
0x53: {  	_ =	shalt  }
0x54: {  	_ =	shalt  }
0x55: {  	_ =	shalt  }
0x56: {  	_ =	shalt  }
0x57: {  	_ =	shalt  }
0x58: {  	_ =	shalt  }
0x59: {  	_ =	shalt  }
0x5a: {  	_ =	shalt  }
0x5b: {  	_ =	shalt  }
0x5c: {  	_ =	shalt  }
0x5d: {  	_ =	shalt  }
0x5e: {  	_ =	shalt  }
0x5f: {  	_ =	shalt  }
0x60: {  	_ =	shalt  }
0x61: {  	_ =	shalt  }
0x62: {  	_ =	shalt  }
0x63: {  	_ =	shalt  }
0x64: {  	_ =	shalt  }
0x65: {  	_ =	shalt  }
0x66: {  	_ =	shalt  }
0x67: {  	_ =	shalt  }
0x68: {  	_ =	shalt  }
0x69: {  	_ =	shalt  }
0x6a: {  	_ =	shalt  }
0x6b: {  	_ =	shalt  }
0x6c: {  	_ =	shalt  }
0x6d: {  	_ =	shalt  }
0x6e: {  	_ =	shalt  }
0x6f: {  	_ =	shalt  }
0x70: {  	_ =	shalt  }
0x71: {  	_ =	shalt  }
0x72: {  	_ =	shalt  }
0x73: {  	_ =	shalt  }
0x74: {  	_ =	shalt  }
0x75: {  	_ =	shalt  }
0x76: {  	_ =	shalt  }
0x77: {  	_ =	shalt  }
0x78: {  	_ =	shalt  }
0x79: {  	_ =	shalt  }
0x7a: {  	_ =	shalt  }
0x7b: {  	_ =	shalt  }
0x7c: {  	_ =	shalt  }
0x7d: {  	_ =	shalt  }
0x7e: {  	_ =	shalt  }
0x7f: {  	_ =	shalt  }
0x80: {  	_ =	shalt  }
0x81: {  	_ =	shalt  }
0x82: {  	_ =	shalt  }
0x83: {  	_ =	shalt  }
0x84: {  	_ =	shalt  }
0x85: {  	_ =	shalt  }
0x86: {  	_ =	shalt  }
0x87: {  	_ =	shalt  }
.Lfunc_end0:
.L_simem_size_0:
called_computation_lowered:
.L_overlay_start_0:
0x88: {  	s2 =	sld [smem:$0x3FD9]  }
0x89: {  	s3 =	sld [smem:$0x3FFE];
	_ =	sdelay $0x1  }
0x8a: {  	s1 =	srdreg.scid  }
0x8b: {  	s0 =	sand.u32 $0x1, s1  }
0x8c: {  	s16 =	sshll.u32 s0, $0xA;
	s2 =	sadd.s32 s3, s2  }
0x8d: {  	s2 =	sadd.s32 s2, s16  }
0x8e: {  	[smem:$0x3FC2] =	sst s2  }
0x8f: {  	_ = 	snop  }
0x90: {  	(tm) =	ssettm $0x1  }
0x91: {  	s17 =	sld [smem:$0x3FFB];
	_ =	sdelay $0x3  }
0x92: {  	_ =	strace s17  }
0x93: {  	s2 =	sld [smem:$0x3FFC];
	_ =	sdelay $0x3  }
0x94: {  	_ =	strace s2  }
0x95: {  	s2 =	sld [smem:$0x3FFD];
	_ =	sdelay $0x3  }
0x96: {  	_ =	strace s2  }
0x97: {  	_ =	strace $0x8FFFFFFF  }
0x98: {  	s18 =	sld [smem:$0x3FDB];
	_ =	sdelay $0x1  }
0x99: {  	s19 =	simm.s32 $_scs_section_size  }
0x9a: {  	s4 =	simm.s32 $_size__tile_overlayer_lowered;
	s5 =	simm.s32 $_tile_overlayer_lowered  }
0x9b: {  	s22 =	simm.s32 $0x1BFF;
	s21 =	sshll.u32 s5, $0x1;
	s2 =	sadd.s32 s19, s18  }
0x9c: {  	s6 =	simm.s32 $0x0;
	s20 =	sshll.u32 s4, $0x1;
	s4 =	sadd.s32 s21, s2  }
0x9d: {  	[timem:s6], [sflag:s22] =	dma.local [hbm:s4], s20  }
0x9e: {  	_ =	swait.ge [sflag:s22], s20  }
0x9f: {  	s3 =	ssub.s32 $0x0, s20;
	[sflag:s22] =	ssyncset.done $0x0  }
0xa0: {  	[sflag:s22] =	ssyncadd.s32 s3;
	_ =	sdelay $0x1  }
0xa1: {  	s23 =	simm.s32 $0x1B8B  }
0xa2: {  	_ =	swait.ge [sflag:s23], $0x1  }
0xa3: {  	[sflag:s23] =	ssyncset.done $0x0  }
0xa4: {  	s25 =	simm.s32 $0x1B8E;
	s24 =	sld [smem:$0x3FFE];
	[sflag:s23] =	ssyncadd.s32 $0xFFFFFFFF  }
0xa5: {  	s26 =	simm.s32 $execute0_lowered;
	[smem:$0x3FD2] =	sst s25  }
0xa6: {  	s4 =	sshll.u32 s26, $0x1;
	_ =	strace $0x80000046;
	[dreg:$0x1] =	wrdreg $0xFFFFFFFF  }
0xa7: {  	s28 =	simm.s32 $_size_execute0_lowered;
	s2 =	sadd.s32 s2, s4;
	[dreg:$0x0] =	wrdreg $0x0  }
0xa8: {  	s4 =	sshll.u32 s28, $0x1;
	[dreg:$0x2] =	wrdreg s2  }
0xa9: {  	[dreg:$0x3] =	wrdreg s4  }
0xaa: {  	[dreg:$0x4] =	wrdreg $0xC0  }
0xab: {  	_ =	task [dreg:s6], $0x5FFFF  }
0xac: {  	[dreg:$0x1] =	wrdreg $0xFFFFFFFF  }
0xad: {  	[dreg:$0x0] =	wrdreg $0x60  }
0xae: {  	[dreg:$0x2] =	wrdreg s24  }
0xaf: {  	[dreg:$0x3] =	wrdreg $0x9  }
0xb0: {  	_ =	task.clear_ibuf [dreg:s6], $0x4FFFF;
	_ =	strace $0x90000046  }
0xb1: {  	s29 =	simm.s32 $0x9;
	_ =	strace $0x80000048  }
0xb2: {  	_ =	swait.ge [sflag:s29], $0x1  }
0xb3: {  	[sflag:s29] =	ssyncadd.s32 $0xFFFFFFFF  }
0xb4: {  	_ =	strace $0x90000048  }
0xb5: {  	_ =	sfence  }
0xb6: {  	s30 =	sld [smem:$0x0];
	_ =	sdelay $0x2  }
0xb7: {  	s31 =	sshll.u32 s1, $0xD;
	s1 =	sshrl.u32 s1, $0x2  }
0xb8: {  	s3 =	sand.u32 $0x4000, s31;
	s1 =	sadd.s32 s1, s30  }
0xb9: {  	s0 =	sor.u32 s3, s0;
	s1 =	sshll.u32 s1, $0x11  }
0xba: {  	s0 =	sor.u32 s1, s0  }
0xbb: {  	s0 =	sadd.s32 $0x8F2B, s0  }
0xbc: {  	[sflag:s0] =	ssyncadd.remote.s32 $0x1  }
0xbd: {  	_ =	sfence.sel $0xFFFF  }
0xbe: {  	[dreg:$0x0] =	wrdreg $0xFFFFFFFF;
	(pc) =	sbr.abs _section_cstart, $3  }
0xbf: {  	[dreg:$0x1] =	wrdreg $0xFFFFFFFF  }
0xc0: {  	_ =	task.clear_ibuf [dreg:s6], $0x2FFFF;
	_ =	strace $0x9FFFFFFF  }
0xc1: {  	(tm) =	ssettm $0x7FFFFFFF  }
tec
execute0_lowered:
.L_overlay_start_1:
0x0: {  	(tag) =	ssettag $0x1  }
0x1: {  	s0 =	srdreg.scid  }
0x2: {  	s4 =	rddreg [dreg:$0x0];
	s2 =	simm.s32 $0x0;
	s3 =	sand.u32 $0x1, s0  }
0x3: {  	s6 =	simm.s32 $0x1;
	s0 =	stileid.u32;
	s1 =	sshll.u32 s3, $0x4  }
0x4: {  	s7 =	simm.s32 $0x2800;
	s8 =	simm.s32 $0x2;
	s1 =	sor.u32 s0, s1  }
0x5: {  	[smem:$0x7FF] =	sst s2;
	s3 =	ssub.s32 $0x2, s3;
	s5 =	smul.u32 $0x500, s1  }
0x6: {  	s9 =	simm.s32 $0x0;
	s31 =	sshrl.u32 s3, $0x1;
	s1 =	rddreg [dreg:$0x1]  }
0x7: {  	_ =	strace $0x80000047;
	s4 =	sadd.s32 s5, s4;
	s5 =	ssub.s32 s3, s31  }
0x8: {  	v0 =	vimm.f32 $0.0e+00;
	v1 =	vimm.f32 $1.000000000e+00;
	s3 =	sadd.s32 $0x16200, s4;
	s4 =	sadd.s32 $0x2A200, s4;
	s5 =	smax.u32 s5, $0x1  }
.LBB2_1:
0x9: {  	[tilespmem:s2], [sflag:$0x1] =	stream.linear.gather [hbm4b:s3+s2], $0x2800, $0x38;
	[tilespmem:$0x5000] =	vst v63  }
0xa: {  	s10 =	simm.s32 $0x40;
	s11 =	simm.s32 $0x0  }
.LBB2_2:
0xb: {  	p0 =	sne.s32 s10, $0x9FC0;
	[tilespmem:s11+$0x2800] =	vst v0;
	s11 =	smov.u32 s10;
	s10 =	sadd.s32 $0x40, s10  }
.Ltmp0:
0xc: {  	(pc) =	sbr.rel @p0 .LBB2_2-.Ltmp0, $2  }
0xd: {  	_ =	sdelay $0x2  }
0xe: {  	s11 =	sshra.s32 s11, $0x2  }
0xf: {  	[tilespmem:s11+$0x2800] =	vst v0  }
0x10: {  	_ =	swait.ge [sflag:s6], $0x2800  }
0x11: {  	[sflag:s6] =	ssyncset.done $0x0  }
0x12: {  	s10 =	simm.s32 $0x1C0;
	[sflag:s6] =	ssyncadd.s32 $0xFFFFD800  }
.LBB2_4:
0x13: {  	s11 =	sshra.s32 s10, $0x2  }
0x14: {  	v2 =	vld [tilespmem:s11+$0xFFFFFF90];
	_ =	sdelay $0x7  }
0x15: {  	[tilespmem:v2+s7+$0x0] =	vst.idx.add.f32.msk $0xffff, v1  }
0x16: {  	v2 =	vld [tilespmem:s11+$0xFFFFFFA0];
	_ =	sdelay $0x7  }
0x17: {  	[tilespmem:v2+s7+$0x0] =	vst.idx.add.f32.msk $0xffff, v1  }
0x18: {  	v2 =	vld [tilespmem:s11+$0xFFFFFFB0];
	_ =	sdelay $0x7  }
0x19: {  	[tilespmem:v2+s7+$0x0] =	vst.idx.add.f32.msk $0xffff, v1  }
0x1a: {  	v2 =	vld [tilespmem:s11+$0xFFFFFFC0];
	_ =	sdelay $0x7  }
0x1b: {  	[tilespmem:v2+s7+$0x0] =	vst.idx.add.f32.msk $0xffff, v1  }
0x1c: {  	v2 =	vld [tilespmem:s11+$0xFFFFFFD0];
	_ =	sdelay $0x7  }
0x1d: {  	[tilespmem:v2+s7+$0x0] =	vst.idx.add.f32.msk $0xffff, v1  }
0x1e: {  	v2 =	vld [tilespmem:s11+$0xFFFFFFE0];
	_ =	sdelay $0x7  }
0x1f: {  	[tilespmem:v2+s7+$0x0] =	vst.idx.add.f32.msk $0xffff, v1  }
0x20: {  	v2 =	vld [tilespmem:s11+$0xFFFFFFF0];
	_ =	sdelay $0x7  }
0x21: {  	[tilespmem:v2+s7+$0x0] =	vst.idx.add.f32.msk $0xffff, v1  }
0x22: {  	v2 =	vld [tilespmem:s11+$0x0];
	_ =	sdelay $0x2  }
0x23: {  	p0 =	sne.s32 s10, $0x9FC0  }
.Ltmp1:
0x24: {  	_ = 	snop;
	(pc) =	sbr.rel @p0 .LBB2_4-.Ltmp1, $2  }
0x25: {  	_ =	sdelay $0x2  }
0x26: {  	s10 =	sadd.s32 $0x200, s10;
	[tilespmem:v2+s7+$0x0] =	vst.idx.add.f32.msk $0xffff, v1  }
0x27: {  	s9 =	sadd.s32 $0x1, s9  }
0x28: {  	p0 =	sne.s32 s9, s5  }
.Ltmp2:
0x29: {  	_ = 	snop;
	(pc) =	sbr.rel @p0 .LBB2_1-.Ltmp2, $4  }
0x2a: {  	[hbm4b:s4+s2] =	stream.linear.scatter [tilespmem:s7], [sflag:$0x2], $0x2800, $0x38;
	[tilespmem:$0x5000] =	vst v63  }
0x2b: {  	_ =	swait.ge [sflag:s8], $0x2800  }
0x2c: {  	[sflag:s8] =	ssyncset.done $0x0  }
0x2d: {  	[sflag:s8] =	ssyncadd.s32 $0xFFFFD800  }
0x2e: {  	_ =	sfence.sel $0x180000  }
0x2f: {  	[bflag:$0x0] =	sbarrier.arrive $0xFFFF  }
0x30: {  	p0 =	sne.s32 s0, $0x0;
	_ =	strace $0x90000047  }
0x31: {  	s0 =	sadd.s32 @!p0 $0x100000, s1;
	[bflag:$0x2] =	sbarrier.arrive $0xFFFF  }
0x32: {  	[sflag:s0] =	ssyncadd.tile.s32 @!p0 $0x1;
	_ =	shalt  }
.Lfunc_end2:
_tile_overlayer_lowered:
.L_overlay_start_2:
0x33: {  	(tag) =	ssettag $0x2  }
0x34: {  	s0 =	rddreg [dreg:$0x0];
	s2 =	stileid.u32  }
0x35: {  	s1 =	rddreg [dreg:$0x1];
	p0 =	sne.s32 s2, $0x0  }
0x36: {  	s3 =	rddreg [dreg:$0x2];
	[bflag:$0x3] =	sbarrier.arrive $0xFFFF;
	s2 =	simm.s32 @!p0 $0x1C02  }
0x37: {  	[timem:s3], [sflag:s2] =	dma.local @!p0 [hbm:s0], s1  }
0x38: {  	s0 =	simm.s32 @!p0 $0x2  }
0x39: {  	_ =	swait.ge @!p0 [sflag:s0], s1  }
0x3a: {  	s1 =	ssub.s32 @!p0 $0x0, s1;
	[sflag:s0] =	ssyncset.done @!p0 $0x0  }
0x3b: {  	[sflag:s0] =	ssyncadd.s32 @!p0 s1  }
0x3c: {  	[bflag:$0x3] =	sbarrier.arrive $0xFFFF  }
0x3d: {  	_ =	shalt  }

</sc_bundles>
